<compile_context>
chip_gen: v7x
topology: tpu7x:2x2x1
jax: 0.10.2.dev20260603
libtpu: 0.0.44.dev20260713+nightly
codegen_flags: <defaults>
</compile_context>

<pallas_src>
import functools

import jax
import jax.numpy as jnp
from jax import lax
from jax.experimental import pallas as pl
from jax.experimental.pallas import tpu as pltpu
from jax.experimental.pallas import tpu_sc as plsc

NR_GROUPS = 16
OUT_DIM = 128
KW = 16
BS, CH, T = 32, 64, 128
T_OUT = T - KW + 1
N = BS * CH

_NC = 2
_NS = 16
_NW = _NC * _NS
_ROWS_PER_TILE = N // _NW
_SEG_ROWS = BS * NR_GROUPS
_SEG_PER_TILE = _SEG_ROWS // _NW


def _seg_sum_body(x_hbm, gid_hbm, out_hbm, idx_v, rows_v, acc_v, sem_i, sem_r):
    wid = lax.axis_index("s") * _NC + lax.axis_index("c")
    row_base = wid * _ROWS_PER_TILE
    cp_idx = pltpu.async_copy(gid_hbm.at[pl.ds(row_base, _ROWS_PER_TILE)],
                              idx_v.at[pl.ds(0, _ROWS_PER_TILE)], sem_i)
    cp_rows = pltpu.async_copy(x_hbm.at[pl.ds(row_base * T, _ROWS_PER_TILE * T)],
                               rows_v, sem_r)
    zv = jnp.zeros((16,), jnp.float32)
    for j in range(NR_GROUPS * T // 16):
        acc_v[pl.ds(j * 16, 16)] = zv
    cp_idx.wait()
    cp_rows.wait()
    @plsc.parallel_loop(0, _ROWS_PER_TILE, 1, unroll=16)
    def _acc_loop(ch):
        gv = idx_v[pl.ds(ch, 16)]
        base = gv[0] * T
        for j in range(T // 16):
            plsc.addupdate(acc_v.at[pl.ds(base + 16 * j, 16)],
                           rows_v[pl.ds(ch * T + 16 * j, 16)])
    pltpu.sync_copy(acc_v, out_hbm.at[pl.ds(wid * _SEG_PER_TILE * T,
                                            _SEG_PER_TILE * T)])


@functools.cache
def _get_seg_sum():
    return pl.kernel(
        _seg_sum_body,
        mesh=plsc.VectorSubcoreMesh(core_axis_name="c", subcore_axis_name="s"),
        out_type=jax.ShapeDtypeStruct((_SEG_ROWS * T,), jnp.float32),
        scratch_types=[
            pltpu.VMEM((_ROWS_PER_TILE + 16,), jnp.int32),
            pltpu.VMEM((_ROWS_PER_TILE * T,), jnp.float32),
            pltpu.VMEM((NR_GROUPS * T,), jnp.float32),
            pltpu.SemaphoreType.DMA,
            pltpu.SemaphoreType.DMA,
        ],
    )


def _conv_body(xsum_ref, gid_ref, wmt_ref, b0_ref, out_ref):
    xs = xsum_ref[...]
    wmt = wmt_ref[...]
    b0 = b0_ref[...]
    gid = gid_ref[...]
    cnt = jnp.sum((gid == 0).astype(jnp.float32), axis=1, keepdims=True)
    for b in range(BS):
        xb = xs[b * NR_GROUPS:(b + 1) * NR_GROUPS, :]
        winT = jnp.concatenate(
            [xb[:, k:k + T_OUT] for k in range(KW)], axis=0)
        ob_t = lax.dot_general(winT, wmt, (((0,), (0,)), ((), ())),
                               preferred_element_type=jnp.float32)
        out_ref[:, b * OUT_DIM:(b + 1) * OUT_DIM] = (
            ob_t + cnt[b:b + 1, 0:1] * b0)


_conv = pl.pallas_call(
    _conv_body,
    out_shape=jax.ShapeDtypeStruct((T_OUT, BS * OUT_DIM), jnp.float32),
)


def kernel(x, group_idxs, W, bias0):
    x_flat = x.reshape(N * T)
    xsum = _get_seg_sum()(x_flat, group_idxs.reshape(N)).reshape(_SEG_ROWS, T)
    wmt = jnp.transpose(W, (2, 0, 1)).reshape(NR_GROUPS * KW, OUT_DIM)
    b0r = bias0.reshape(1, OUT_DIM)
    out3 = _conv(xsum, group_idxs, wmt, b0r)
    return jnp.transpose(out3.reshape(T_OUT, BS, OUT_DIM), (1, 2, 0))

# --- scband reference (transcript-rebuilt; emitter-appended) ---
"""Pipeline reference for scband-grouped-idx-conv1-d-47476568490423 (READ-ONLY COPY).

The authoritative reference and input builder live on the scoring server;
editing this copy changes nothing except your own understanding.
"""

import jax, jax.numpy as jnp
import numpy as np

NR_GROUPS = 16
OUT_DIM = 128
KERNEL = 16
BS, CH, T = 32, 64, 128


def setup_inputs(seed: int = 0) -> dict:
    key = jax.random.key(seed)
    k1, k2, k3, k4 = jax.random.split(key, 4)
    x = jax.random.normal(k1, (BS, CH, T), dtype=jnp.float32)
    group_idxs = jax.random.randint(k2, (BS, CH), 0, NR_GROUPS, dtype=jnp.int32)
    # learned params: one Conv1d(1, OUT_DIM, KERNEL) per group; bias only for group 0
    W = jax.random.normal(k3, (NR_GROUPS, OUT_DIM, KERNEL), dtype=jnp.float32) * 0.1
    bias0 = jax.random.normal(k4, (OUT_DIM,), dtype=jnp.float32) * 0.1
    return {"x": x, "group_idxs": group_idxs, "W": W, "bias0": bias0}


def reference(x, group_idxs, W, bias0):
    bs, ch, T = x.shape
    nr_groups, out_dim, k = W.shape
    T_out = T - k + 1  # valid conv, stride 1, no padding (torch Conv1d defaults)
    N = bs * ch
    x_r = x.reshape(N, T)
    gid = group_idxs.reshape(N)
    # route: gather per-token expert kernel (SparseCore gather)
    Wg = jnp.take(W, gid, axis=0)  # [N, out_dim, k]
    # extract sliding windows [N, T_out, k]
    win_idx = jnp.arange(T_out)[:, None] + jnp.arange(k)[None, :]
    x_win = x_r[:, win_idx]
    # per-token conv with its group's kernel
    out = jnp.einsum('ntk,nok->not', x_win, Wg)  # [N, out_dim, T_out]
    # bias only applied to tokens routed to group 0 (matches torch module)
    out = out + (gid == 0).astype(x.dtype)[:, None, None] * bias0[None, :, None]
    out = out.reshape(bs, ch, out_dim, T_out)
    return jnp.sum(out, axis=1)  # [bs, out_dim, T_out]

if __name__ == "__main__":
    import jax
    _d = setup_inputs()
    print(jax.jit(kernel)(*tuple(_d.values())))

</pallas_src>

<mosaic_0001>
#map = affine_map<(d0, d1) -> (0)>
module attributes {stable_mosaic.version = 14 : i64} {
  func.func @_seg_sum_body(%arg0: i32, %arg1: i32, %arg2: memref<262144xf32, #tpu.memory_space<hbm>>, %arg3: memref<2048xi32, #tpu.memory_space<hbm>>, %arg4: memref<65536xf32, #tpu.memory_space<hbm>>, %arg5: memref<80xi32, #tpu.memory_space<vmem>>, %arg6: memref<8192xf32, #tpu.memory_space<vmem>>, %arg7: memref<2048xf32, #tpu.memory_space<vmem>>, %arg8: memref<!tpu.dma_semaphore, #tpu.memory_space<semaphore_mem>>, %arg9: memref<!tpu.dma_semaphore, #tpu.memory_space<semaphore_mem>>) attributes {dimension_semantics = [#tpu.dimension_semantics<core_parallel>, #tpu.dimension_semantics<subcore_parallel>], iteration_bounds = array<i64: 2, 16>, scalar_prefetch = 0 : i64, scratch_operands = 5 : i64, tpu.core_type = #tpu.core_type<sc_vector_subcore>, window_params = [{transform_indices = #map}, {transform_indices = #map}, {transform_indices = #map}]} {
    %mul3A = arith.constant 2 : i32
    %mul3A_0 = arith.muli %arg1, %mul3A : i32
    %add3A = arith.addi %mul3A_0, %arg0 : i32
    %mul3A_1 = arith.constant 64 : i32
    %mul3A_2 = arith.muli %add3A, %mul3A_1 : i32
    %dma_start3A = arith.constant 0 : i32
    %dma_start3A_3 = tpu.memref_slice %arg5[%dma_start3A] : memref<80xi32, #tpu.memory_space<vmem>> -> memref<64xi32, #tpu.memory_space<vmem>>
    %dma_start3A_4 = tpu.memref_slice %arg3[%mul3A_2] : memref<2048xi32, #tpu.memory_space<hbm>> -> memref<64xi32, #tpu.memory_space<hbm>>
    %dma_start3A_5 = arith.constant 0 : i32
    %dma_start3A_6 = tpu.memref_slice %arg5[%dma_start3A_5] : memref<80xi32, #tpu.memory_space<vmem>> -> memref<64xi32, #tpu.memory_space<vmem>>
    %dma_start3A_7 = tpu.memref_slice %arg3[%mul3A_2] : memref<2048xi32, #tpu.memory_space<hbm>> -> memref<64xi32, #tpu.memory_space<hbm>>
    tpu.enqueue_dma source(%dma_start3A_7 : memref<64xi32, #tpu.memory_space<hbm>>) target(%dma_start3A_6 : memref<64xi32, #tpu.memory_space<vmem>>) target_semaphore(%arg8 : memref<!tpu.dma_semaphore, #tpu.memory_space<semaphore_mem>>)
    %mul3A_8 = arith.constant 128 : i32
    %mul3A_9 = arith.muli %mul3A_2, %mul3A_8 : i32
    %dma_start3A_10 = tpu.memref_slice %arg2[%mul3A_9] : memref<262144xf32, #tpu.memory_space<hbm>> -> memref<8192xf32, #tpu.memory_space<hbm>>
    %dma_start3A_11 = tpu.memref_slice %arg2[%mul3A_9] : memref<262144xf32, #tpu.memory_space<hbm>> -> memref<8192xf32, #tpu.memory_space<hbm>>
    tpu.enqueue_dma source(%dma_start3A_11 : memref<8192xf32, #tpu.memory_space<hbm>>) target(%arg6 : memref<8192xf32, #tpu.memory_space<vmem>>) target_semaphore(%arg9 : memref<!tpu.dma_semaphore, #tpu.memory_space<semaphore_mem>>)
    %broadcast_in_dim3A = arith.constant 0.000000e+00 : f32
    %broadcast_in_dim3A_12 = vector.broadcast %broadcast_in_dim3A : f32 to vector<16xf32>
    %swap3A = arith.constant 0 : index
    %swap3A_13 = tpu.vector_load %arg7[%swap3A] {strides = array<i32>} : memref<2048xf32, #tpu.memory_space<vmem>>, vector<16xf32>,
    %swap3A_14 = vector.shape_cast %swap3A_13 : vector<16xf32> to vector<16xf32>
    %swap3A_15 = vector.shape_cast %broadcast_in_dim3A_12 : vector<16xf32> to vector<16xf32>
    tpu.vector_store %arg7[%swap3A], %swap3A_15 {strides = array<i32>} : memref<2048xf32, #tpu.memory_space<vmem>>, vector<16xf32>,
    %swap3A_16 = arith.constant 16 : index
    %swap3A_17 = tpu.vector_load %arg7[%swap3A_16] {strides = array<i32>} : memref<2048xf32, #tpu.memory_space<vmem>>, vector<16xf32>,
    %swap3A_18 = vector.shape_cast %swap3A_17 : vector<16xf32> to vector<16xf32>
    %swap3A_19 = vector.shape_cast %broadcast_in_dim3A_12 : vector<16xf32> to vector<16xf32>
    tpu.vector_store %arg7[%swap3A_16], %swap3A_19 {strides = array<i32>} : memref<2048xf32, #tpu.memory_space<vmem>>, vector<16xf32>,
    %swap3A_20 = arith.constant 32 : index
    %swap3A_21 = tpu.vector_load %arg7[%swap3A_20] {strides = array<i32>} : memref<2048xf32, #tpu.memory_space<vmem>>, vector<16xf32>,
    %swap3A_22 = vector.shape_cast %swap3A_21 : vector<16xf32> to vector<16xf32>
    %swap3A_23 = vector.shape_cast %broadcast_in_dim3A_12 : vector<16xf32> to vector<16xf32>
    tpu.vector_store %arg7[%swap3A_20], %swap3A_23 {strides = array<i32>} : memref<2048xf32, #tpu.memory_space<vmem>>, vector<16xf32>,
    %swap3A_24 = arith.constant 48 : index
    %swap3A_25 = tpu.vector_load %arg7[%swap3A_24] {strides = array<i32>} : memref<2048xf32, #tpu.memory_space<vmem>>, vector<16xf32>,
    %swap3A_26 = vector.shape_cast %swap3A_25 : vector<16xf32> to vector<16xf32>
    %swap3A_27 = vector.shape_cast %broadcast_in_dim3A_12 : vector<16xf32> to vector<16xf32>
    tpu.vector_store %arg7[%swap3A_24], %swap3A_27 {strides = array<i32>} : memref<2048xf32, #tpu.memory_space<vmem>>, vector<16xf32>,
    %swap3A_28 = arith.constant 64 : index
    %swap3A_29 = tpu.vector_load %arg7[%swap3A_28] {strides = array<i32>} : memref<2048xf32, #tpu.memory_space<vmem>>, vector<16xf32>,
    %swap3A_30 = vector.shape_cast %swap3A_29 : vector<16xf32> to vector<16xf32>
    %swap3A_31 = vector.shape_cast %broadcast_in_dim3A_12 : vector<16xf32> to vector<16xf32>
    tpu.vector_store %arg7[%swap3A_28], %swap3A_31 {strides = array<i32>} : memref<2048xf32, #tpu.memory_space<vmem>>, vector<16xf32>,
    %swap3A_32 = arith.constant 80 : index
    %swap3A_33 = tpu.vector_load %arg7[%swap3A_32] {strides = array<i32>} : memref<2048xf32, #tpu.memory_space<vmem>>, vector<16xf32>,
    %swap3A_34 = vector.shape_cast %swap3A_33 : vector<16xf32> to vector<16xf32>
    %swap3A_35 = vector.shape_cast %broadcast_in_dim3A_12 : vector<16xf32> to vector<16xf32>
    tpu.vector_store %arg7[%swap3A_32], %swap3A_35 {strides = array<i32>} : memref<2048xf32, #tpu.memory_space<vmem>>, vector<16xf32>,
    %swap3A_36 = arith.constant 96 : index
    %swap3A_37 = tpu.vector_load %arg7[%swap3A_36] {strides = array<i32>} : memref<2048xf32, #tpu.memory_space<vmem>>, vector<16xf32>,
    %swap3A_38 = vector.shape_cast %swap3A_37 : vector<16xf32> to vector<16xf32>
    %swap3A_39 = vector.shape_cast %broadcast_in_dim3A_12 : vector<16xf32> to vector<16xf32>
    tpu.vector_store %arg7[%swap3A_36], %swap3A_39 {strides = array<i32>} : memref<2048xf32, #tpu.memory_space<vmem>>, vector<16xf32>,
    %swap3A_40 = arith.constant 112 : index
    %swap3A_41 = tpu.vector_load %arg7[%swap3A_40] {strides = array<i32>} : memref<2048xf32, #tpu.memory_space<vmem>>, vector<16xf32>,
    %swap3A_42 = vector.shape_cast %swap3A_41 : vector<16xf32> to vector<16xf32>
    %swap3A_43 = vector.shape_cast %broadcast_in_dim3A_12 : vector<16xf32> to vector<16xf32>
    tpu.vector_store %arg7[%swap3A_40], %swap3A_43 {strides = array<i32>} : memref<2048xf32, #tpu.memory_space<vmem>>, vector<16xf32>,
    %swap3A_44 = arith.constant 128 : index
    %swap3A_45 = tpu.vector_load %arg7[%swap3A_44] {strides = array<i32>} : memref<2048xf32, #tpu.memory_space<vmem>>, vector<16xf32>,
    %swap3A_46 = vector.shape_cast %swap3A_45 : vector<16xf32> to vector<16xf32>
    %swap3A_47 = vector.shape_cast %broadcast_in_dim3A_12 : vector<16xf32> to vector<16xf32>
    tpu.vector_store %arg7[%swap3A_44], %swap3A_47 {strides = array<i32>} : memref<2048xf32, #tpu.memory_space<vmem>>, vector<16xf32>,
    %swap3A_48 = arith.constant 144 : index
    %swap3A_49 = tpu.vector_load %arg7[%swap3A_48] {strides = array<i32>} : memref<2048xf32, #tpu.memory_space<vmem>>, vector<16xf32>,
    %swap3A_50 = vector.shape_cast %swap3A_49 : vector<16xf32> to vector<16xf32>
    %swap3A_51 = vector.shape_cast %broadcast_in_dim3A_12 : vector<16xf32> to vector<16xf32>
    tpu.vector_store %arg7[%swap3A_48], %swap3A_51 {strides = array<i32>} : memref<2048xf32, #tpu.memory_space<vmem>>, vector<16xf32>,
    %swap3A_52 = arith.constant 160 : index
    %swap3A_53 = tpu.vector_load %arg7[%swap3A_52] {strides = array<i32>} : memref<2048xf32, #tpu.memory_space<vmem>>, vector<16xf32>,
    %swap3A_54 = vector.shape_cast %swap3A_53 : vector<16xf32> to vector<16xf32>
    %swap3A_55 = vector.shape_cast %broadcast_in_dim3A_12 : vector<16xf32> to vector<16xf32>
    tpu.vector_store %arg7[%swap3A_52], %swap3A_55 {strides = array<i32>} : memref<2048xf32, #tpu.memory_space<vmem>>, vector<16xf32>,
    %swap3A_56 = arith.constant 176 : index
    %swap3A_57 = tpu.vector_load %arg7[%swap3A_56] {strides = array<i32>} : memref<2048xf32, #tpu.memory_space<vmem>>, vector<16xf32>,
    %swap3A_58 = vector.shape_cast %swap3A_57 : vector<16xf32> to vector<16xf32>
    %swap3A_59 = vector.shape_cast %broadcast_in_dim3A_12 : vector<16xf32> to vector<16xf32>
    tpu.vector_store %arg7[%swap3A_56], %swap3A_59 {strides = array<i32>} : memref<2048xf32, #tpu.memory_space<vmem>>, vector<16xf32>,
    %swap3A_60 = arith.constant 192 : index
    %swap3A_61 = tpu.vector_load %arg7[%swap3A_60] {strides = array<i32>} : memref<2048xf32, #tpu.memory_space<vmem>>, vector<16xf32>,
    %swap3A_62 = vector.shape_cast %swap3A_61 : vector<16xf32> to vector<16xf32>
    %swap3A_63 = vector.shape_cast %broadcast_in_dim3A_12 : vector<16xf32> to vector<16xf32>
    tpu.vector_store %arg7[%swap3A_60], %swap3A_63 {strides = array<i32>} : memref<2048xf32, #tpu.memory_space<vmem>>, vector<16xf32>,
    %swap3A_64 = arith.constant 208 : index
    %swap3A_65 = tpu.vector_load %arg7[%swap3A_64] {strides = array<i32>} : memref<2048xf32, #tpu.memory_space<vmem>>, vector<16xf32>,
    %swap3A_66 = vector.shape_cast %swap3A_65 : vector<16xf32> to vector<16xf32>
    %swap3A_67 = vector.shape_cast %broadcast_in_dim3A_12 : vector<16xf32> to vector<16xf32>
    tpu.vector_store %arg7[%swap3A_64], %swap3A_67 {strides = array<i32>} : memref<2048xf32, #tpu.memory_space<vmem>>, vector<16xf32>,
    %swap3A_68 = arith.constant 224 : index
    %swap3A_69 = tpu.vector_load %arg7[%swap3A_68] {strides = array<i32>} : memref<2048xf32, #tpu.memory_space<vmem>>, vector<16xf32>,
    %swap3A_70 = vector.shape_cast %swap3A_69 : vector<16xf32> to vector<16xf32>
    %swap3A_71 = vector.shape_cast %broadcast_in_dim3A_12 : vector<16xf32> to vector<16xf32>
    tpu.vector_store %arg7[%swap3A_68], %swap3A_71 {strides = array<i32>} : memref<2048xf32, #tpu.memory_space<vmem>>, vector<16xf32>,
    %swap3A_72 = arith.constant 240 : index
    %swap3A_73 = tpu.vector_load %arg7[%swap3A_72] {strides = array<i32>} : memref<2048xf32, #tpu.memory_space<vmem>>, vector<16xf32>,
    %swap3A_74 = vector.shape_cast %swap3A_73 : vector<16xf32> to vector<16xf32>
    %swap3A_75 = vector.shape_cast %broadcast_in_dim3A_12 : vector<16xf32> to vector<16xf32>
    tpu.vector_store %arg7[%swap3A_72], %swap3A_75 {strides = array<i32>} : memref<2048xf32, #tpu.memory_space<vmem>>, vector<16xf32>,
    %swap3A_76 = arith.constant 256 : index
    %swap3A_77 = tpu.vector_load %arg7[%swap3A_76] {strides = array<i32>} : memref<2048xf32, #tpu.memory_space<vmem>>, vector<16xf32>,
    %swap3A_78 = vector.shape_cast %swap3A_77 : vector<16xf32> to vector<16xf32>
    %swap3A_79 = vector.shape_cast %broadcast_in_dim3A_12 : vector<16xf32> to vector<16xf32>
    tpu.vector_store %arg7[%swap3A_76], %swap3A_79 {strides = array<i32>} : memref<2048xf32, #tpu.memory_space<vmem>>, vector<16xf32>,
    %swap3A_80 = arith.constant 272 : index
    %swap3A_81 = tpu.vector_load %arg7[%swap3A_80] {strides = array<i32>} : memref<2048xf32, #tpu.memory_space<vmem>>, vector<16xf32>,
    %swap3A_82 = vector.shape_cast %swap3A_81 : vector<16xf32> to vector<16xf32>
    %swap3A_83 = vector.shape_cast %broadcast_in_dim3A_12 : vector<16xf32> to vector<16xf32>
    tpu.vector_store %arg7[%swap3A_80], %swap3A_83 {strides = array<i32>} : memref<2048xf32, #tpu.memory_space<vmem>>, vector<16xf32>,
    %swap3A_84 = arith.constant 288 : index
    %swap3A_85 = tpu.vector_load %arg7[%swap3A_84] {strides = array<i32>} : memref<2048xf32, #tpu.memory_space<vmem>>, vector<16xf32>,
    %swap3A_86 = vector.shape_cast %swap3A_85 : vector<16xf32> to vector<16xf32>
    %swap3A_87 = vector.shape_cast %broadcast_in_dim3A_12 : vector<16xf32> to vector<16xf32>
    tpu.vector_store %arg7[%swap3A_84], %swap3A_87 {strides = array<i32>} : memref<2048xf32, #tpu.memory_space<vmem>>, vector<16xf32>,
    %swap3A_88 = arith.constant 304 : index
    %swap3A_89 = tpu.vector_load %arg7[%swap3A_88] {strides = array<i32>} : memref<2048xf32, #tpu.memory_space<vmem>>, vector<16xf32>,
    %swap3A_90 = vector.shape_cast %swap3A_89 : vector<16xf32> to vector<16xf32>
    %swap3A_91 = vector.shape_cast %broadcast_in_dim3A_12 : vector<16xf32> to vector<16xf32>
    tpu.vector_store %arg7[%swap3A_88], %swap3A_91 {strides = array<i32>} : memref<2048xf32, #tpu.memory_space<vmem>>, vector<16xf32>,
    %swap3A_92 = arith.constant 320 : index
    %swap3A_93 = tpu.vector_load %arg7[%swap3A_92] {strides = array<i32>} : memref<2048xf32, #tpu.memory_space<vmem>>, vector<16xf32>,
    %swap3A_94 = vector.shape_cast %swap3A_93 : vector<16xf32> to vector<16xf32>
    %swap3A_95 = vector.shape_cast %broadcast_in_dim3A_12 : vector<16xf32> to vector<16xf32>
    tpu.vector_store %arg7[%swap3A_92], %swap3A_95 {strides = array<i32>} : memref<2048xf32, #tpu.memory_space<vmem>>, vector<16xf32>,
    %swap3A_96 = arith.constant 336 : index
    %swap3A_97 = tpu.vector_load %arg7[%swap3A_96] {strides = array<i32>} : memref<2048xf32, #tpu.memory_space<vmem>>, vector<16xf32>,
    %swap3A_98 = vector.shape_cast %swap3A_97 : vector<16xf32> to vector<16xf32>
    %swap3A_99 = vector.shape_cast %broadcast_in_dim3A_12 : vector<16xf32> to vector<16xf32>
    tpu.vector_store %arg7[%swap3A_96], %swap3A_99 {strides = array<i32>} : memref<2048xf32, #tpu.memory_space<vmem>>, vector<16xf32>,
    %swap3A_100 = arith.constant 352 : index
    %swap3A_101 = tpu.vector_load %arg7[%swap3A_100] {strides = array<i32>} : memref<2048xf32, #tpu.memory_space<vmem>>, vector<16xf32>,
    %swap3A_102 = vector.shape_cast %swap3A_101 : vector<16xf32> to vector<16xf32>
    %swap3A_103 = vector.shape_cast %broadcast_in_dim3A_12 : vector<16xf32> to vector<16xf32>
    tpu.vector_store %arg7[%swap3A_100], %swap3A_103 {strides = array<i32>} : memref<2048xf32, #tpu.memory_space<vmem>>, vector<16xf32>,
    %swap3A_104 = arith.constant 368 : index
    %swap3A_105 = tpu.vector_load %arg7[%swap3A_104] {strides = array<i32>} : memref<2048xf32, #tpu.memory_space<vmem>>, vector<16xf32>,
    %swap3A_106 = vector.shape_cast %swap3A_105 : vector<16xf32> to vector<16xf32>
    %swap3A_107 = vector.shape_cast %broadcast_in_dim3A_12 : vector<16xf32> to vector<16xf32>
    tpu.vector_store %arg7[%swap3A_104], %swap3A_107 {strides = array<i32>} : memref<2048xf32, #tpu.memory_space<vmem>>, vector<16xf32>,
    %swap3A_108 = arith.constant 384 : index
    %swap3A_109 = tpu.vector_load %arg7[%swap3A_108] {strides = array<i32>} : memref<2048xf32, #tpu.memory_space<vmem>>, vector<16xf32>,
    %swap3A_110 = vector.shape_cast %swap3A_109 : vector<16xf32> to vector<16xf32>
    %swap3A_111 = vector.shape_cast %broadcast_in_dim3A_12 : vector<16xf32> to vector<16xf32>
    tpu.vector_store %arg7[%swap3A_108], %swap3A_111 {strides = array<i32>} : memref<2048xf32, #tpu.memory_space<vmem>>, vector<16xf32>,
    %swap3A_112 = arith.constant 400 : index
    %swap3A_113 = tpu.vector_load %arg7[%swap3A_112] {strides = array<i32>} : memref<2048xf32, #tpu.memory_space<vmem>>, vector<16xf32>,
    %swap3A_114 = vector.shape_cast %swap3A_113 : vector<16xf32> to vector<16xf32>
    %swap3A_115 = vector.shape_cast %broadcast_in_dim3A_12 : vector<16xf32> to vector<16xf32>
    tpu.vector_store %arg7[%swap3A_112], %swap3A_115 {strides = array<i32>} : memref<2048xf32, #tpu.memory_space<vmem>>, vector<16xf32>,
    %swap3A_116 = arith.constant 416 : index
    %swap3A_117 = tpu.vector_load %arg7[%swap3A_116] {strides = array<i32>} : memref<2048xf32, #tpu.memory_space<vmem>>, vector<16xf32>,
    %swap3A_118 = vector.shape_cast %swap3A_117 : vector<16xf32> to vector<16xf32>
    %swap3A_119 = vector.shape_cast %broadcast_in_dim3A_12 : vector<16xf32> to vector<16xf32>
    tpu.vector_store %arg7[%swap3A_116], %swap3A_119 {strides = array<i32>} : memref<2048xf32, #tpu.memory_space<vmem>>, vector<16xf32>,
    %swap3A_120 = arith.constant 432 : index
    %swap3A_121 = tpu.vector_load %arg7[%swap3A_120] {strides = array<i32>} : memref<2048xf32, #tpu.memory_space<vmem>>, vector<16xf32>,
    %swap3A_122 = vector.shape_cast %swap3A_121 : vector<16xf32> to vector<16xf32>
    %swap3A_123 = vector.shape_cast %broadcast_in_dim3A_12 : vector<16xf32> to vector<16xf32>
    tpu.vector_store %arg7[%swap3A_120], %swap3A_123 {strides = array<i32>} : memref<2048xf32, #tpu.memory_space<vmem>>, vector<16xf32>,
    %swap3A_124 = arith.constant 448 : index
    %swap3A_125 = tpu.vector_load %arg7[%swap3A_124] {strides = array<i32>} : memref<2048xf32, #tpu.memory_space<vmem>>, vector<16xf32>,
    %swap3A_126 = vector.shape_cast %swap3A_125 : vector<16xf32> to vector<16xf32>
    %swap3A_127 = vector.shape_cast %broadcast_in_dim3A_12 : vector<16xf32> to vector<16xf32>
    tpu.vector_store %arg7[%swap3A_124], %swap3A_127 {strides = array<i32>} : memref<2048xf32, #tpu.memory_space<vmem>>, vector<16xf32>,
    %swap3A_128 = arith.constant 464 : index
    %swap3A_129 = tpu.vector_load %arg7[%swap3A_128] {strides = array<i32>} : memref<2048xf32, #tpu.memory_space<vmem>>, vector<16xf32>,
    %swap3A_130 = vector.shape_cast %swap3A_129 : vector<16xf32> to vector<16xf32>
    %swap3A_131 = vector.shape_cast %broadcast_in_dim3A_12 : vector<16xf32> to vector<16xf32>
    tpu.vector_store %arg7[%swap3A_128], %swap3A_131 {strides = array<i32>} : memref<2048xf32, #tpu.memory_space<vmem>>, vector<16xf32>,
    %swap3A_132 = arith.constant 480 : index
    %swap3A_133 = tpu.vector_load %arg7[%swap3A_132] {strides = array<i32>} : memref<2048xf32, #tpu.memory_space<vmem>>, vector<16xf32>,
    %swap3A_134 = vector.shape_cast %swap3A_133 : vector<16xf32> to vector<16xf32>
    %swap3A_135 = vector.shape_cast %broadcast_in_dim3A_12 : vector<16xf32> to vector<16xf32>
    tpu.vector_store %arg7[%swap3A_132], %swap3A_135 {strides = array<i32>} : memref<2048xf32, #tpu.memory_space<vmem>>, vector<16xf32>,
    %swap3A_136 = arith.constant 496 : index
    %swap3A_137 = tpu.vector_load %arg7[%swap3A_136] {strides = array<i32>} : memref<2048xf32, #tpu.memory_space<vmem>>, vector<16xf32>,
    %swap3A_138 = vector.shape_cast %swap3A_137 : vector<16xf32> to vector<16xf32>
    %swap3A_139 = vector.shape_cast %broadcast_in_dim3A_12 : vector<16xf32> to vector<16xf32>
    tpu.vector_store %arg7[%swap3A_136], %swap3A_139 {strides = array<i32>} : memref<2048xf32, #tpu.memory_space<vmem>>, vector<16xf32>,
    %swap3A_140 = arith.constant 512 : index
    %swap3A_141 = tpu.vector_load %arg7[%swap3A_140] {strides = array<i32>} : memref<2048xf32, #tpu.memory_space<vmem>>, vector<16xf32>,
    %swap3A_142 = vector.shape_cast %swap3A_141 : vector<16xf32> to vector<16xf32>
    %swap3A_143 = vector.shape_cast %broadcast_in_dim3A_12 : vector<16xf32> to vector<16xf32>
    tpu.vector_store %arg7[%swap3A_140], %swap3A_143 {strides = array<i32>} : memref<2048xf32, #tpu.memory_space<vmem>>, vector<16xf32>,
    %swap3A_144 = arith.constant 528 : index
    %swap3A_145 = tpu.vector_load %arg7[%swap3A_144] {strides = array<i32>} : memref<2048xf32, #tpu.memory_space<vmem>>, vector<16xf32>,
    %swap3A_146 = vector.shape_cast %swap3A_145 : vector<16xf32> to vector<16xf32>
    %swap3A_147 = vector.shape_cast %broadcast_in_dim3A_12 : vector<16xf32> to vector<16xf32>
    tpu.vector_store %arg7[%swap3A_144], %swap3A_147 {strides = array<i32>} : memref<2048xf32, #tpu.memory_space<vmem>>, vector<16xf32>,
    %swap3A_148 = arith.constant 544 : index
    %swap3A_149 = tpu.vector_load %arg7[%swap3A_148] {strides = array<i32>} : memref<2048xf32, #tpu.memory_space<vmem>>, vector<16xf32>,
    %swap3A_150 = vector.shape_cast %swap3A_149 : vector<16xf32> to vector<16xf32>
    %swap3A_151 = vector.shape_cast %broadcast_in_dim3A_12 : vector<16xf32> to vector<16xf32>
    tpu.vector_store %arg7[%swap3A_148], %swap3A_151 {strides = array<i32>} : memref<2048xf32, #tpu.memory_space<vmem>>, vector<16xf32>,
    %swap3A_152 = arith.constant 560 : index
    %swap3A_153 = tpu.vector_load %arg7[%swap3A_152] {strides = array<i32>} : memref<2048xf32, #tpu.memory_space<vmem>>, vector<16xf32>,
    %swap3A_154 = vector.shape_cast %swap3A_153 : vector<16xf32> to vector<16xf32>
    %swap3A_155 = vector.shape_cast %broadcast_in_dim3A_12 : vector<16xf32> to vector<16xf32>
    tpu.vector_store %arg7[%swap3A_152], %swap3A_155 {strides = array<i32>} : memref<2048xf32, #tpu.memory_space<vmem>>, vector<16xf32>,
    %swap3A_156 = arith.constant 576 : index
    %swap3A_157 = tpu.vector_load %arg7[%swap3A_156] {strides = array<i32>} : memref<2048xf32, #tpu.memory_space<vmem>>, vector<16xf32>,
    %swap3A_158 = vector.shape_cast %swap3A_157 : vector<16xf32> to vector<16xf32>
    %swap3A_159 = vector.shape_cast %broadcast_in_dim3A_12 : vector<16xf32> to vector<16xf32>
    tpu.vector_store %arg7[%swap3A_156], %swap3A_159 {strides = array<i32>} : memref<2048xf32, #tpu.memory_space<vmem>>, vector<16xf32>,
    %swap3A_160 = arith.constant 592 : index
    %swap3A_161 = tpu.vector_load %arg7[%swap3A_160] {strides = array<i32>} : memref<2048xf32, #tpu.memory_space<vmem>>, vector<16xf32>,
    %swap3A_162 = vector.shape_cast %swap3A_161 : vector<16xf32> to vector<16xf32>
    %swap3A_163 = vector.shape_cast %broadcast_in_dim3A_12 : vector<16xf32> to vector<16xf32>
    tpu.vector_store %arg7[%swap3A_160], %swap3A_163 {strides = array<i32>} : memref<2048xf32, #tpu.memory_space<vmem>>, vector<16xf32>,
    %swap3A_164 = arith.constant 608 : index
    %swap3A_165 = tpu.vector_load %arg7[%swap3A_164] {strides = array<i32>} : memref<2048xf32, #tpu.memory_space<vmem>>, vector<16xf32>,
    %swap3A_166 = vector.shape_cast %swap3A_165 : vector<16xf32> to vector<16xf32>
    %swap3A_167 = vector.shape_cast %broadcast_in_dim3A_12 : vector<16xf32> to vector<16xf32>
    tpu.vector_store %arg7[%swap3A_164], %swap3A_167 {strides = array<i32>} : memref<2048xf32, #tpu.memory_space<vmem>>, vector<16xf32>,
    %swap3A_168 = arith.constant 624 : index
    %swap3A_169 = tpu.vector_load %arg7[%swap3A_168] {strides = array<i32>} : memref<2048xf32, #tpu.memory_space<vmem>>, vector<16xf32>,
    %swap3A_170 = vector.shape_cast %swap3A_169 : vector<16xf32> to vector<16xf32>
    %swap3A_171 = vector.shape_cast %broadcast_in_dim3A_12 : vector<16xf32> to vector<16xf32>
    tpu.vector_store %arg7[%swap3A_168], %swap3A_171 {strides = array<i32>} : memref<2048xf32, #tpu.memory_space<vmem>>, vector<16xf32>,
    %swap3A_172 = arith.constant 640 : index
    %swap3A_173 = tpu.vector_load %arg7[%swap3A_172] {strides = array<i32>} : memref<2048xf32, #tpu.memory_space<vmem>>, vector<16xf32>,
    %swap3A_174 = vector.shape_cast %swap3A_173 : vector<16xf32> to vector<16xf32>
    %swap3A_175 = vector.shape_cast %broadcast_in_dim3A_12 : vector<16xf32> to vector<16xf32>
    tpu.vector_store %arg7[%swap3A_172], %swap3A_175 {strides = array<i32>} : memref<2048xf32, #tpu.memory_space<vmem>>, vector<16xf32>,
    %swap3A_176 = arith.constant 656 : index
    %swap3A_177 = tpu.vector_load %arg7[%swap3A_176] {strides = array<i32>} : memref<2048xf32, #tpu.memory_space<vmem>>, vector<16xf32>,
    %swap3A_178 = vector.shape_cast %swap3A_177 : vector<16xf32> to vector<16xf32>
    %swap3A_179 = vector.shape_cast %broadcast_in_dim3A_12 : vector<16xf32> to vector<16xf32>
    tpu.vector_store %arg7[%swap3A_176], %swap3A_179 {strides = array<i32>} : memref<2048xf32, #tpu.memory_space<vmem>>, vector<16xf32>,
    %swap3A_180 = arith.constant 672 : index
    %swap3A_181 = tpu.vector_load %arg7[%swap3A_180] {strides = array<i32>} : memref<2048xf32, #tpu.memory_space<vmem>>, vector<16xf32>,
    %swap3A_182 = vector.shape_cast %swap3A_181 : vector<16xf32> to vector<16xf32>
    %swap3A_183 = vector.shape_cast %broadcast_in_dim3A_12 : vector<16xf32> to vector<16xf32>
    tpu.vector_store %arg7[%swap3A_180], %swap3A_183 {strides = array<i32>} : memref<2048xf32, #tpu.memory_space<vmem>>, vector<16xf32>,
    %swap3A_184 = arith.constant 688 : index
    %swap3A_185 = tpu.vector_load %arg7[%swap3A_184] {strides = array<i32>} : memref<2048xf32, #tpu.memory_space<vmem>>, vector<16xf32>,
    %swap3A_186 = vector.shape_cast %swap3A_185 : vector<16xf32> to vector<16xf32>
    %swap3A_187 = vector.shape_cast %broadcast_in_dim3A_12 : vector<16xf32> to vector<16xf32>
    tpu.vector_store %arg7[%swap3A_184], %swap3A_187 {strides = array<i32>} : memref<2048xf32, #tpu.memory_space<vmem>>, vector<16xf32>,
    %swap3A_188 = arith.constant 704 : index
    %swap3A_189 = tpu.vector_load %arg7[%swap3A_188] {strides = array<i32>} : memref<2048xf32, #tpu.memory_space<vmem>>, vector<16xf32>,
    %swap3A_190 = vector.shape_cast %swap3A_189 : vector<16xf32> to vector<16xf32>
    %swap3A_191 = vector.shape_cast %broadcast_in_dim3A_12 : vector<16xf32> to vector<16xf32>
    tpu.vector_store %arg7[%swap3A_188], %swap3A_191 {strides = array<i32>} : memref<2048xf32, #tpu.memory_space<vmem>>, vector<16xf32>,
    %swap3A_192 = arith.constant 720 : index
    %swap3A_193 = tpu.vector_load %arg7[%swap3A_192] {strides = array<i32>} : memref<2048xf32, #tpu.memory_space<vmem>>, vector<16xf32>,
    %swap3A_194 = vector.shape_cast %swap3A_193 : vector<16xf32> to vector<16xf32>
    %swap3A_195 = vector.shape_cast %broadcast_in_dim3A_12 : vector<16xf32> to vector<16xf32>
    tpu.vector_store %arg7[%swap3A_192], %swap3A_195 {strides = array<i32>} : memref<2048xf32, #tpu.memory_space<vmem>>, vector<16xf32>,
    %swap3A_196 = arith.constant 736 : index
    %swap3A_197 = tpu.vector_load %arg7[%swap3A_196] {strides = array<i32>} : memref<2048xf32, #tpu.memory_space<vmem>>, vector<16xf32>,
    %swap3A_198 = vector.shape_cast %swap3A_197 : vector<16xf32> to vector<16xf32>
    %swap3A_199 = vector.shape_cast %broadcast_in_dim3A_12 : vector<16xf32> to vector<16xf32>
    tpu.vector_store %arg7[%swap3A_196], %swap3A_199 {strides = array<i32>} : memref<2048xf32, #tpu.memory_space<vmem>>, vector<16xf32>,
    %swap3A_200 = arith.constant 752 : index
    %swap3A_201 = tpu.vector_load %arg7[%swap3A_200] {strides = array<i32>} : memref<2048xf32, #tpu.memory_space<vmem>>, vector<16xf32>,
    %swap3A_202 = vector.shape_cast %swap3A_201 : vector<16xf32> to vector<16xf32>
    %swap3A_203 = vector.shape_cast %broadcast_in_dim3A_12 : vector<16xf32> to vector<16xf32>
    tpu.vector_store %arg7[%swap3A_200], %swap3A_203 {strides = array<i32>} : memref<2048xf32, #tpu.memory_space<vmem>>, vector<16xf32>,
    %swap3A_204 = arith.constant 768 : index
    %swap3A_205 = tpu.vector_load %arg7[%swap3A_204] {strides = array<i32>} : memref<2048xf32, #tpu.memory_space<vmem>>, vector<16xf32>,
    %swap3A_206 = vector.shape_cast %swap3A_205 : vector<16xf32> to vector<16xf32>
    %swap3A_207 = vector.shape_cast %broadcast_in_dim3A_12 : vector<16xf32> to vector<16xf32>
    tpu.vector_store %arg7[%swap3A_204], %swap3A_207 {strides = array<i32>} : memref<2048xf32, #tpu.memory_space<vmem>>, vector<16xf32>,
    %swap3A_208 = arith.constant 784 : index
    %swap3A_209 = tpu.vector_load %arg7[%swap3A_208] {strides = array<i32>} : memref<2048xf32, #tpu.memory_space<vmem>>, vector<16xf32>,
    %swap3A_210 = vector.shape_cast %swap3A_209 : vector<16xf32> to vector<16xf32>
    %swap3A_211 = vector.shape_cast %broadcast_in_dim3A_12 : vector<16xf32> to vector<16xf32>
    tpu.vector_store %arg7[%swap3A_208], %swap3A_211 {strides = array<i32>} : memref<2048xf32, #tpu.memory_space<vmem>>, vector<16xf32>,
    %swap3A_212 = arith.constant 800 : index
    %swap3A_213 = tpu.vector_load %arg7[%swap3A_212] {strides = array<i32>} : memref<2048xf32, #tpu.memory_space<vmem>>, vector<16xf32>,
    %swap3A_214 = vector.shape_cast %swap3A_213 : vector<16xf32> to vector<16xf32>
    %swap3A_215 = vector.shape_cast %broadcast_in_dim3A_12 : vector<16xf32> to vector<16xf32>
    tpu.vector_store %arg7[%swap3A_212], %swap3A_215 {strides = array<i32>} : memref<2048xf32, #tpu.memory_space<vmem>>, vector<16xf32>,
    %swap3A_216 = arith.constant 816 : index
    %swap3A_217 = tpu.vector_load %arg7[%swap3A_216] {strides = array<i32>} : memref<2048xf32, #tpu.memory_space<vmem>>, vector<16xf32>,
    %swap3A_218 = vector.shape_cast %swap3A_217 : vector<16xf32> to vector<16xf32>
    %swap3A_219 = vector.shape_cast %broadcast_in_dim3A_12 : vector<16xf32> to vector<16xf32>
    tpu.vector_store %arg7[%swap3A_216], %swap3A_219 {strides = array<i32>} : memref<2048xf32, #tpu.memory_space<vmem>>, vector<16xf32>,
    %swap3A_220 = arith.constant 832 : index
    %swap3A_221 = tpu.vector_load %arg7[%swap3A_220] {strides = array<i32>} : memref<2048xf32, #tpu.memory_space<vmem>>, vector<16xf32>,
    %swap3A_222 = vector.shape_cast %swap3A_221 : vector<16xf32> to vector<16xf32>
    %swap3A_223 = vector.shape_cast %broadcast_in_dim3A_12 : vector<16xf32> to vector<16xf32>
    tpu.vector_store %arg7[%swap3A_220], %swap3A_223 {strides = array<i32>} : memref<2048xf32, #tpu.memory_space<vmem>>, vector<16xf32>,
    %swap3A_224 = arith.constant 848 : index
    %swap3A_225 = tpu.vector_load %arg7[%swap3A_224] {strides = array<i32>} : memref<2048xf32, #tpu.memory_space<vmem>>, vector<16xf32>,
    %swap3A_226 = vector.shape_cast %swap3A_225 : vector<16xf32> to vector<16xf32>
    %swap3A_227 = vector.shape_cast %broadcast_in_dim3A_12 : vector<16xf32> to vector<16xf32>
    tpu.vector_store %arg7[%swap3A_224], %swap3A_227 {strides = array<i32>} : memref<2048xf32, #tpu.memory_space<vmem>>, vector<16xf32>,
    %swap3A_228 = arith.constant 864 : index
    %swap3A_229 = tpu.vector_load %arg7[%swap3A_228] {strides = array<i32>} : memref<2048xf32, #tpu.memory_space<vmem>>, vector<16xf32>,
    %swap3A_230 = vector.shape_cast %swap3A_229 : vector<16xf32> to vector<16xf32>
    %swap3A_231 = vector.shape_cast %broadcast_in_dim3A_12 : vector<16xf32> to vector<16xf32>
    tpu.vector_store %arg7[%swap3A_228], %swap3A_231 {strides = array<i32>} : memref<2048xf32, #tpu.memory_space<vmem>>, vector<16xf32>,
    %swap3A_232 = arith.constant 880 : index
    %swap3A_233 = tpu.vector_load %arg7[%swap3A_232] {strides = array<i32>} : memref<2048xf32, #tpu.memory_space<vmem>>, vector<16xf32>,
    %swap3A_234 = vector.shape_cast %swap3A_233 : vector<16xf32> to vector<16xf32>
    %swap3A_235 = vector.shape_cast %broadcast_in_dim3A_12 : vector<16xf32> to vector<16xf32>
    tpu.vector_store %arg7[%swap3A_232], %swap3A_235 {strides = array<i32>} : memref<2048xf32, #tpu.memory_space<vmem>>, vector<16xf32>,
    %swap3A_236 = arith.constant 896 : index
    %swap3A_237 = tpu.vector_load %arg7[%swap3A_236] {strides = array<i32>} : memref<2048xf32, #tpu.memory_space<vmem>>, vector<16xf32>,
    %swap3A_238 = vector.shape_cast %swap3A_237 : vector<16xf32> to vector<16xf32>
    %swap3A_239 = vector.shape_cast %broadcast_in_dim3A_12 : vector<16xf32> to vector<16xf32>
    tpu.vector_store %arg7[%swap3A_236], %swap3A_239 {strides = array<i32>} : memref<2048xf32, #tpu.memory_space<vmem>>, vector<16xf32>,
    %swap3A_240 = arith.constant 912 : index
    %swap3A_241 = tpu.vector_load %arg7[%swap3A_240] {strides = array<i32>} : memref<2048xf32, #tpu.memory_space<vmem>>, vector<16xf32>,
    %swap3A_242 = vector.shape_cast %swap3A_241 : vector<16xf32> to vector<16xf32>
    %swap3A_243 = vector.shape_cast %broadcast_in_dim3A_12 : vector<16xf32> to vector<16xf32>
    tpu.vector_store %arg7[%swap3A_240], %swap3A_243 {strides = array<i32>} : memref<2048xf32, #tpu.memory_space<vmem>>, vector<16xf32>,
    %swap3A_244 = arith.constant 928 : index
    %swap3A_245 = tpu.vector_load %arg7[%swap3A_244] {strides = array<i32>} : memref<2048xf32, #tpu.memory_space<vmem>>, vector<16xf32>,
    %swap3A_246 = vector.shape_cast %swap3A_245 : vector<16xf32> to vector<16xf32>
    %swap3A_247 = vector.shape_cast %broadcast_in_dim3A_12 : vector<16xf32> to vector<16xf32>
    tpu.vector_store %arg7[%swap3A_244], %swap3A_247 {strides = array<i32>} : memref<2048xf32, #tpu.memory_space<vmem>>, vector<16xf32>,
    %swap3A_248 = arith.constant 944 : index
    %swap3A_249 = tpu.vector_load %arg7[%swap3A_248] {strides = array<i32>} : memref<2048xf32, #tpu.memory_space<vmem>>, vector<16xf32>,
    %swap3A_250 = vector.shape_cast %swap3A_249 : vector<16xf32> to vector<16xf32>
    %swap3A_251 = vector.shape_cast %broadcast_in_dim3A_12 : vector<16xf32> to vector<16xf32>
    tpu.vector_store %arg7[%swap3A_248], %swap3A_251 {strides = array<i32>} : memref<2048xf32, #tpu.memory_space<vmem>>, vector<16xf32>,
    %swap3A_252 = arith.constant 960 : index
    %swap3A_253 = tpu.vector_load %arg7[%swap3A_252] {strides = array<i32>} : memref<2048xf32, #tpu.memory_space<vmem>>, vector<16xf32>,
    %swap3A_254 = vector.shape_cast %swap3A_253 : vector<16xf32> to vector<16xf32>
    %swap3A_255 = vector.shape_cast %broadcast_in_dim3A_12 : vector<16xf32> to vector<16xf32>
    tpu.vector_store %arg7[%swap3A_252], %swap3A_255 {strides = array<i32>} : memref<2048xf32, #tpu.memory_space<vmem>>, vector<16xf32>,
    %swap3A_256 = arith.constant 976 : index
    %swap3A_257 = tpu.vector_load %arg7[%swap3A_256] {strides = array<i32>} : memref<2048xf32, #tpu.memory_space<vmem>>, vector<16xf32>,
    %swap3A_258 = vector.shape_cast %swap3A_257 : vector<16xf32> to vector<16xf32>
    %swap3A_259 = vector.shape_cast %broadcast_in_dim3A_12 : vector<16xf32> to vector<16xf32>
    tpu.vector_store %arg7[%swap3A_256], %swap3A_259 {strides = array<i32>} : memref<2048xf32, #tpu.memory_space<vmem>>, vector<16xf32>,
    %swap3A_260 = arith.constant 992 : index
    %swap3A_261 = tpu.vector_load %arg7[%swap3A_260] {strides = array<i32>} : memref<2048xf32, #tpu.memory_space<vmem>>, vector<16xf32>,
    %swap3A_262 = vector.shape_cast %swap3A_261 : vector<16xf32> to vector<16xf32>
    %swap3A_263 = vector.shape_cast %broadcast_in_dim3A_12 : vector<16xf32> to vector<16xf32>
    tpu.vector_store %arg7[%swap3A_260], %swap3A_263 {strides = array<i32>} : memref<2048xf32, #tpu.memory_space<vmem>>, vector<16xf32>,
    %swap3A_264 = arith.constant 1008 : index
    %swap3A_265 = tpu.vector_load %arg7[%swap3A_264] {strides = array<i32>} : memref<2048xf32, #tpu.memory_space<vmem>>, vector<16xf32>,
    %swap3A_266 = vector.shape_cast %swap3A_265 : vector<16xf32> to vector<16xf32>
    %swap3A_267 = vector.shape_cast %broadcast_in_dim3A_12 : vector<16xf32> to vector<16xf32>
    tpu.vector_store %arg7[%swap3A_264], %swap3A_267 {strides = array<i32>} : memref<2048xf32, #tpu.memory_space<vmem>>, vector<16xf32>,
    %swap3A_268 = arith.constant 1024 : index
    %swap3A_269 = tpu.vector_load %arg7[%swap3A_268] {strides = array<i32>} : memref<2048xf32, #tpu.memory_space<vmem>>, vector<16xf32>,
    %swap3A_270 = vector.shape_cast %swap3A_269 : vector<16xf32> to vector<16xf32>
    %swap3A_271 = vector.shape_cast %broadcast_in_dim3A_12 : vector<16xf32> to vector<16xf32>
    tpu.vector_store %arg7[%swap3A_268], %swap3A_271 {strides = array<i32>} : memref<2048xf32, #tpu.memory_space<vmem>>, vector<16xf32>,
    %swap3A_272 = arith.constant 1040 : index
    %swap3A_273 = tpu.vector_load %arg7[%swap3A_272] {strides = array<i32>} : memref<2048xf32, #tpu.memory_space<vmem>>, vector<16xf32>,
    %swap3A_274 = vector.shape_cast %swap3A_273 : vector<16xf32> to vector<16xf32>
    %swap3A_275 = vector.shape_cast %broadcast_in_dim3A_12 : vector<16xf32> to vector<16xf32>
    tpu.vector_store %arg7[%swap3A_272], %swap3A_275 {strides = array<i32>} : memref<2048xf32, #tpu.memory_space<vmem>>, vector<16xf32>,
    %swap3A_276 = arith.constant 1056 : index
    %swap3A_277 = tpu.vector_load %arg7[%swap3A_276] {strides = array<i32>} : memref<2048xf32, #tpu.memory_space<vmem>>, vector<16xf32>,
    %swap3A_278 = vector.shape_cast %swap3A_277 : vector<16xf32> to vector<16xf32>
    %swap3A_279 = vector.shape_cast %broadcast_in_dim3A_12 : vector<16xf32> to vector<16xf32>
    tpu.vector_store %arg7[%swap3A_276], %swap3A_279 {strides = array<i32>} : memref<2048xf32, #tpu.memory_space<vmem>>, vector<16xf32>,
    %swap3A_280 = arith.constant 1072 : index
    %swap3A_281 = tpu.vector_load %arg7[%swap3A_280] {strides = array<i32>} : memref<2048xf32, #tpu.memory_space<vmem>>, vector<16xf32>,
    %swap3A_282 = vector.shape_cast %swap3A_281 : vector<16xf32> to vector<16xf32>
    %swap3A_283 = vector.shape_cast %broadcast_in_dim3A_12 : vector<16xf32> to vector<16xf32>
    tpu.vector_store %arg7[%swap3A_280], %swap3A_283 {strides = array<i32>} : memref<2048xf32, #tpu.memory_space<vmem>>, vector<16xf32>,
    %swap3A_284 = arith.constant 1088 : index
    %swap3A_285 = tpu.vector_load %arg7[%swap3A_284] {strides = array<i32>} : memref<2048xf32, #tpu.memory_space<vmem>>, vector<16xf32>,
    %swap3A_286 = vector.shape_cast %swap3A_285 : vector<16xf32> to vector<16xf32>
    %swap3A_287 = vector.shape_cast %broadcast_in_dim3A_12 : vector<16xf32> to vector<16xf32>
    tpu.vector_store %arg7[%swap3A_284], %swap3A_287 {strides = array<i32>} : memref<2048xf32, #tpu.memory_space<vmem>>, vector<16xf32>,
    %swap3A_288 = arith.constant 1104 : index
    %swap3A_289 = tpu.vector_load %arg7[%swap3A_288] {strides = array<i32>} : memref<2048xf32, #tpu.memory_space<vmem>>, vector<16xf32>,
    %swap3A_290 = vector.shape_cast %swap3A_289 : vector<16xf32> to vector<16xf32>
    %swap3A_291 = vector.shape_cast %broadcast_in_dim3A_12 : vector<16xf32> to vector<16xf32>
    tpu.vector_store %arg7[%swap3A_288], %swap3A_291 {strides = array<i32>} : memref<2048xf32, #tpu.memory_space<vmem>>, vector<16xf32>,
    %swap3A_292 = arith.constant 1120 : index
    %swap3A_293 = tpu.vector_load %arg7[%swap3A_292] {strides = array<i32>} : memref<2048xf32, #tpu.memory_space<vmem>>, vector<16xf32>,
    %swap3A_294 = vector.shape_cast %swap3A_293 : vector<16xf32> to vector<16xf32>
    %swap3A_295 = vector.shape_cast %broadcast_in_dim3A_12 : vector<16xf32> to vector<16xf32>
    tpu.vector_store %arg7[%swap3A_292], %swap3A_295 {strides = array<i32>} : memref<2048xf32, #tpu.memory_space<vmem>>, vector<16xf32>,
    %swap3A_296 = arith.constant 1136 : index
    %swap3A_297 = tpu.vector_load %arg7[%swap3A_296] {strides = array<i32>} : memref<2048xf32, #tpu.memory_space<vmem>>, vector<16xf32>,
    %swap3A_298 = vector.shape_cast %swap3A_297 : vector<16xf32> to vector<16xf32>
    %swap3A_299 = vector.shape_cast %broadcast_in_dim3A_12 : vector<16xf32> to vector<16xf32>
    tpu.vector_store %arg7[%swap3A_296], %swap3A_299 {strides = array<i32>} : memref<2048xf32, #tpu.memory_space<vmem>>, vector<16xf32>,
    %swap3A_300 = arith.constant 1152 : index
    %swap3A_301 = tpu.vector_load %arg7[%swap3A_300] {strides = array<i32>} : memref<2048xf32, #tpu.memory_space<vmem>>, vector<16xf32>,
    %swap3A_302 = vector.shape_cast %swap3A_301 : vector<16xf32> to vector<16xf32>
    %swap3A_303 = vector.shape_cast %broadcast_in_dim3A_12 : vector<16xf32> to vector<16xf32>
    tpu.vector_store %arg7[%swap3A_300], %swap3A_303 {strides = array<i32>} : memref<2048xf32, #tpu.memory_space<vmem>>, vector<16xf32>,
    %swap3A_304 = arith.constant 1168 : index
    %swap3A_305 = tpu.vector_load %arg7[%swap3A_304] {strides = array<i32>} : memref<2048xf32, #tpu.memory_space<vmem>>, vector<16xf32>,
    %swap3A_306 = vector.shape_cast %swap3A_305 : vector<16xf32> to vector<16xf32>
    %swap3A_307 = vector.shape_cast %broadcast_in_dim3A_12 : vector<16xf32> to vector<16xf32>
    tpu.vector_store %arg7[%swap3A_304], %swap3A_307 {strides = array<i32>} : memref<2048xf32, #tpu.memory_space<vmem>>, vector<16xf32>,
    %swap3A_308 = arith.constant 1184 : index
    %swap3A_309 = tpu.vector_load %arg7[%swap3A_308] {strides = array<i32>} : memref<2048xf32, #tpu.memory_space<vmem>>, vector<16xf32>,
    %swap3A_310 = vector.shape_cast %swap3A_309 : vector<16xf32> to vector<16xf32>
    %swap3A_311 = vector.shape_cast %broadcast_in_dim3A_12 : vector<16xf32> to vector<16xf32>
    tpu.vector_store %arg7[%swap3A_308], %swap3A_311 {strides = array<i32>} : memref<2048xf32, #tpu.memory_space<vmem>>, vector<16xf32>,
    %swap3A_312 = arith.constant 1200 : index
    %swap3A_313 = tpu.vector_load %arg7[%swap3A_312] {strides = array<i32>} : memref<2048xf32, #tpu.memory_space<vmem>>, vector<16xf32>,
    %swap3A_314 = vector.shape_cast %swap3A_313 : vector<16xf32> to vector<16xf32>
    %swap3A_315 = vector.shape_cast %broadcast_in_dim3A_12 : vector<16xf32> to vector<16xf32>
    tpu.vector_store %arg7[%swap3A_312], %swap3A_315 {strides = array<i32>} : memref<2048xf32, #tpu.memory_space<vmem>>, vector<16xf32>,
    %swap3A_316 = arith.constant 1216 : index
    %swap3A_317 = tpu.vector_load %arg7[%swap3A_316] {strides = array<i32>} : memref<2048xf32, #tpu.memory_space<vmem>>, vector<16xf32>,
    %swap3A_318 = vector.shape_cast %swap3A_317 : vector<16xf32> to vector<16xf32>
    %swap3A_319 = vector.shape_cast %broadcast_in_dim3A_12 : vector<16xf32> to vector<16xf32>
    tpu.vector_store %arg7[%swap3A_316], %swap3A_319 {strides = array<i32>} : memref<2048xf32, #tpu.memory_space<vmem>>, vector<16xf32>,
    %swap3A_320 = arith.constant 1232 : index
    %swap3A_321 = tpu.vector_load %arg7[%swap3A_320] {strides = array<i32>} : memref<2048xf32, #tpu.memory_space<vmem>>, vector<16xf32>,
    %swap3A_322 = vector.shape_cast %swap3A_321 : vector<16xf32> to vector<16xf32>
    %swap3A_323 = vector.shape_cast %broadcast_in_dim3A_12 : vector<16xf32> to vector<16xf32>
    tpu.vector_store %arg7[%swap3A_320], %swap3A_323 {strides = array<i32>} : memref<2048xf32, #tpu.memory_space<vmem>>, vector<16xf32>,
    %swap3A_324 = arith.constant 1248 : index
    %swap3A_325 = tpu.vector_load %arg7[%swap3A_324] {strides = array<i32>} : memref<2048xf32, #tpu.memory_space<vmem>>, vector<16xf32>,
    %swap3A_326 = vector.shape_cast %swap3A_325 : vector<16xf32> to vector<16xf32>
    %swap3A_327 = vector.shape_cast %broadcast_in_dim3A_12 : vector<16xf32> to vector<16xf32>
    tpu.vector_store %arg7[%swap3A_324], %swap3A_327 {strides = array<i32>} : memref<2048xf32, #tpu.memory_space<vmem>>, vector<16xf32>,
    %swap3A_328 = arith.constant 1264 : index
    %swap3A_329 = tpu.vector_load %arg7[%swap3A_328] {strides = array<i32>} : memref<2048xf32, #tpu.memory_space<vmem>>, vector<16xf32>,
    %swap3A_330 = vector.shape_cast %swap3A_329 : vector<16xf32> to vector<16xf32>
    %swap3A_331 = vector.shape_cast %broadcast_in_dim3A_12 : vector<16xf32> to vector<16xf32>
    tpu.vector_store %arg7[%swap3A_328], %swap3A_331 {strides = array<i32>} : memref<2048xf32, #tpu.memory_space<vmem>>, vector<16xf32>,
    %swap3A_332 = arith.constant 1280 : index
    %swap3A_333 = tpu.vector_load %arg7[%swap3A_332] {strides = array<i32>} : memref<2048xf32, #tpu.memory_space<vmem>>, vector<16xf32>,
    %swap3A_334 = vector.shape_cast %swap3A_333 : vector<16xf32> to vector<16xf32>
    %swap3A_335 = vector.shape_cast %broadcast_in_dim3A_12 : vector<16xf32> to vector<16xf32>
    tpu.vector_store %arg7[%swap3A_332], %swap3A_335 {strides = array<i32>} : memref<2048xf32, #tpu.memory_space<vmem>>, vector<16xf32>,
    %swap3A_336 = arith.constant 1296 : index
    %swap3A_337 = tpu.vector_load %arg7[%swap3A_336] {strides = array<i32>} : memref<2048xf32, #tpu.memory_space<vmem>>, vector<16xf32>,
    %swap3A_338 = vector.shape_cast %swap3A_337 : vector<16xf32> to vector<16xf32>
    %swap3A_339 = vector.shape_cast %broadcast_in_dim3A_12 : vector<16xf32> to vector<16xf32>
    tpu.vector_store %arg7[%swap3A_336], %swap3A_339 {strides = array<i32>} : memref<2048xf32, #tpu.memory_space<vmem>>, vector<16xf32>,
    %swap3A_340 = arith.constant 1312 : index
    %swap3A_341 = tpu.vector_load %arg7[%swap3A_340] {strides = array<i32>} : memref<2048xf32, #tpu.memory_space<vmem>>, vector<16xf32>,
    %swap3A_342 = vector.shape_cast %swap3A_341 : vector<16xf32> to vector<16xf32>
    %swap3A_343 = vector.shape_cast %broadcast_in_dim3A_12 : vector<16xf32> to vector<16xf32>
    tpu.vector_store %arg7[%swap3A_340], %swap3A_343 {strides = array<i32>} : memref<2048xf32, #tpu.memory_space<vmem>>, vector<16xf32>,
    %swap3A_344 = arith.constant 1328 : index
    %swap3A_345 = tpu.vector_load %arg7[%swap3A_344] {strides = array<i32>} : memref<2048xf32, #tpu.memory_space<vmem>>, vector<16xf32>,
    %swap3A_346 = vector.shape_cast %swap3A_345 : vector<16xf32> to vector<16xf32>
    %swap3A_347 = vector.shape_cast %broadcast_in_dim3A_12 : vector<16xf32> to vector<16xf32>
    tpu.vector_store %arg7[%swap3A_344], %swap3A_347 {strides = array<i32>} : memref<2048xf32, #tpu.memory_space<vmem>>, vector<16xf32>,
    %swap3A_348 = arith.constant 1344 : index
    %swap3A_349 = tpu.vector_load %arg7[%swap3A_348] {strides = array<i32>} : memref<2048xf32, #tpu.memory_space<vmem>>, vector<16xf32>,
    %swap3A_350 = vector.shape_cast %swap3A_349 : vector<16xf32> to vector<16xf32>
    %swap3A_351 = vector.shape_cast %broadcast_in_dim3A_12 : vector<16xf32> to vector<16xf32>
    tpu.vector_store %arg7[%swap3A_348], %swap3A_351 {strides = array<i32>} : memref<2048xf32, #tpu.memory_space<vmem>>, vector<16xf32>,
    %swap3A_352 = arith.constant 1360 : index
    %swap3A_353 = tpu.vector_load %arg7[%swap3A_352] {strides = array<i32>} : memref<2048xf32, #tpu.memory_space<vmem>>, vector<16xf32>,
    %swap3A_354 = vector.shape_cast %swap3A_353 : vector<16xf32> to vector<16xf32>
    %swap3A_355 = vector.shape_cast %broadcast_in_dim3A_12 : vector<16xf32> to vector<16xf32>
    tpu.vector_store %arg7[%swap3A_352], %swap3A_355 {strides = array<i32>} : memref<2048xf32, #tpu.memory_space<vmem>>, vector<16xf32>,
    %swap3A_356 = arith.constant 1376 : index
    %swap3A_357 = tpu.vector_load %arg7[%swap3A_356] {strides = array<i32>} : memref<2048xf32, #tpu.memory_space<vmem>>, vector<16xf32>,
    %swap3A_358 = vector.shape_cast %swap3A_357 : vector<16xf32> to vector<16xf32>
    %swap3A_359 = vector.shape_cast %broadcast_in_dim3A_12 : vector<16xf32> to vector<16xf32>
    tpu.vector_store %arg7[%swap3A_356], %swap3A_359 {strides = array<i32>} : memref<2048xf32, #tpu.memory_space<vmem>>, vector<16xf32>,
    %swap3A_360 = arith.constant 1392 : index
    %swap3A_361 = tpu.vector_load %arg7[%swap3A_360] {strides = array<i32>} : memref<2048xf32, #tpu.memory_space<vmem>>, vector<16xf32>,
    %swap3A_362 = vector.shape_cast %swap3A_361 : vector<16xf32> to vector<16xf32>
    %swap3A_363 = vector.shape_cast %broadcast_in_dim3A_12 : vector<16xf32> to vector<16xf32>
    tpu.vector_store %arg7[%swap3A_360], %swap3A_363 {strides = array<i32>} : memref<2048xf32, #tpu.memory_space<vmem>>, vector<16xf32>,
    %swap3A_364 = arith.constant 1408 : index
    %swap3A_365 = tpu.vector_load %arg7[%swap3A_364] {strides = array<i32>} : memref<2048xf32, #tpu.memory_space<vmem>>, vector<16xf32>,
    %swap3A_366 = vector.shape_cast %swap3A_365 : vector<16xf32> to vector<16xf32>
    %swap3A_367 = vector.shape_cast %broadcast_in_dim3A_12 : vector<16xf32> to vector<16xf32>
    tpu.vector_store %arg7[%swap3A_364], %swap3A_367 {strides = array<i32>} : memref<2048xf32, #tpu.memory_space<vmem>>, vector<16xf32>,
    %swap3A_368 = arith.constant 1424 : index
    %swap3A_369 = tpu.vector_load %arg7[%swap3A_368] {strides = array<i32>} : memref<2048xf32, #tpu.memory_space<vmem>>, vector<16xf32>,
    %swap3A_370 = vector.shape_cast %swap3A_369 : vector<16xf32> to vector<16xf32>
    %swap3A_371 = vector.shape_cast %broadcast_in_dim3A_12 : vector<16xf32> to vector<16xf32>
    tpu.vector_store %arg7[%swap3A_368], %swap3A_371 {strides = array<i32>} : memref<2048xf32, #tpu.memory_space<vmem>>, vector<16xf32>,
    %swap3A_372 = arith.constant 1440 : index
    %swap3A_373 = tpu.vector_load %arg7[%swap3A_372] {strides = array<i32>} : memref<2048xf32, #tpu.memory_space<vmem>>, vector<16xf32>,
    %swap3A_374 = vector.shape_cast %swap3A_373 : vector<16xf32> to vector<16xf32>
    %swap3A_375 = vector.shape_cast %broadcast_in_dim3A_12 : vector<16xf32> to vector<16xf32>
    tpu.vector_store %arg7[%swap3A_372], %swap3A_375 {strides = array<i32>} : memref<2048xf32, #tpu.memory_space<vmem>>, vector<16xf32>,
    %swap3A_376 = arith.constant 1456 : index
    %swap3A_377 = tpu.vector_load %arg7[%swap3A_376] {strides = array<i32>} : memref<2048xf32, #tpu.memory_space<vmem>>, vector<16xf32>,
    %swap3A_378 = vector.shape_cast %swap3A_377 : vector<16xf32> to vector<16xf32>
    %swap3A_379 = vector.shape_cast %broadcast_in_dim3A_12 : vector<16xf32> to vector<16xf32>
    tpu.vector_store %arg7[%swap3A_376], %swap3A_379 {strides = array<i32>} : memref<2048xf32, #tpu.memory_space<vmem>>, vector<16xf32>,
    %swap3A_380 = arith.constant 1472 : index
    %swap3A_381 = tpu.vector_load %arg7[%swap3A_380] {strides = array<i32>} : memref<2048xf32, #tpu.memory_space<vmem>>, vector<16xf32>,
    %swap3A_382 = vector.shape_cast %swap3A_381 : vector<16xf32> to vector<16xf32>
    %swap3A_383 = vector.shape_cast %broadcast_in_dim3A_12 : vector<16xf32> to vector<16xf32>
    tpu.vector_store %arg7[%swap3A_380], %swap3A_383 {strides = array<i32>} : memref<2048xf32, #tpu.memory_space<vmem>>, vector<16xf32>,
    %swap3A_384 = arith.constant 1488 : index
    %swap3A_385 = tpu.vector_load %arg7[%swap3A_384] {strides = array<i32>} : memref<2048xf32, #tpu.memory_space<vmem>>, vector<16xf32>,
    %swap3A_386 = vector.shape_cast %swap3A_385 : vector<16xf32> to vector<16xf32>
    %swap3A_387 = vector.shape_cast %broadcast_in_dim3A_12 : vector<16xf32> to vector<16xf32>
    tpu.vector_store %arg7[%swap3A_384], %swap3A_387 {strides = array<i32>} : memref<2048xf32, #tpu.memory_space<vmem>>, vector<16xf32>,
    %swap3A_388 = arith.constant 1504 : index
    %swap3A_389 = tpu.vector_load %arg7[%swap3A_388] {strides = array<i32>} : memref<2048xf32, #tpu.memory_space<vmem>>, vector<16xf32>,
    %swap3A_390 = vector.shape_cast %swap3A_389 : vector<16xf32> to vector<16xf32>
    %swap3A_391 = vector.shape_cast %broadcast_in_dim3A_12 : vector<16xf32> to vector<16xf32>
    tpu.vector_store %arg7[%swap3A_388], %swap3A_391 {strides = array<i32>} : memref<2048xf32, #tpu.memory_space<vmem>>, vector<16xf32>,
    %swap3A_392 = arith.constant 1520 : index
    %swap3A_393 = tpu.vector_load %arg7[%swap3A_392] {strides = array<i32>} : memref<2048xf32, #tpu.memory_space<vmem>>, vector<16xf32>,
    %swap3A_394 = vector.shape_cast %swap3A_393 : vector<16xf32> to vector<16xf32>
    %swap3A_395 = vector.shape_cast %broadcast_in_dim3A_12 : vector<16xf32> to vector<16xf32>
    tpu.vector_store %arg7[%swap3A_392], %swap3A_395 {strides = array<i32>} : memref<2048xf32, #tpu.memory_space<vmem>>, vector<16xf32>,
    %swap3A_396 = arith.constant 1536 : index
    %swap3A_397 = tpu.vector_load %arg7[%swap3A_396] {strides = array<i32>} : memref<2048xf32, #tpu.memory_space<vmem>>, vector<16xf32>,
    %swap3A_398 = vector.shape_cast %swap3A_397 : vector<16xf32> to vector<16xf32>
    %swap3A_399 = vector.shape_cast %broadcast_in_dim3A_12 : vector<16xf32> to vector<16xf32>
    tpu.vector_store %arg7[%swap3A_396], %swap3A_399 {strides = array<i32>} : memref<2048xf32, #tpu.memory_space<vmem>>, vector<16xf32>,
    %swap3A_400 = arith.constant 1552 : index
    %swap3A_401 = tpu.vector_load %arg7[%swap3A_400] {strides = array<i32>} : memref<2048xf32, #tpu.memory_space<vmem>>, vector<16xf32>,
    %swap3A_402 = vector.shape_cast %swap3A_401 : vector<16xf32> to vector<16xf32>
    %swap3A_403 = vector.shape_cast %broadcast_in_dim3A_12 : vector<16xf32> to vector<16xf32>
    tpu.vector_store %arg7[%swap3A_400], %swap3A_403 {strides = array<i32>} : memref<2048xf32, #tpu.memory_space<vmem>>, vector<16xf32>,
    %swap3A_404 = arith.constant 1568 : index
    %swap3A_405 = tpu.vector_load %arg7[%swap3A_404] {strides = array<i32>} : memref<2048xf32, #tpu.memory_space<vmem>>, vector<16xf32>,
    %swap3A_406 = vector.shape_cast %swap3A_405 : vector<16xf32> to vector<16xf32>
    %swap3A_407 = vector.shape_cast %broadcast_in_dim3A_12 : vector<16xf32> to vector<16xf32>
    tpu.vector_store %arg7[%swap3A_404], %swap3A_407 {strides = array<i32>} : memref<2048xf32, #tpu.memory_space<vmem>>, vector<16xf32>,
    %swap3A_408 = arith.constant 1584 : index
    %swap3A_409 = tpu.vector_load %arg7[%swap3A_408] {strides = array<i32>} : memref<2048xf32, #tpu.memory_space<vmem>>, vector<16xf32>,
    %swap3A_410 = vector.shape_cast %swap3A_409 : vector<16xf32> to vector<16xf32>
    %swap3A_411 = vector.shape_cast %broadcast_in_dim3A_12 : vector<16xf32> to vector<16xf32>
    tpu.vector_store %arg7[%swap3A_408], %swap3A_411 {strides = array<i32>} : memref<2048xf32, #tpu.memory_space<vmem>>, vector<16xf32>,
    %swap3A_412 = arith.constant 1600 : index
    %swap3A_413 = tpu.vector_load %arg7[%swap3A_412] {strides = array<i32>} : memref<2048xf32, #tpu.memory_space<vmem>>, vector<16xf32>,
    %swap3A_414 = vector.shape_cast %swap3A_413 : vector<16xf32> to vector<16xf32>
    %swap3A_415 = vector.shape_cast %broadcast_in_dim3A_12 : vector<16xf32> to vector<16xf32>
    tpu.vector_store %arg7[%swap3A_412], %swap3A_415 {strides = array<i32>} : memref<2048xf32, #tpu.memory_space<vmem>>, vector<16xf32>,
    %swap3A_416 = arith.constant 1616 : index
    %swap3A_417 = tpu.vector_load %arg7[%swap3A_416] {strides = array<i32>} : memref<2048xf32, #tpu.memory_space<vmem>>, vector<16xf32>,
    %swap3A_418 = vector.shape_cast %swap3A_417 : vector<16xf32> to vector<16xf32>
    %swap3A_419 = vector.shape_cast %broadcast_in_dim3A_12 : vector<16xf32> to vector<16xf32>
    tpu.vector_store %arg7[%swap3A_416], %swap3A_419 {strides = array<i32>} : memref<2048xf32, #tpu.memory_space<vmem>>, vector<16xf32>,
    %swap3A_420 = arith.constant 1632 : index
    %swap3A_421 = tpu.vector_load %arg7[%swap3A_420] {strides = array<i32>} : memref<2048xf32, #tpu.memory_space<vmem>>, vector<16xf32>,
    %swap3A_422 = vector.shape_cast %swap3A_421 : vector<16xf32> to vector<16xf32>
    %swap3A_423 = vector.shape_cast %broadcast_in_dim3A_12 : vector<16xf32> to vector<16xf32>
    tpu.vector_store %arg7[%swap3A_420], %swap3A_423 {strides = array<i32>} : memref<2048xf32, #tpu.memory_space<vmem>>, vector<16xf32>,
    %swap3A_424 = arith.constant 1648 : index
    %swap3A_425 = tpu.vector_load %arg7[%swap3A_424] {strides = array<i32>} : memref<2048xf32, #tpu.memory_space<vmem>>, vector<16xf32>,
    %swap3A_426 = vector.shape_cast %swap3A_425 : vector<16xf32> to vector<16xf32>
    %swap3A_427 = vector.shape_cast %broadcast_in_dim3A_12 : vector<16xf32> to vector<16xf32>
    tpu.vector_store %arg7[%swap3A_424], %swap3A_427 {strides = array<i32>} : memref<2048xf32, #tpu.memory_space<vmem>>, vector<16xf32>,
    %swap3A_428 = arith.constant 1664 : index
    %swap3A_429 = tpu.vector_load %arg7[%swap3A_428] {strides = array<i32>} : memref<2048xf32, #tpu.memory_space<vmem>>, vector<16xf32>,
    %swap3A_430 = vector.shape_cast %swap3A_429 : vector<16xf32> to vector<16xf32>
    %swap3A_431 = vector.shape_cast %broadcast_in_dim3A_12 : vector<16xf32> to vector<16xf32>
    tpu.vector_store %arg7[%swap3A_428], %swap3A_431 {strides = array<i32>} : memref<2048xf32, #tpu.memory_space<vmem>>, vector<16xf32>,
    %swap3A_432 = arith.constant 1680 : index
    %swap3A_433 = tpu.vector_load %arg7[%swap3A_432] {strides = array<i32>} : memref<2048xf32, #tpu.memory_space<vmem>>, vector<16xf32>,
    %swap3A_434 = vector.shape_cast %swap3A_433 : vector<16xf32> to vector<16xf32>
    %swap3A_435 = vector.shape_cast %broadcast_in_dim3A_12 : vector<16xf32> to vector<16xf32>
    tpu.vector_store %arg7[%swap3A_432], %swap3A_435 {strides = array<i32>} : memref<2048xf32, #tpu.memory_space<vmem>>, vector<16xf32>,
    %swap3A_436 = arith.constant 1696 : index
    %swap3A_437 = tpu.vector_load %arg7[%swap3A_436] {strides = array<i32>} : memref<2048xf32, #tpu.memory_space<vmem>>, vector<16xf32>,
    %swap3A_438 = vector.shape_cast %swap3A_437 : vector<16xf32> to vector<16xf32>
    %swap3A_439 = vector.shape_cast %broadcast_in_dim3A_12 : vector<16xf32> to vector<16xf32>
    tpu.vector_store %arg7[%swap3A_436], %swap3A_439 {strides = array<i32>} : memref<2048xf32, #tpu.memory_space<vmem>>, vector<16xf32>,
    %swap3A_440 = arith.constant 1712 : index
    %swap3A_441 = tpu.vector_load %arg7[%swap3A_440] {strides = array<i32>} : memref<2048xf32, #tpu.memory_space<vmem>>, vector<16xf32>,
    %swap3A_442 = vector.shape_cast %swap3A_441 : vector<16xf32> to vector<16xf32>
    %swap3A_443 = vector.shape_cast %broadcast_in_dim3A_12 : vector<16xf32> to vector<16xf32>
    tpu.vector_store %arg7[%swap3A_440], %swap3A_443 {strides = array<i32>} : memref<2048xf32, #tpu.memory_space<vmem>>, vector<16xf32>,
    %swap3A_444 = arith.constant 1728 : index
    %swap3A_445 = tpu.vector_load %arg7[%swap3A_444] {strides = array<i32>} : memref<2048xf32, #tpu.memory_space<vmem>>, vector<16xf32>,
    %swap3A_446 = vector.shape_cast %swap3A_445 : vector<16xf32> to vector<16xf32>
    %swap3A_447 = vector.shape_cast %broadcast_in_dim3A_12 : vector<16xf32> to vector<16xf32>
    tpu.vector_store %arg7[%swap3A_444], %swap3A_447 {strides = array<i32>} : memref<2048xf32, #tpu.memory_space<vmem>>, vector<16xf32>,
    %swap3A_448 = arith.constant 1744 : index
    %swap3A_449 = tpu.vector_load %arg7[%swap3A_448] {strides = array<i32>} : memref<2048xf32, #tpu.memory_space<vmem>>, vector<16xf32>,
    %swap3A_450 = vector.shape_cast %swap3A_449 : vector<16xf32> to vector<16xf32>
    %swap3A_451 = vector.shape_cast %broadcast_in_dim3A_12 : vector<16xf32> to vector<16xf32>
    tpu.vector_store %arg7[%swap3A_448], %swap3A_451 {strides = array<i32>} : memref<2048xf32, #tpu.memory_space<vmem>>, vector<16xf32>,
    %swap3A_452 = arith.constant 1760 : index
    %swap3A_453 = tpu.vector_load %arg7[%swap3A_452] {strides = array<i32>} : memref<2048xf32, #tpu.memory_space<vmem>>, vector<16xf32>,
    %swap3A_454 = vector.shape_cast %swap3A_453 : vector<16xf32> to vector<16xf32>
    %swap3A_455 = vector.shape_cast %broadcast_in_dim3A_12 : vector<16xf32> to vector<16xf32>
    tpu.vector_store %arg7[%swap3A_452], %swap3A_455 {strides = array<i32>} : memref<2048xf32, #tpu.memory_space<vmem>>, vector<16xf32>,
    %swap3A_456 = arith.constant 1776 : index
    %swap3A_457 = tpu.vector_load %arg7[%swap3A_456] {strides = array<i32>} : memref<2048xf32, #tpu.memory_space<vmem>>, vector<16xf32>,
    %swap3A_458 = vector.shape_cast %swap3A_457 : vector<16xf32> to vector<16xf32>
    %swap3A_459 = vector.shape_cast %broadcast_in_dim3A_12 : vector<16xf32> to vector<16xf32>
    tpu.vector_store %arg7[%swap3A_456], %swap3A_459 {strides = array<i32>} : memref<2048xf32, #tpu.memory_space<vmem>>, vector<16xf32>,
    %swap3A_460 = arith.constant 1792 : index
    %swap3A_461 = tpu.vector_load %arg7[%swap3A_460] {strides = array<i32>} : memref<2048xf32, #tpu.memory_space<vmem>>, vector<16xf32>,
    %swap3A_462 = vector.shape_cast %swap3A_461 : vector<16xf32> to vector<16xf32>
    %swap3A_463 = vector.shape_cast %broadcast_in_dim3A_12 : vector<16xf32> to vector<16xf32>
    tpu.vector_store %arg7[%swap3A_460], %swap3A_463 {strides = array<i32>} : memref<2048xf32, #tpu.memory_space<vmem>>, vector<16xf32>,
    %swap3A_464 = arith.constant 1808 : index
    %swap3A_465 = tpu.vector_load %arg7[%swap3A_464] {strides = array<i32>} : memref<2048xf32, #tpu.memory_space<vmem>>, vector<16xf32>,
    %swap3A_466 = vector.shape_cast %swap3A_465 : vector<16xf32> to vector<16xf32>
    %swap3A_467 = vector.shape_cast %broadcast_in_dim3A_12 : vector<16xf32> to vector<16xf32>
    tpu.vector_store %arg7[%swap3A_464], %swap3A_467 {strides = array<i32>} : memref<2048xf32, #tpu.memory_space<vmem>>, vector<16xf32>,
    %swap3A_468 = arith.constant 1824 : index
    %swap3A_469 = tpu.vector_load %arg7[%swap3A_468] {strides = array<i32>} : memref<2048xf32, #tpu.memory_space<vmem>>, vector<16xf32>,
    %swap3A_470 = vector.shape_cast %swap3A_469 : vector<16xf32> to vector<16xf32>
    %swap3A_471 = vector.shape_cast %broadcast_in_dim3A_12 : vector<16xf32> to vector<16xf32>
    tpu.vector_store %arg7[%swap3A_468], %swap3A_471 {strides = array<i32>} : memref<2048xf32, #tpu.memory_space<vmem>>, vector<16xf32>,
    %swap3A_472 = arith.constant 1840 : index
    %swap3A_473 = tpu.vector_load %arg7[%swap3A_472] {strides = array<i32>} : memref<2048xf32, #tpu.memory_space<vmem>>, vector<16xf32>,
    %swap3A_474 = vector.shape_cast %swap3A_473 : vector<16xf32> to vector<16xf32>
    %swap3A_475 = vector.shape_cast %broadcast_in_dim3A_12 : vector<16xf32> to vector<16xf32>
    tpu.vector_store %arg7[%swap3A_472], %swap3A_475 {strides = array<i32>} : memref<2048xf32, #tpu.memory_space<vmem>>, vector<16xf32>,
    %swap3A_476 = arith.constant 1856 : index
    %swap3A_477 = tpu.vector_load %arg7[%swap3A_476] {strides = array<i32>} : memref<2048xf32, #tpu.memory_space<vmem>>, vector<16xf32>,
    %swap3A_478 = vector.shape_cast %swap3A_477 : vector<16xf32> to vector<16xf32>
    %swap3A_479 = vector.shape_cast %broadcast_in_dim3A_12 : vector<16xf32> to vector<16xf32>
    tpu.vector_store %arg7[%swap3A_476], %swap3A_479 {strides = array<i32>} : memref<2048xf32, #tpu.memory_space<vmem>>, vector<16xf32>,
    %swap3A_480 = arith.constant 1872 : index
    %swap3A_481 = tpu.vector_load %arg7[%swap3A_480] {strides = array<i32>} : memref<2048xf32, #tpu.memory_space<vmem>>, vector<16xf32>,
    %swap3A_482 = vector.shape_cast %swap3A_481 : vector<16xf32> to vector<16xf32>
    %swap3A_483 = vector.shape_cast %broadcast_in_dim3A_12 : vector<16xf32> to vector<16xf32>
    tpu.vector_store %arg7[%swap3A_480], %swap3A_483 {strides = array<i32>} : memref<2048xf32, #tpu.memory_space<vmem>>, vector<16xf32>,
    %swap3A_484 = arith.constant 1888 : index
    %swap3A_485 = tpu.vector_load %arg7[%swap3A_484] {strides = array<i32>} : memref<2048xf32, #tpu.memory_space<vmem>>, vector<16xf32>,
    %swap3A_486 = vector.shape_cast %swap3A_485 : vector<16xf32> to vector<16xf32>
    %swap3A_487 = vector.shape_cast %broadcast_in_dim3A_12 : vector<16xf32> to vector<16xf32>
    tpu.vector_store %arg7[%swap3A_484], %swap3A_487 {strides = array<i32>} : memref<2048xf32, #tpu.memory_space<vmem>>, vector<16xf32>,
    %swap3A_488 = arith.constant 1904 : index
    %swap3A_489 = tpu.vector_load %arg7[%swap3A_488] {strides = array<i32>} : memref<2048xf32, #tpu.memory_space<vmem>>, vector<16xf32>,
    %swap3A_490 = vector.shape_cast %swap3A_489 : vector<16xf32> to vector<16xf32>
    %swap3A_491 = vector.shape_cast %broadcast_in_dim3A_12 : vector<16xf32> to vector<16xf32>
    tpu.vector_store %arg7[%swap3A_488], %swap3A_491 {strides = array<i32>} : memref<2048xf32, #tpu.memory_space<vmem>>, vector<16xf32>,
    %swap3A_492 = arith.constant 1920 : index
    %swap3A_493 = tpu.vector_load %arg7[%swap3A_492] {strides = array<i32>} : memref<2048xf32, #tpu.memory_space<vmem>>, vector<16xf32>,
    %swap3A_494 = vector.shape_cast %swap3A_493 : vector<16xf32> to vector<16xf32>
    %swap3A_495 = vector.shape_cast %broadcast_in_dim3A_12 : vector<16xf32> to vector<16xf32>
    tpu.vector_store %arg7[%swap3A_492], %swap3A_495 {strides = array<i32>} : memref<2048xf32, #tpu.memory_space<vmem>>, vector<16xf32>,
    %swap3A_496 = arith.constant 1936 : index
    %swap3A_497 = tpu.vector_load %arg7[%swap3A_496] {strides = array<i32>} : memref<2048xf32, #tpu.memory_space<vmem>>, vector<16xf32>,
    %swap3A_498 = vector.shape_cast %swap3A_497 : vector<16xf32> to vector<16xf32>
    %swap3A_499 = vector.shape_cast %broadcast_in_dim3A_12 : vector<16xf32> to vector<16xf32>
    tpu.vector_store %arg7[%swap3A_496], %swap3A_499 {strides = array<i32>} : memref<2048xf32, #tpu.memory_space<vmem>>, vector<16xf32>,
    %swap3A_500 = arith.constant 1952 : index
    %swap3A_501 = tpu.vector_load %arg7[%swap3A_500] {strides = array<i32>} : memref<2048xf32, #tpu.memory_space<vmem>>, vector<16xf32>,
    %swap3A_502 = vector.shape_cast %swap3A_501 : vector<16xf32> to vector<16xf32>
    %swap3A_503 = vector.shape_cast %broadcast_in_dim3A_12 : vector<16xf32> to vector<16xf32>
    tpu.vector_store %arg7[%swap3A_500], %swap3A_503 {strides = array<i32>} : memref<2048xf32, #tpu.memory_space<vmem>>, vector<16xf32>,
    %swap3A_504 = arith.constant 1968 : index
    %swap3A_505 = tpu.vector_load %arg7[%swap3A_504] {strides = array<i32>} : memref<2048xf32, #tpu.memory_space<vmem>>, vector<16xf32>,
    %swap3A_506 = vector.shape_cast %swap3A_505 : vector<16xf32> to vector<16xf32>
    %swap3A_507 = vector.shape_cast %broadcast_in_dim3A_12 : vector<16xf32> to vector<16xf32>
    tpu.vector_store %arg7[%swap3A_504], %swap3A_507 {strides = array<i32>} : memref<2048xf32, #tpu.memory_space<vmem>>, vector<16xf32>,
    %swap3A_508 = arith.constant 1984 : index
    %swap3A_509 = tpu.vector_load %arg7[%swap3A_508] {strides = array<i32>} : memref<2048xf32, #tpu.memory_space<vmem>>, vector<16xf32>,
    %swap3A_510 = vector.shape_cast %swap3A_509 : vector<16xf32> to vector<16xf32>
    %swap3A_511 = vector.shape_cast %broadcast_in_dim3A_12 : vector<16xf32> to vector<16xf32>
    tpu.vector_store %arg7[%swap3A_508], %swap3A_511 {strides = array<i32>} : memref<2048xf32, #tpu.memory_space<vmem>>, vector<16xf32>,
    %swap3A_512 = arith.constant 2000 : index
    %swap3A_513 = tpu.vector_load %arg7[%swap3A_512] {strides = array<i32>} : memref<2048xf32, #tpu.memory_space<vmem>>, vector<16xf32>,
    %swap3A_514 = vector.shape_cast %swap3A_513 : vector<16xf32> to vector<16xf32>
    %swap3A_515 = vector.shape_cast %broadcast_in_dim3A_12 : vector<16xf32> to vector<16xf32>
    tpu.vector_store %arg7[%swap3A_512], %swap3A_515 {strides = array<i32>} : memref<2048xf32, #tpu.memory_space<vmem>>, vector<16xf32>,
    %swap3A_516 = arith.constant 2016 : index
    %swap3A_517 = tpu.vector_load %arg7[%swap3A_516] {strides = array<i32>} : memref<2048xf32, #tpu.memory_space<vmem>>, vector<16xf32>,
    %swap3A_518 = vector.shape_cast %swap3A_517 : vector<16xf32> to vector<16xf32>
    %swap3A_519 = vector.shape_cast %broadcast_in_dim3A_12 : vector<16xf32> to vector<16xf32>
    tpu.vector_store %arg7[%swap3A_516], %swap3A_519 {strides = array<i32>} : memref<2048xf32, #tpu.memory_space<vmem>>, vector<16xf32>,
    %swap3A_520 = arith.constant 2032 : index
    %swap3A_521 = tpu.vector_load %arg7[%swap3A_520] {strides = array<i32>} : memref<2048xf32, #tpu.memory_space<vmem>>, vector<16xf32>,
    %swap3A_522 = vector.shape_cast %swap3A_521 : vector<16xf32> to vector<16xf32>
    %swap3A_523 = vector.shape_cast %broadcast_in_dim3A_12 : vector<16xf32> to vector<16xf32>
    tpu.vector_store %arg7[%swap3A_520], %swap3A_523 {strides = array<i32>} : memref<2048xf32, #tpu.memory_space<vmem>>, vector<16xf32>,
    %dma_wait3A = arith.constant 0 : i32
    %dma_wait3A_524 = tpu.memref_slice %arg5[%dma_wait3A] : memref<80xi32, #tpu.memory_space<vmem>> -> memref<64xi32, #tpu.memory_space<vmem>>
    %dma_wait3A_525 = tpu.memref_slice %arg3[%mul3A_2] : memref<2048xi32, #tpu.memory_space<hbm>> -> memref<64xi32, #tpu.memory_space<hbm>>
    %dma_wait3A_526 = arith.constant 0 : i32
    %dma_wait3A_527 = tpu.memref_slice %arg5[%dma_wait3A_526] : memref<80xi32, #tpu.memory_space<vmem>> -> memref<64xi32, #tpu.memory_space<vmem>>
    %dma_wait3A_528 = tpu.memref_slice %arg3[%mul3A_2] : memref<2048xi32, #tpu.memory_space<hbm>> -> memref<64xi32, #tpu.memory_space<hbm>>
    tpu.wait_dma2 semaphore(%arg8 : memref<!tpu.dma_semaphore, #tpu.memory_space<semaphore_mem>>) src(%dma_wait3A_528 : memref<64xi32, #tpu.memory_space<hbm>>) dst(%dma_wait3A_527 : memref<64xi32, #tpu.memory_space<vmem>>)
    %dma_wait3A_529 = tpu.memref_slice %arg2[%mul3A_9] : memref<262144xf32, #tpu.memory_space<hbm>> -> memref<8192xf32, #tpu.memory_space<hbm>>
    %dma_wait3A_530 = tpu.memref_slice %arg2[%mul3A_9] : memref<262144xf32, #tpu.memory_space<hbm>> -> memref<8192xf32, #tpu.memory_space<hbm>>
    tpu.wait_dma2 semaphore(%arg9 : memref<!tpu.dma_semaphore, #tpu.memory_space<semaphore_mem>>) src(%dma_wait3A_530 : memref<8192xf32, #tpu.memory_space<hbm>>) dst(%arg6 : memref<8192xf32, #tpu.memory_space<vmem>>)
    %parallel_loop3A = arith.constant 0 : i32
    %parallel_loop3A_531 = arith.constant 64 : i32
    %parallel_loop3A_532 = arith.constant 1 : i32
    scf.for %parallel_loop3A_537 = %parallel_loop3A to %parallel_loop3A_531 step %parallel_loop3A_532  : i32 {
      %parallel_loop3A_538 = arith.index_cast %parallel_loop3A_537 : i32 to index
      %parallel_loop3A_539 = tpu.vector_load %arg5[%parallel_loop3A_538] {strides = array<i32>} : memref<80xi32, #tpu.memory_space<vmem>>, vector<16xi32>,
      %parallel_loop3A_540 = vector.shape_cast %parallel_loop3A_539 : vector<16xi32> to vector<16xi32>
      %parallel_loop3A_541 = vector.extract_strided_slice %parallel_loop3A_540 {offsets = [0], sizes = [1], strides = [1]} : vector<16xi32> to vector<1xi32>
      %parallel_loop3A_542 = vector.extract %parallel_loop3A_541[0] : i32 from vector<1xi32>
      %parallel_loop3A_543 = arith.constant 128 : i32
      %parallel_loop3A_544 = arith.muli %parallel_loop3A_542, %parallel_loop3A_543 : i32
      %parallel_loop3A_545 = arith.constant 0 : i32
      %parallel_loop3A_546 = arith.addi %parallel_loop3A_544, %parallel_loop3A_545 : i32
      %parallel_loop3A_547 = arith.constant 128 : i32
      %parallel_loop3A_548 = arith.muli %parallel_loop3A_537, %parallel_loop3A_547 : i32
      %parallel_loop3A_549 = arith.constant 0 : i32
      %parallel_loop3A_550 = arith.addi %parallel_loop3A_548, %parallel_loop3A_549 : i32
      %parallel_loop3A_551 = arith.index_cast %parallel_loop3A_550 : i32 to index
      %parallel_loop3A_552 = tpu.vector_load %arg6[%parallel_loop3A_551] {strides = array<i32>} : memref<8192xf32, #tpu.memory_space<vmem>>, vector<16xf32>,
      %parallel_loop3A_553 = vector.shape_cast %parallel_loop3A_552 : vector<16xf32> to vector<16xf32>
      %parallel_loop3A_554 = arith.index_cast %parallel_loop3A_546 : i32 to index
      %parallel_loop3A_555 = tpu.vector_load %arg7[%parallel_loop3A_554] {strides = array<i32>} : memref<2048xf32, #tpu.memory_space<vmem>>, vector<16xf32>,
      %parallel_loop3A_556 = vector.shape_cast %parallel_loop3A_555 : vector<16xf32> to vector<16xf32>
      %parallel_loop3A_557 = vector.shape_cast %parallel_loop3A_553 : vector<16xf32> to vector<16xf32>
      tpu.vector_store %arg7[%parallel_loop3A_554], %parallel_loop3A_557 {add = true, strides = array<i32>} : memref<2048xf32, #tpu.memory_space<vmem>>, vector<16xf32>,
      %parallel_loop3A_558 = arith.constant 16 : i32
      %parallel_loop3A_559 = arith.addi %parallel_loop3A_544, %parallel_loop3A_558 : i32
      %parallel_loop3A_560 = arith.constant 128 : i32
      %parallel_loop3A_561 = arith.muli %parallel_loop3A_537, %parallel_loop3A_560 : i32
      %parallel_loop3A_562 = arith.constant 16 : i32
      %parallel_loop3A_563 = arith.addi %parallel_loop3A_561, %parallel_loop3A_562 : i32
      %parallel_loop3A_564 = arith.index_cast %parallel_loop3A_563 : i32 to index
      %parallel_loop3A_565 = tpu.vector_load %arg6[%parallel_loop3A_564] {strides = array<i32>} : memref<8192xf32, #tpu.memory_space<vmem>>, vector<16xf32>,
      %parallel_loop3A_566 = vector.shape_cast %parallel_loop3A_565 : vector<16xf32> to vector<16xf32>
      %parallel_loop3A_567 = arith.index_cast %parallel_loop3A_559 : i32 to index
      %parallel_loop3A_568 = tpu.vector_load %arg7[%parallel_loop3A_567] {strides = array<i32>} : memref<2048xf32, #tpu.memory_space<vmem>>, vector<16xf32>,
      %parallel_loop3A_569 = vector.shape_cast %parallel_loop3A_568 : vector<16xf32> to vector<16xf32>
      %parallel_loop3A_570 = vector.shape_cast %parallel_loop3A_566 : vector<16xf32> to vector<16xf32>
      tpu.vector_store %arg7[%parallel_loop3A_567], %parallel_loop3A_570 {add = true, strides = array<i32>} : memref<2048xf32, #tpu.memory_space<vmem>>, vector<16xf32>,
      %parallel_loop3A_571 = arith.constant 32 : i32
      %parallel_loop3A_572 = arith.addi %parallel_loop3A_544, %parallel_loop3A_571 : i32
      %parallel_loop3A_573 = arith.constant 128 : i32
      %parallel_loop3A_574 = arith.muli %parallel_loop3A_537, %parallel_loop3A_573 : i32
      %parallel_loop3A_575 = arith.constant 32 : i32
      %parallel_loop3A_576 = arith.addi %parallel_loop3A_574, %parallel_loop3A_575 : i32
      %parallel_loop3A_577 = arith.index_cast %parallel_loop3A_576 : i32 to index
      %parallel_loop3A_578 = tpu.vector_load %arg6[%parallel_loop3A_577] {strides = array<i32>} : memref<8192xf32, #tpu.memory_space<vmem>>, vector<16xf32>,
      %parallel_loop3A_579 = vector.shape_cast %parallel_loop3A_578 : vector<16xf32> to vector<16xf32>
      %parallel_loop3A_580 = arith.index_cast %parallel_loop3A_572 : i32 to index
      %parallel_loop3A_581 = tpu.vector_load %arg7[%parallel_loop3A_580] {strides = array<i32>} : memref<2048xf32, #tpu.memory_space<vmem>>, vector<16xf32>,
      %parallel_loop3A_582 = vector.shape_cast %parallel_loop3A_581 : vector<16xf32> to vector<16xf32>
      %parallel_loop3A_583 = vector.shape_cast %parallel_loop3A_579 : vector<16xf32> to vector<16xf32>
      tpu.vector_store %arg7[%parallel_loop3A_580], %parallel_loop3A_583 {add = true, strides = array<i32>} : memref<2048xf32, #tpu.memory_space<vmem>>, vector<16xf32>,
      %parallel_loop3A_584 = arith.constant 48 : i32
      %parallel_loop3A_585 = arith.addi %parallel_loop3A_544, %parallel_loop3A_584 : i32
      %parallel_loop3A_586 = arith.constant 128 : i32
      %parallel_loop3A_587 = arith.muli %parallel_loop3A_537, %parallel_loop3A_586 : i32
      %parallel_loop3A_588 = arith.constant 48 : i32
      %parallel_loop3A_589 = arith.addi %parallel_loop3A_587, %parallel_loop3A_588 : i32
      %parallel_loop3A_590 = arith.index_cast %parallel_loop3A_589 : i32 to index
      %parallel_loop3A_591 = tpu.vector_load %arg6[%parallel_loop3A_590] {strides = array<i32>} : memref<8192xf32, #tpu.memory_space<vmem>>, vector<16xf32>,
      %parallel_loop3A_592 = vector.shape_cast %parallel_loop3A_591 : vector<16xf32> to vector<16xf32>
      %parallel_loop3A_593 = arith.index_cast %parallel_loop3A_585 : i32 to index
      %parallel_loop3A_594 = tpu.vector_load %arg7[%parallel_loop3A_593] {strides = array<i32>} : memref<2048xf32, #tpu.memory_space<vmem>>, vector<16xf32>,
      %parallel_loop3A_595 = vector.shape_cast %parallel_loop3A_594 : vector<16xf32> to vector<16xf32>
      %parallel_loop3A_596 = vector.shape_cast %parallel_loop3A_592 : vector<16xf32> to vector<16xf32>
      tpu.vector_store %arg7[%parallel_loop3A_593], %parallel_loop3A_596 {add = true, strides = array<i32>} : memref<2048xf32, #tpu.memory_space<vmem>>, vector<16xf32>,
      %parallel_loop3A_597 = arith.constant 64 : i32
      %parallel_loop3A_598 = arith.addi %parallel_loop3A_544, %parallel_loop3A_597 : i32
      %parallel_loop3A_599 = arith.constant 128 : i32
      %parallel_loop3A_600 = arith.muli %parallel_loop3A_537, %parallel_loop3A_599 : i32
      %parallel_loop3A_601 = arith.constant 64 : i32
      %parallel_loop3A_602 = arith.addi %parallel_loop3A_600, %parallel_loop3A_601 : i32
      %parallel_loop3A_603 = arith.index_cast %parallel_loop3A_602 : i32 to index
      %parallel_loop3A_604 = tpu.vector_load %arg6[%parallel_loop3A_603] {strides = array<i32>} : memref<8192xf32, #tpu.memory_space<vmem>>, vector<16xf32>,
      %parallel_loop3A_605 = vector.shape_cast %parallel_loop3A_604 : vector<16xf32> to vector<16xf32>
      %parallel_loop3A_606 = arith.index_cast %parallel_loop3A_598 : i32 to index
      %parallel_loop3A_607 = tpu.vector_load %arg7[%parallel_loop3A_606] {strides = array<i32>} : memref<2048xf32, #tpu.memory_space<vmem>>, vector<16xf32>,
      %parallel_loop3A_608 = vector.shape_cast %parallel_loop3A_607 : vector<16xf32> to vector<16xf32>
      %parallel_loop3A_609 = vector.shape_cast %parallel_loop3A_605 : vector<16xf32> to vector<16xf32>
      tpu.vector_store %arg7[%parallel_loop3A_606], %parallel_loop3A_609 {add = true, strides = array<i32>} : memref<2048xf32, #tpu.memory_space<vmem>>, vector<16xf32>,
      %parallel_loop3A_610 = arith.constant 80 : i32
      %parallel_loop3A_611 = arith.addi %parallel_loop3A_544, %parallel_loop3A_610 : i32
      %parallel_loop3A_612 = arith.constant 128 : i32
      %parallel_loop3A_613 = arith.muli %parallel_loop3A_537, %parallel_loop3A_612 : i32
      %parallel_loop3A_614 = arith.constant 80 : i32
      %parallel_loop3A_615 = arith.addi %parallel_loop3A_613, %parallel_loop3A_614 : i32
      %parallel_loop3A_616 = arith.index_cast %parallel_loop3A_615 : i32 to index
      %parallel_loop3A_617 = tpu.vector_load %arg6[%parallel_loop3A_616] {strides = array<i32>} : memref<8192xf32, #tpu.memory_space<vmem>>, vector<16xf32>,
      %parallel_loop3A_618 = vector.shape_cast %parallel_loop3A_617 : vector<16xf32> to vector<16xf32>
      %parallel_loop3A_619 = arith.index_cast %parallel_loop3A_611 : i32 to index
      %parallel_loop3A_620 = tpu.vector_load %arg7[%parallel_loop3A_619] {strides = array<i32>} : memref<2048xf32, #tpu.memory_space<vmem>>, vector<16xf32>,
      %parallel_loop3A_621 = vector.shape_cast %parallel_loop3A_620 : vector<16xf32> to vector<16xf32>
      %parallel_loop3A_622 = vector.shape_cast %parallel_loop3A_618 : vector<16xf32> to vector<16xf32>
      tpu.vector_store %arg7[%parallel_loop3A_619], %parallel_loop3A_622 {add = true, strides = array<i32>} : memref<2048xf32, #tpu.memory_space<vmem>>, vector<16xf32>,
      %parallel_loop3A_623 = arith.constant 96 : i32
      %parallel_loop3A_624 = arith.addi %parallel_loop3A_544, %parallel_loop3A_623 : i32
      %parallel_loop3A_625 = arith.constant 128 : i32
      %parallel_loop3A_626 = arith.muli %parallel_loop3A_537, %parallel_loop3A_625 : i32
      %parallel_loop3A_627 = arith.constant 96 : i32
      %parallel_loop3A_628 = arith.addi %parallel_loop3A_626, %parallel_loop3A_627 : i32
      %parallel_loop3A_629 = arith.index_cast %parallel_loop3A_628 : i32 to index
      %parallel_loop3A_630 = tpu.vector_load %arg6[%parallel_loop3A_629] {strides = array<i32>} : memref<8192xf32, #tpu.memory_space<vmem>>, vector<16xf32>,
      %parallel_loop3A_631 = vector.shape_cast %parallel_loop3A_630 : vector<16xf32> to vector<16xf32>
      %parallel_loop3A_632 = arith.index_cast %parallel_loop3A_624 : i32 to index
      %parallel_loop3A_633 = tpu.vector_load %arg7[%parallel_loop3A_632] {strides = array<i32>} : memref<2048xf32, #tpu.memory_space<vmem>>, vector<16xf32>,
      %parallel_loop3A_634 = vector.shape_cast %parallel_loop3A_633 : vector<16xf32> to vector<16xf32>
      %parallel_loop3A_635 = vector.shape_cast %parallel_loop3A_631 : vector<16xf32> to vector<16xf32>
      tpu.vector_store %arg7[%parallel_loop3A_632], %parallel_loop3A_635 {add = true, strides = array<i32>} : memref<2048xf32, #tpu.memory_space<vmem>>, vector<16xf32>,
      %parallel_loop3A_636 = arith.constant 112 : i32
      %parallel_loop3A_637 = arith.addi %parallel_loop3A_544, %parallel_loop3A_636 : i32
      %parallel_loop3A_638 = arith.constant 128 : i32
      %parallel_loop3A_639 = arith.muli %parallel_loop3A_537, %parallel_loop3A_638 : i32
      %parallel_loop3A_640 = arith.constant 112 : i32
      %parallel_loop3A_641 = arith.addi %parallel_loop3A_639, %parallel_loop3A_640 : i32
      %parallel_loop3A_642 = arith.index_cast %parallel_loop3A_641 : i32 to index
      %parallel_loop3A_643 = tpu.vector_load %arg6[%parallel_loop3A_642] {strides = array<i32>} : memref<8192xf32, #tpu.memory_space<vmem>>, vector<16xf32>,
      %parallel_loop3A_644 = vector.shape_cast %parallel_loop3A_643 : vector<16xf32> to vector<16xf32>
      %parallel_loop3A_645 = arith.index_cast %parallel_loop3A_637 : i32 to index
      %parallel_loop3A_646 = tpu.vector_load %arg7[%parallel_loop3A_645] {strides = array<i32>} : memref<2048xf32, #tpu.memory_space<vmem>>, vector<16xf32>,
      %parallel_loop3A_647 = vector.shape_cast %parallel_loop3A_646 : vector<16xf32> to vector<16xf32>
      %parallel_loop3A_648 = vector.shape_cast %parallel_loop3A_644 : vector<16xf32> to vector<16xf32>
      tpu.vector_store %arg7[%parallel_loop3A_645], %parallel_loop3A_648 {add = true, strides = array<i32>} : memref<2048xf32, #tpu.memory_space<vmem>>, vector<16xf32>,
    } {sc.loop_unroll_factor = 16 : i64, sc.parallel_access}
    %mul3A_533 = arith.constant 16 : i32
    %mul3A_534 = arith.muli %add3A, %mul3A_533 : i32
    %mul3A_535 = arith.constant 128 : i32
    %mul3A_536 = arith.muli %mul3A_534, %mul3A_535 : i32
    "tpu.region"() ({
      %run_scoped3A = tpu.sem_alloc : memref<!tpu.dma_semaphore, #tpu.memory_space<semaphore_mem>>
      %dma_start3A_537 = tpu.memref_slice %arg4[%mul3A_536] : memref<65536xf32, #tpu.memory_space<hbm>> -> memref<2048xf32, #tpu.memory_space<hbm>>
      %dma_start3A_538 = tpu.memref_slice %arg4[%mul3A_536] : memref<65536xf32, #tpu.memory_space<hbm>> -> memref<2048xf32, #tpu.memory_space<hbm>>
      tpu.enqueue_dma source(%arg7 : memref<2048xf32, #tpu.memory_space<vmem>>) target(%dma_start3A_538 : memref<2048xf32, #tpu.memory_space<hbm>>) target_semaphore(%run_scoped3A : memref<!tpu.dma_semaphore, #tpu.memory_space<semaphore_mem>>)
      %dma_wait3A_539 = tpu.memref_slice %arg4[%mul3A_536] : memref<65536xf32, #tpu.memory_space<hbm>> -> memref<2048xf32, #tpu.memory_space<hbm>>
      %dma_wait3A_540 = tpu.memref_slice %arg4[%mul3A_536] : memref<65536xf32, #tpu.memory_space<hbm>> -> memref<2048xf32, #tpu.memory_space<hbm>>
      tpu.wait_dma2 semaphore(%run_scoped3A : memref<!tpu.dma_semaphore, #tpu.memory_space<semaphore_mem>>) src(%arg7 : memref<2048xf32, #tpu.memory_space<vmem>>) dst(%dma_wait3A_540 : memref<2048xf32, #tpu.memory_space<hbm>>)
      tpu.yield
    }) : () -> ()
    return
  }
}

module attributes {stable_mosaic.version = 14 : i64} {
  func.func @_conv_body(%arg0: memref<512x128xf32, #tpu.memory_space<vmem>>, %arg1: memref<32x64xi32, #tpu.memory_space<vmem>>, %arg2: memref<256x128xf32, #tpu.memory_space<vmem>>, %arg3: memref<1x128xf32, #tpu.memory_space<vmem>>, %arg4: memref<113x4096xf32, #tpu.memory_space<vmem>>) attributes {dimension_semantics = [], scalar_prefetch = 0 : i64, scratch_operands = 0 : i64, tpu.core_type = #tpu.core_type<tc>} {
    %get3A = arith.constant 0 : index
    %get3A_0 = arith.constant 0 : index
    %get3A_1 = vector.load %arg0[%get3A, %get3A_0] : memref<512x128xf32, #tpu.memory_space<vmem>>, vector<512x128xf32>
    %get3A_2 = arith.constant 0 : index
    %get3A_3 = arith.constant 0 : index
    %get3A_4 = vector.load %arg2[%get3A_2, %get3A_3] : memref<256x128xf32, #tpu.memory_space<vmem>>, vector<256x128xf32>
    %get3A_5 = arith.constant 0 : index
    %get3A_6 = arith.constant 0 : index
    %get3A_7 = vector.load %arg3[%get3A_5, %get3A_6] : memref<1x128xf32, #tpu.memory_space<vmem>>, vector<1x128xf32>
    %get3A_8 = arith.constant 0 : index
    %get3A_9 = arith.constant 0 : index
    %get3A_10 = vector.load %arg1[%get3A_8, %get3A_9] : memref<32x64xi32, #tpu.memory_space<vmem>>, vector<32x64xi32>
    %eq3A = arith.constant 0 : i32
    %eq3A_11 = vector.broadcast %eq3A : i32 to vector<32x64xi32>
    %eq3A_12 = arith.cmpi eq, %get3A_10, %eq3A_11 : vector<32x64xi32>
    %convert_element_type3A = arith.extui %eq3A_12 : vector<32x64xi1> to vector<32x64xi32>
    %convert_element_type3A_13 = arith.sitofp %convert_element_type3A : vector<32x64xi32> to vector<32x64xf32>
    %reduce_sum3A = arith.constant dense<0.000000e+00> : vector<32xf32>
    %reduce_sum3A_14 = vector.multi_reduction <add>, %convert_element_type3A_13, %reduce_sum3A [1] : vector<32x64xf32> to vector<32xf32>
    %broadcast_in_dim3A = vector.shape_cast %reduce_sum3A_14 : vector<32xf32> to vector<32x1xf32>
    %slice3A = vector.extract_strided_slice %get3A_1 {offsets = [0, 0], sizes = [16, 128], strides = [1, 1]} : vector<512x128xf32> to vector<16x128xf32>
    %slice3A_15 = vector.extract_strided_slice %slice3A {offsets = [0, 0], sizes = [16, 113], strides = [1, 1]} : vector<16x128xf32> to vector<16x113xf32>
    %slice3A_16 = vector.extract_strided_slice %slice3A {offsets = [0, 1], sizes = [16, 113], strides = [1, 1]} : vector<16x128xf32> to vector<16x113xf32>
    %slice3A_17 = vector.extract_strided_slice %slice3A {offsets = [0, 2], sizes = [16, 113], strides = [1, 1]} : vector<16x128xf32> to vector<16x113xf32>
    %slice3A_18 = vector.extract_strided_slice %slice3A {offsets = [0, 3], sizes = [16, 113], strides = [1, 1]} : vector<16x128xf32> to vector<16x113xf32>
    %slice3A_19 = vector.extract_strided_slice %slice3A {offsets = [0, 4], sizes = [16, 113], strides = [1, 1]} : vector<16x128xf32> to vector<16x113xf32>
    %slice3A_20 = vector.extract_strided_slice %slice3A {offsets = [0, 5], sizes = [16, 113], strides = [1, 1]} : vector<16x128xf32> to vector<16x113xf32>
    %slice3A_21 = vector.extract_strided_slice %slice3A {offsets = [0, 6], sizes = [16, 113], strides = [1, 1]} : vector<16x128xf32> to vector<16x113xf32>
    %slice3A_22 = vector.extract_strided_slice %slice3A {offsets = [0, 7], sizes = [16, 113], strides = [1, 1]} : vector<16x128xf32> to vector<16x113xf32>
    %slice3A_23 = vector.extract_strided_slice %slice3A {offsets = [0, 8], sizes = [16, 113], strides = [1, 1]} : vector<16x128xf32> to vector<16x113xf32>
    %slice3A_24 = vector.extract_strided_slice %slice3A {offsets = [0, 9], sizes = [16, 113], strides = [1, 1]} : vector<16x128xf32> to vector<16x113xf32>
    %slice3A_25 = vector.extract_strided_slice %slice3A {offsets = [0, 10], sizes = [16, 113], strides = [1, 1]} : vector<16x128xf32> to vector<16x113xf32>
    %slice3A_26 = vector.extract_strided_slice %slice3A {offsets = [0, 11], sizes = [16, 113], strides = [1, 1]} : vector<16x128xf32> to vector<16x113xf32>
    %slice3A_27 = vector.extract_strided_slice %slice3A {offsets = [0, 12], sizes = [16, 113], strides = [1, 1]} : vector<16x128xf32> to vector<16x113xf32>
    %slice3A_28 = vector.extract_strided_slice %slice3A {offsets = [0, 13], sizes = [16, 113], strides = [1, 1]} : vector<16x128xf32> to vector<16x113xf32>
    %slice3A_29 = vector.extract_strided_slice %slice3A {offsets = [0, 14], sizes = [16, 113], strides = [1, 1]} : vector<16x128xf32> to vector<16x113xf32>
    %slice3A_30 = vector.extract_strided_slice %slice3A {offsets = [0, 15], sizes = [16, 113], strides = [1, 1]} : vector<16x128xf32> to vector<16x113xf32>
    %concatenate3A = tpu.concatenate %slice3A_15, %slice3A_16, %slice3A_17, %slice3A_18, %slice3A_19, %slice3A_20, %slice3A_21, %slice3A_22, %slice3A_23, %slice3A_24, %slice3A_25, %slice3A_26, %slice3A_27, %slice3A_28, %slice3A_29, %slice3A_30 in 0 : vector<16x113xf32>, vector<16x113xf32>, vector<16x113xf32>, vector<16x113xf32>, vector<16x113xf32>, vector<16x113xf32>, vector<16x113xf32>, vector<16x113xf32>, vector<16x113xf32>, vector<16x113xf32>, vector<16x113xf32>, vector<16x113xf32>, vector<16x113xf32>, vector<16x113xf32>, vector<16x113xf32>, vector<16x113xf32> -> vector<256x113xf32>
    %dot_general3A = arith.constant dense<0.000000e+00> : vector<113x128xf32>
    %dot_general3A_31 = tpu.matmul %concatenate3A, %get3A_4, %dot_general3A {dimension_numbers = #tpu.dot_dimension_numbers<[0], [0], [1], [1], [0, 1, 1, 1], [], []>, transpose_lhs_hint = false} : vector<256x113xf32>, vector<256x128xf32>, vector<113x128xf32> -> vector<113x128xf32>
    %slice3A_32 = vector.extract_strided_slice %broadcast_in_dim3A {offsets = [0, 0], sizes = [1, 1], strides = [1, 1]} : vector<32x1xf32> to vector<1x1xf32>
    %mul3A = vector.broadcast %slice3A_32 : vector<1x1xf32> to vector<1x128xf32>
    %mul3A_33 = arith.mulf %mul3A, %get3A_7 : vector<1x128xf32>
    %add3A = vector.broadcast %mul3A_33 : vector<1x128xf32> to vector<113x128xf32>
    %add3A_34 = arith.addf %dot_general3A_31, %add3A : vector<113x128xf32>
    %swap3A = arith.constant 0 : index
    %swap3A_35 = arith.constant 0 : index
    %swap3A_36 = vector.load %arg4[%swap3A, %swap3A_35] : memref<113x4096xf32, #tpu.memory_space<vmem>>, vector<113x128xf32>
    tpu.vector_store %arg4[%swap3A, %swap3A_35], %add3A_34 {strides = array<i32>} : memref<113x4096xf32, #tpu.memory_space<vmem>>, vector<113x128xf32>,
    %slice3A_37 = vector.extract_strided_slice %get3A_1 {offsets = [16, 0], sizes = [16, 128], strides = [1, 1]} : vector<512x128xf32> to vector<16x128xf32>
    %slice3A_38 = vector.extract_strided_slice %slice3A_37 {offsets = [0, 0], sizes = [16, 113], strides = [1, 1]} : vector<16x128xf32> to vector<16x113xf32>
    %slice3A_39 = vector.extract_strided_slice %slice3A_37 {offsets = [0, 1], sizes = [16, 113], strides = [1, 1]} : vector<16x128xf32> to vector<16x113xf32>
    %slice3A_40 = vector.extract_strided_slice %slice3A_37 {offsets = [0, 2], sizes = [16, 113], strides = [1, 1]} : vector<16x128xf32> to vector<16x113xf32>
    %slice3A_41 = vector.extract_strided_slice %slice3A_37 {offsets = [0, 3], sizes = [16, 113], strides = [1, 1]} : vector<16x128xf32> to vector<16x113xf32>
    %slice3A_42 = vector.extract_strided_slice %slice3A_37 {offsets = [0, 4], sizes = [16, 113], strides = [1, 1]} : vector<16x128xf32> to vector<16x113xf32>
    %slice3A_43 = vector.extract_strided_slice %slice3A_37 {offsets = [0, 5], sizes = [16, 113], strides = [1, 1]} : vector<16x128xf32> to vector<16x113xf32>
    %slice3A_44 = vector.extract_strided_slice %slice3A_37 {offsets = [0, 6], sizes = [16, 113], strides = [1, 1]} : vector<16x128xf32> to vector<16x113xf32>
    %slice3A_45 = vector.extract_strided_slice %slice3A_37 {offsets = [0, 7], sizes = [16, 113], strides = [1, 1]} : vector<16x128xf32> to vector<16x113xf32>
    %slice3A_46 = vector.extract_strided_slice %slice3A_37 {offsets = [0, 8], sizes = [16, 113], strides = [1, 1]} : vector<16x128xf32> to vector<16x113xf32>
    %slice3A_47 = vector.extract_strided_slice %slice3A_37 {offsets = [0, 9], sizes = [16, 113], strides = [1, 1]} : vector<16x128xf32> to vector<16x113xf32>
    %slice3A_48 = vector.extract_strided_slice %slice3A_37 {offsets = [0, 10], sizes = [16, 113], strides = [1, 1]} : vector<16x128xf32> to vector<16x113xf32>
    %slice3A_49 = vector.extract_strided_slice %slice3A_37 {offsets = [0, 11], sizes = [16, 113], strides = [1, 1]} : vector<16x128xf32> to vector<16x113xf32>
    %slice3A_50 = vector.extract_strided_slice %slice3A_37 {offsets = [0, 12], sizes = [16, 113], strides = [1, 1]} : vector<16x128xf32> to vector<16x113xf32>
    %slice3A_51 = vector.extract_strided_slice %slice3A_37 {offsets = [0, 13], sizes = [16, 113], strides = [1, 1]} : vector<16x128xf32> to vector<16x113xf32>
    %slice3A_52 = vector.extract_strided_slice %slice3A_37 {offsets = [0, 14], sizes = [16, 113], strides = [1, 1]} : vector<16x128xf32> to vector<16x113xf32>
    %slice3A_53 = vector.extract_strided_slice %slice3A_37 {offsets = [0, 15], sizes = [16, 113], strides = [1, 1]} : vector<16x128xf32> to vector<16x113xf32>
    %concatenate3A_54 = tpu.concatenate %slice3A_38, %slice3A_39, %slice3A_40, %slice3A_41, %slice3A_42, %slice3A_43, %slice3A_44, %slice3A_45, %slice3A_46, %slice3A_47, %slice3A_48, %slice3A_49, %slice3A_50, %slice3A_51, %slice3A_52, %slice3A_53 in 0 : vector<16x113xf32>, vector<16x113xf32>, vector<16x113xf32>, vector<16x113xf32>, vector<16x113xf32>, vector<16x113xf32>, vector<16x113xf32>, vector<16x113xf32>, vector<16x113xf32>, vector<16x113xf32>, vector<16x113xf32>, vector<16x113xf32>, vector<16x113xf32>, vector<16x113xf32>, vector<16x113xf32>, vector<16x113xf32> -> vector<256x113xf32>
    %dot_general3A_55 = arith.constant dense<0.000000e+00> : vector<113x128xf32>
    %dot_general3A_56 = tpu.matmul %concatenate3A_54, %get3A_4, %dot_general3A_55 {dimension_numbers = #tpu.dot_dimension_numbers<[0], [0], [1], [1], [0, 1, 1, 1], [], []>, transpose_lhs_hint = false} : vector<256x113xf32>, vector<256x128xf32>, vector<113x128xf32> -> vector<113x128xf32>
    %slice3A_57 = vector.extract_strided_slice %broadcast_in_dim3A {offsets = [1, 0], sizes = [1, 1], strides = [1, 1]} : vector<32x1xf32> to vector<1x1xf32>
    %mul3A_58 = vector.broadcast %slice3A_57 : vector<1x1xf32> to vector<1x128xf32>
    %mul3A_59 = arith.mulf %mul3A_58, %get3A_7 : vector<1x128xf32>
    %add3A_60 = vector.broadcast %mul3A_59 : vector<1x128xf32> to vector<113x128xf32>
    %add3A_61 = arith.addf %dot_general3A_56, %add3A_60 : vector<113x128xf32>
    %swap3A_62 = arith.constant 0 : index
    %swap3A_63 = arith.constant 128 : index
    %swap3A_64 = vector.load %arg4[%swap3A_62, %swap3A_63] : memref<113x4096xf32, #tpu.memory_space<vmem>>, vector<113x128xf32>
    tpu.vector_store %arg4[%swap3A_62, %swap3A_63], %add3A_61 {strides = array<i32>} : memref<113x4096xf32, #tpu.memory_space<vmem>>, vector<113x128xf32>,
    %slice3A_65 = vector.extract_strided_slice %get3A_1 {offsets = [32, 0], sizes = [16, 128], strides = [1, 1]} : vector<512x128xf32> to vector<16x128xf32>
    %slice3A_66 = vector.extract_strided_slice %slice3A_65 {offsets = [0, 0], sizes = [16, 113], strides = [1, 1]} : vector<16x128xf32> to vector<16x113xf32>
    %slice3A_67 = vector.extract_strided_slice %slice3A_65 {offsets = [0, 1], sizes = [16, 113], strides = [1, 1]} : vector<16x128xf32> to vector<16x113xf32>
    %slice3A_68 = vector.extract_strided_slice %slice3A_65 {offsets = [0, 2], sizes = [16, 113], strides = [1, 1]} : vector<16x128xf32> to vector<16x113xf32>
    %slice3A_69 = vector.extract_strided_slice %slice3A_65 {offsets = [0, 3], sizes = [16, 113], strides = [1, 1]} : vector<16x128xf32> to vector<16x113xf32>
    %slice3A_70 = vector.extract_strided_slice %slice3A_65 {offsets = [0, 4], sizes = [16, 113], strides = [1, 1]} : vector<16x128xf32> to vector<16x113xf32>
    %slice3A_71 = vector.extract_strided_slice %slice3A_65 {offsets = [0, 5], sizes = [16, 113], strides = [1, 1]} : vector<16x128xf32> to vector<16x113xf32>
    %slice3A_72 = vector.extract_strided_slice %slice3A_65 {offsets = [0, 6], sizes = [16, 113], strides = [1, 1]} : vector<16x128xf32> to vector<16x113xf32>
    %slice3A_73 = vector.extract_strided_slice %slice3A_65 {offsets = [0, 7], sizes = [16, 113], strides = [1, 1]} : vector<16x128xf32> to vector<16x113xf32>
    %slice3A_74 = vector.extract_strided_slice %slice3A_65 {offsets = [0, 8], sizes = [16, 113], strides = [1, 1]} : vector<16x128xf32> to vector<16x113xf32>
    %slice3A_75 = vector.extract_strided_slice %slice3A_65 {offsets = [0, 9], sizes = [16, 113], strides = [1, 1]} : vector<16x128xf32> to vector<16x113xf32>
    %slice3A_76 = vector.extract_strided_slice %slice3A_65 {offsets = [0, 10], sizes = [16, 113], strides = [1, 1]} : vector<16x128xf32> to vector<16x113xf32>
    %slice3A_77 = vector.extract_strided_slice %slice3A_65 {offsets = [0, 11], sizes = [16, 113], strides = [1, 1]} : vector<16x128xf32> to vector<16x113xf32>
    %slice3A_78 = vector.extract_strided_slice %slice3A_65 {offsets = [0, 12], sizes = [16, 113], strides = [1, 1]} : vector<16x128xf32> to vector<16x113xf32>
    %slice3A_79 = vector.extract_strided_slice %slice3A_65 {offsets = [0, 13], sizes = [16, 113], strides = [1, 1]} : vector<16x128xf32> to vector<16x113xf32>
    %slice3A_80 = vector.extract_strided_slice %slice3A_65 {offsets = [0, 14], sizes = [16, 113], strides = [1, 1]} : vector<16x128xf32> to vector<16x113xf32>
    %slice3A_81 = vector.extract_strided_slice %slice3A_65 {offsets = [0, 15], sizes = [16, 113], strides = [1, 1]} : vector<16x128xf32> to vector<16x113xf32>
    %concatenate3A_82 = tpu.concatenate %slice3A_66, %slice3A_67, %slice3A_68, %slice3A_69, %slice3A_70, %slice3A_71, %slice3A_72, %slice3A_73, %slice3A_74, %slice3A_75, %slice3A_76, %slice3A_77, %slice3A_78, %slice3A_79, %slice3A_80, %slice3A_81 in 0 : vector<16x113xf32>, vector<16x113xf32>, vector<16x113xf32>, vector<16x113xf32>, vector<16x113xf32>, vector<16x113xf32>, vector<16x113xf32>, vector<16x113xf32>, vector<16x113xf32>, vector<16x113xf32>, vector<16x113xf32>, vector<16x113xf32>, vector<16x113xf32>, vector<16x113xf32>, vector<16x113xf32>, vector<16x113xf32> -> vector<256x113xf32>
    %dot_general3A_83 = arith.constant dense<0.000000e+00> : vector<113x128xf32>
    %dot_general3A_84 = tpu.matmul %concatenate3A_82, %get3A_4, %dot_general3A_83 {dimension_numbers = #tpu.dot_dimension_numbers<[0], [0], [1], [1], [0, 1, 1, 1], [], []>, transpose_lhs_hint = false} : vector<256x113xf32>, vector<256x128xf32>, vector<113x128xf32> -> vector<113x128xf32>
    %slice3A_85 = vector.extract_strided_slice %broadcast_in_dim3A {offsets = [2, 0], sizes = [1, 1], strides = [1, 1]} : vector<32x1xf32> to vector<1x1xf32>
    %mul3A_86 = vector.broadcast %slice3A_85 : vector<1x1xf32> to vector<1x128xf32>
    %mul3A_87 = arith.mulf %mul3A_86, %get3A_7 : vector<1x128xf32>
    %add3A_88 = vector.broadcast %mul3A_87 : vector<1x128xf32> to vector<113x128xf32>
    %add3A_89 = arith.addf %dot_general3A_84, %add3A_88 : vector<113x128xf32>
    %swap3A_90 = arith.constant 0 : index
    %swap3A_91 = arith.constant 256 : index
    %swap3A_92 = vector.load %arg4[%swap3A_90, %swap3A_91] : memref<113x4096xf32, #tpu.memory_space<vmem>>, vector<113x128xf32>
    tpu.vector_store %arg4[%swap3A_90, %swap3A_91], %add3A_89 {strides = array<i32>} : memref<113x4096xf32, #tpu.memory_space<vmem>>, vector<113x128xf32>,
    %slice3A_93 = vector.extract_strided_slice %get3A_1 {offsets = [48, 0], sizes = [16, 128], strides = [1, 1]} : vector<512x128xf32> to vector<16x128xf32>
    %slice3A_94 = vector.extract_strided_slice %slice3A_93 {offsets = [0, 0], sizes = [16, 113], strides = [1, 1]} : vector<16x128xf32> to vector<16x113xf32>
    %slice3A_95 = vector.extract_strided_slice %slice3A_93 {offsets = [0, 1], sizes = [16, 113], strides = [1, 1]} : vector<16x128xf32> to vector<16x113xf32>
    %slice3A_96 = vector.extract_strided_slice %slice3A_93 {offsets = [0, 2], sizes = [16, 113], strides = [1, 1]} : vector<16x128xf32> to vector<16x113xf32>
    %slice3A_97 = vector.extract_strided_slice %slice3A_93 {offsets = [0, 3], sizes = [16, 113], strides = [1, 1]} : vector<16x128xf32> to vector<16x113xf32>
    %slice3A_98 = vector.extract_strided_slice %slice3A_93 {offsets = [0, 4], sizes = [16, 113], strides = [1, 1]} : vector<16x128xf32> to vector<16x113xf32>
    %slice3A_99 = vector.extract_strided_slice %slice3A_93 {offsets = [0, 5], sizes = [16, 113], strides = [1, 1]} : vector<16x128xf32> to vector<16x113xf32>
    %slice3A_100 = vector.extract_strided_slice %slice3A_93 {offsets = [0, 6], sizes = [16, 113], strides = [1, 1]} : vector<16x128xf32> to vector<16x113xf32>
    %slice3A_101 = vector.extract_strided_slice %slice3A_93 {offsets = [0, 7], sizes = [16, 113], strides = [1, 1]} : vector<16x128xf32> to vector<16x113xf32>
    %slice3A_102 = vector.extract_strided_slice %slice3A_93 {offsets = [0, 8], sizes = [16, 113], strides = [1, 1]} : vector<16x128xf32> to vector<16x113xf32>
    %slice3A_103 = vector.extract_strided_slice %slice3A_93 {offsets = [0, 9], sizes = [16, 113], strides = [1, 1]} : vector<16x128xf32> to vector<16x113xf32>
    %slice3A_104 = vector.extract_strided_slice %slice3A_93 {offsets = [0, 10], sizes = [16, 113], strides = [1, 1]} : vector<16x128xf32> to vector<16x113xf32>
    %slice3A_105 = vector.extract_strided_slice %slice3A_93 {offsets = [0, 11], sizes = [16, 113], strides = [1, 1]} : vector<16x128xf32> to vector<16x113xf32>
    %slice3A_106 = vector.extract_strided_slice %slice3A_93 {offsets = [0, 12], sizes = [16, 113], strides = [1, 1]} : vector<16x128xf32> to vector<16x113xf32>
    %slice3A_107 = vector.extract_strided_slice %slice3A_93 {offsets = [0, 13], sizes = [16, 113], strides = [1, 1]} : vector<16x128xf32> to vector<16x113xf32>
    %slice3A_108 = vector.extract_strided_slice %slice3A_93 {offsets = [0, 14], sizes = [16, 113], strides = [1, 1]} : vector<16x128xf32> to vector<16x113xf32>
    %slice3A_109 = vector.extract_strided_slice %slice3A_93 {offsets = [0, 15], sizes = [16, 113], strides = [1, 1]} : vector<16x128xf32> to vector<16x113xf32>
    %concatenate3A_110 = tpu.concatenate %slice3A_94, %slice3A_95, %slice3A_96, %slice3A_97, %slice3A_98, %slice3A_99, %slice3A_100, %slice3A_101, %slice3A_102, %slice3A_103, %slice3A_104, %slice3A_105, %slice3A_106, %slice3A_107, %slice3A_108, %slice3A_109 in 0 : vector<16x113xf32>, vector<16x113xf32>, vector<16x113xf32>, vector<16x113xf32>, vector<16x113xf32>, vector<16x113xf32>, vector<16x113xf32>, vector<16x113xf32>, vector<16x113xf32>, vector<16x113xf32>, vector<16x113xf32>, vector<16x113xf32>, vector<16x113xf32>, vector<16x113xf32>, vector<16x113xf32>, vector<16x113xf32> -> vector<256x113xf32>
    %dot_general3A_111 = arith.constant dense<0.000000e+00> : vector<113x128xf32>
    %dot_general3A_112 = tpu.matmul %concatenate3A_110, %get3A_4, %dot_general3A_111 {dimension_numbers = #tpu.dot_dimension_numbers<[0], [0], [1], [1], [0, 1, 1, 1], [], []>, transpose_lhs_hint = false} : vector<256x113xf32>, vector<256x128xf32>, vector<113x128xf32> -> vector<113x128xf32>
    %slice3A_113 = vector.extract_strided_slice %broadcast_in_dim3A {offsets = [3, 0], sizes = [1, 1], strides = [1, 1]} : vector<32x1xf32> to vector<1x1xf32>
    %mul3A_114 = vector.broadcast %slice3A_113 : vector<1x1xf32> to vector<1x128xf32>
    %mul3A_115 = arith.mulf %mul3A_114, %get3A_7 : vector<1x128xf32>
    %add3A_116 = vector.broadcast %mul3A_115 : vector<1x128xf32> to vector<113x128xf32>
    %add3A_117 = arith.addf %dot_general3A_112, %add3A_116 : vector<113x128xf32>
    %swap3A_118 = arith.constant 0 : index
    %swap3A_119 = arith.constant 384 : index
    %swap3A_120 = vector.load %arg4[%swap3A_118, %swap3A_119] : memref<113x4096xf32, #tpu.memory_space<vmem>>, vector<113x128xf32>
    tpu.vector_store %arg4[%swap3A_118, %swap3A_119], %add3A_117 {strides = array<i32>} : memref<113x4096xf32, #tpu.memory_space<vmem>>, vector<113x128xf32>,
    %slice3A_121 = vector.extract_strided_slice %get3A_1 {offsets = [64, 0], sizes = [16, 128], strides = [1, 1]} : vector<512x128xf32> to vector<16x128xf32>
    %slice3A_122 = vector.extract_strided_slice %slice3A_121 {offsets = [0, 0], sizes = [16, 113], strides = [1, 1]} : vector<16x128xf32> to vector<16x113xf32>
    %slice3A_123 = vector.extract_strided_slice %slice3A_121 {offsets = [0, 1], sizes = [16, 113], strides = [1, 1]} : vector<16x128xf32> to vector<16x113xf32>
    %slice3A_124 = vector.extract_strided_slice %slice3A_121 {offsets = [0, 2], sizes = [16, 113], strides = [1, 1]} : vector<16x128xf32> to vector<16x113xf32>
    %slice3A_125 = vector.extract_strided_slice %slice3A_121 {offsets = [0, 3], sizes = [16, 113], strides = [1, 1]} : vector<16x128xf32> to vector<16x113xf32>
    %slice3A_126 = vector.extract_strided_slice %slice3A_121 {offsets = [0, 4], sizes = [16, 113], strides = [1, 1]} : vector<16x128xf32> to vector<16x113xf32>
    %slice3A_127 = vector.extract_strided_slice %slice3A_121 {offsets = [0, 5], sizes = [16, 113], strides = [1, 1]} : vector<16x128xf32> to vector<16x113xf32>
    %slice3A_128 = vector.extract_strided_slice %slice3A_121 {offsets = [0, 6], sizes = [16, 113], strides = [1, 1]} : vector<16x128xf32> to vector<16x113xf32>
    %slice3A_129 = vector.extract_strided_slice %slice3A_121 {offsets = [0, 7], sizes = [16, 113], strides = [1, 1]} : vector<16x128xf32> to vector<16x113xf32>
    %slice3A_130 = vector.extract_strided_slice %slice3A_121 {offsets = [0, 8], sizes = [16, 113], strides = [1, 1]} : vector<16x128xf32> to vector<16x113xf32>
    %slice3A_131 = vector.extract_strided_slice %slice3A_121 {offsets = [0, 9], sizes = [16, 113], strides = [1, 1]} : vector<16x128xf32> to vector<16x113xf32>
    %slice3A_132 = vector.extract_strided_slice %slice3A_121 {offsets = [0, 10], sizes = [16, 113], strides = [1, 1]} : vector<16x128xf32> to vector<16x113xf32>
    %slice3A_133 = vector.extract_strided_slice %slice3A_121 {offsets = [0, 11], sizes = [16, 113], strides = [1, 1]} : vector<16x128xf32> to vector<16x113xf32>
    %slice3A_134 = vector.extract_strided_slice %slice3A_121 {offsets = [0, 12], sizes = [16, 113], strides = [1, 1]} : vector<16x128xf32> to vector<16x113xf32>
    %slice3A_135 = vector.extract_strided_slice %slice3A_121 {offsets = [0, 13], sizes = [16, 113], strides = [1, 1]} : vector<16x128xf32> to vector<16x113xf32>
    %slice3A_136 = vector.extract_strided_slice %slice3A_121 {offsets = [0, 14], sizes = [16, 113], strides = [1, 1]} : vector<16x128xf32> to vector<16x113xf32>
    %slice3A_137 = vector.extract_strided_slice %slice3A_121 {offsets = [0, 15], sizes = [16, 113], strides = [1, 1]} : vector<16x128xf32> to vector<16x113xf32>
    %concatenate3A_138 = tpu.concatenate %slice3A_122, %slice3A_123, %slice3A_124, %slice3A_125, %slice3A_126, %slice3A_127, %slice3A_128, %slice3A_129, %slice3A_130, %slice3A_131, %slice3A_132, %slice3A_133, %slice3A_134, %slice3A_135, %slice3A_136, %slice3A_137 in 0 : vector<16x113xf32>, vector<16x113xf32>, vector<16x113xf32>, vector<16x113xf32>, vector<16x113xf32>, vector<16x113xf32>, vector<16x113xf32>, vector<16x113xf32>, vector<16x113xf32>, vector<16x113xf32>, vector<16x113xf32>, vector<16x113xf32>, vector<16x113xf32>, vector<16x113xf32>, vector<16x113xf32>, vector<16x113xf32> -> vector<256x113xf32>
    %dot_general3A_139 = arith.constant dense<0.000000e+00> : vector<113x128xf32>
    %dot_general3A_140 = tpu.matmul %concatenate3A_138, %get3A_4, %dot_general3A_139 {dimension_numbers = #tpu.dot_dimension_numbers<[0], [0], [1], [1], [0, 1, 1, 1], [], []>, transpose_lhs_hint = false} : vector<256x113xf32>, vector<256x128xf32>, vector<113x128xf32> -> vector<113x128xf32>
    %slice3A_141 = vector.extract_strided_slice %broadcast_in_dim3A {offsets = [4, 0], sizes = [1, 1], strides = [1, 1]} : vector<32x1xf32> to vector<1x1xf32>
    %mul3A_142 = vector.broadcast %slice3A_141 : vector<1x1xf32> to vector<1x128xf32>
    %mul3A_143 = arith.mulf %mul3A_142, %get3A_7 : vector<1x128xf32>
    %add3A_144 = vector.broadcast %mul3A_143 : vector<1x128xf32> to vector<113x128xf32>
    %add3A_145 = arith.addf %dot_general3A_140, %add3A_144 : vector<113x128xf32>
    %swap3A_146 = arith.constant 0 : index
    %swap3A_147 = arith.constant 512 : index
    %swap3A_148 = vector.load %arg4[%swap3A_146, %swap3A_147] : memref<113x4096xf32, #tpu.memory_space<vmem>>, vector<113x128xf32>
    tpu.vector_store %arg4[%swap3A_146, %swap3A_147], %add3A_145 {strides = array<i32>} : memref<113x4096xf32, #tpu.memory_space<vmem>>, vector<113x128xf32>,
    %slice3A_149 = vector.extract_strided_slice %get3A_1 {offsets = [80, 0], sizes = [16, 128], strides = [1, 1]} : vector<512x128xf32> to vector<16x128xf32>
    %slice3A_150 = vector.extract_strided_slice %slice3A_149 {offsets = [0, 0], sizes = [16, 113], strides = [1, 1]} : vector<16x128xf32> to vector<16x113xf32>
    %slice3A_151 = vector.extract_strided_slice %slice3A_149 {offsets = [0, 1], sizes = [16, 113], strides = [1, 1]} : vector<16x128xf32> to vector<16x113xf32>
    %slice3A_152 = vector.extract_strided_slice %slice3A_149 {offsets = [0, 2], sizes = [16, 113], strides = [1, 1]} : vector<16x128xf32> to vector<16x113xf32>
    %slice3A_153 = vector.extract_strided_slice %slice3A_149 {offsets = [0, 3], sizes = [16, 113], strides = [1, 1]} : vector<16x128xf32> to vector<16x113xf32>
    %slice3A_154 = vector.extract_strided_slice %slice3A_149 {offsets = [0, 4], sizes = [16, 113], strides = [1, 1]} : vector<16x128xf32> to vector<16x113xf32>
    %slice3A_155 = vector.extract_strided_slice %slice3A_149 {offsets = [0, 5], sizes = [16, 113], strides = [1, 1]} : vector<16x128xf32> to vector<16x113xf32>
    %slice3A_156 = vector.extract_strided_slice %slice3A_149 {offsets = [0, 6], sizes = [16, 113], strides = [1, 1]} : vector<16x128xf32> to vector<16x113xf32>
    %slice3A_157 = vector.extract_strided_slice %slice3A_149 {offsets = [0, 7], sizes = [16, 113], strides = [1, 1]} : vector<16x128xf32> to vector<16x113xf32>
    %slice3A_158 = vector.extract_strided_slice %slice3A_149 {offsets = [0, 8], sizes = [16, 113], strides = [1, 1]} : vector<16x128xf32> to vector<16x113xf32>
    %slice3A_159 = vector.extract_strided_slice %slice3A_149 {offsets = [0, 9], sizes = [16, 113], strides = [1, 1]} : vector<16x128xf32> to vector<16x113xf32>
    %slice3A_160 = vector.extract_strided_slice %slice3A_149 {offsets = [0, 10], sizes = [16, 113], strides = [1, 1]} : vector<16x128xf32> to vector<16x113xf32>
    %slice3A_161 = vector.extract_strided_slice %slice3A_149 {offsets = [0, 11], sizes = [16, 113], strides = [1, 1]} : vector<16x128xf32> to vector<16x113xf32>
    %slice3A_162 = vector.extract_strided_slice %slice3A_149 {offsets = [0, 12], sizes = [16, 113], strides = [1, 1]} : vector<16x128xf32> to vector<16x113xf32>
    %slice3A_163 = vector.extract_strided_slice %slice3A_149 {offsets = [0, 13], sizes = [16, 113], strides = [1, 1]} : vector<16x128xf32> to vector<16x113xf32>
    %slice3A_164 = vector.extract_strided_slice %slice3A_149 {offsets = [0, 14], sizes = [16, 113], strides = [1, 1]} : vector<16x128xf32> to vector<16x113xf32>
    %slice3A_165 = vector.extract_strided_slice %slice3A_149 {offsets = [0, 15], sizes = [16, 113], strides = [1, 1]} : vector<16x128xf32> to vector<16x113xf32>
    %concatenate3A_166 = tpu.concatenate %slice3A_150, %slice3A_151, %slice3A_152, %slice3A_153, %slice3A_154, %slice3A_155, %slice3A_156, %slice3A_157, %slice3A_158, %slice3A_159, %slice3A_160, %slice3A_161, %slice3A_162, %slice3A_163, %slice3A_164, %slice3A_165 in 0 : vector<16x113xf32>, vector<16x113xf32>, vector<16x113xf32>, vector<16x113xf32>, vector<16x113xf32>, vector<16x113xf32>, vector<16x113xf32>, vector<16x113xf32>, vector<16x113xf32>, vector<16x113xf32>, vector<16x113xf32>, vector<16x113xf32>, vector<16x113xf32>, vector<16x113xf32>, vector<16x113xf32>, vector<16x113xf32> -> vector<256x113xf32>
    %dot_general3A_167 = arith.constant dense<0.000000e+00> : vector<113x128xf32>
    %dot_general3A_168 = tpu.matmul %concatenate3A_166, %get3A_4, %dot_general3A_167 {dimension_numbers = #tpu.dot_dimension_numbers<[0], [0], [1], [1], [0, 1, 1, 1], [], []>, transpose_lhs_hint = false} : vector<256x113xf32>, vector<256x128xf32>, vector<113x128xf32> -> vector<113x128xf32>
    %slice3A_169 = vector.extract_strided_slice %broadcast_in_dim3A {offsets = [5, 0], sizes = [1, 1], strides = [1, 1]} : vector<32x1xf32> to vector<1x1xf32>
    %mul3A_170 = vector.broadcast %slice3A_169 : vector<1x1xf32> to vector<1x128xf32>
    %mul3A_171 = arith.mulf %mul3A_170, %get3A_7 : vector<1x128xf32>
    %add3A_172 = vector.broadcast %mul3A_171 : vector<1x128xf32> to vector<113x128xf32>
    %add3A_173 = arith.addf %dot_general3A_168, %add3A_172 : vector<113x128xf32>
    %swap3A_174 = arith.constant 0 : index
    %swap3A_175 = arith.constant 640 : index
    %swap3A_176 = vector.load %arg4[%swap3A_174, %swap3A_175] : memref<113x4096xf32, #tpu.memory_space<vmem>>, vector<113x128xf32>
    tpu.vector_store %arg4[%swap3A_174, %swap3A_175], %add3A_173 {strides = array<i32>} : memref<113x4096xf32, #tpu.memory_space<vmem>>, vector<113x128xf32>,
    %slice3A_177 = vector.extract_strided_slice %get3A_1 {offsets = [96, 0], sizes = [16, 128], strides = [1, 1]} : vector<512x128xf32> to vector<16x128xf32>
    %slice3A_178 = vector.extract_strided_slice %slice3A_177 {offsets = [0, 0], sizes = [16, 113], strides = [1, 1]} : vector<16x128xf32> to vector<16x113xf32>
    %slice3A_179 = vector.extract_strided_slice %slice3A_177 {offsets = [0, 1], sizes = [16, 113], strides = [1, 1]} : vector<16x128xf32> to vector<16x113xf32>
    %slice3A_180 = vector.extract_strided_slice %slice3A_177 {offsets = [0, 2], sizes = [16, 113], strides = [1, 1]} : vector<16x128xf32> to vector<16x113xf32>
    %slice3A_181 = vector.extract_strided_slice %slice3A_177 {offsets = [0, 3], sizes = [16, 113], strides = [1, 1]} : vector<16x128xf32> to vector<16x113xf32>
    %slice3A_182 = vector.extract_strided_slice %slice3A_177 {offsets = [0, 4], sizes = [16, 113], strides = [1, 1]} : vector<16x128xf32> to vector<16x113xf32>
    %slice3A_183 = vector.extract_strided_slice %slice3A_177 {offsets = [0, 5], sizes = [16, 113], strides = [1, 1]} : vector<16x128xf32> to vector<16x113xf32>
    %slice3A_184 = vector.extract_strided_slice %slice3A_177 {offsets = [0, 6], sizes = [16, 113], strides = [1, 1]} : vector<16x128xf32> to vector<16x113xf32>
    %slice3A_185 = vector.extract_strided_slice %slice3A_177 {offsets = [0, 7], sizes = [16, 113], strides = [1, 1]} : vector<16x128xf32> to vector<16x113xf32>
    %slice3A_186 = vector.extract_strided_slice %slice3A_177 {offsets = [0, 8], sizes = [16, 113], strides = [1, 1]} : vector<16x128xf32> to vector<16x113xf32>
    %slice3A_187 = vector.extract_strided_slice %slice3A_177 {offsets = [0, 9], sizes = [16, 113], strides = [1, 1]} : vector<16x128xf32> to vector<16x113xf32>
    %slice3A_188 = vector.extract_strided_slice %slice3A_177 {offsets = [0, 10], sizes = [16, 113], strides = [1, 1]} : vector<16x128xf32> to vector<16x113xf32>
    %slice3A_189 = vector.extract_strided_slice %slice3A_177 {offsets = [0, 11], sizes = [16, 113], strides = [1, 1]} : vector<16x128xf32> to vector<16x113xf32>
    %slice3A_190 = vector.extract_strided_slice %slice3A_177 {offsets = [0, 12], sizes = [16, 113], strides = [1, 1]} : vector<16x128xf32> to vector<16x113xf32>
    %slice3A_191 = vector.extract_strided_slice %slice3A_177 {offsets = [0, 13], sizes = [16, 113], strides = [1, 1]} : vector<16x128xf32> to vector<16x113xf32>
    %slice3A_192 = vector.extract_strided_slice %slice3A_177 {offsets = [0, 14], sizes = [16, 113], strides = [1, 1]} : vector<16x128xf32> to vector<16x113xf32>
    %slice3A_193 = vector.extract_strided_slice %slice3A_177 {offsets = [0, 15], sizes = [16, 113], strides = [1, 1]} : vector<16x128xf32> to vector<16x113xf32>
    %concatenate3A_194 = tpu.concatenate %slice3A_178, %slice3A_179, %slice3A_180, %slice3A_181, %slice3A_182, %slice3A_183, %slice3A_184, %slice3A_185, %slice3A_186, %slice3A_187, %slice3A_188, %slice3A_189, %slice3A_190, %slice3A_191, %slice3A_192, %slice3A_193 in 0 : vector<16x113xf32>, vector<16x113xf32>, vector<16x113xf32>, vector<16x113xf32>, vector<16x113xf32>, vector<16x113xf32>, vector<16x113xf32>, vector<16x113xf32>, vector<16x113xf32>, vector<16x113xf32>, vector<16x113xf32>, vector<16x113xf32>, vector<16x113xf32>, vector<16x113xf32>, vector<16x113xf32>, vector<16x113xf32> -> vector<256x113xf32>
    %dot_general3A_195 = arith.constant dense<0.000000e+00> : vector<113x128xf32>
    %dot_general3A_196 = tpu.matmul %concatenate3A_194, %get3A_4, %dot_general3A_195 {dimension_numbers = #tpu.dot_dimension_numbers<[0], [0], [1], [1], [0, 1, 1, 1], [], []>, transpose_lhs_hint = false} : vector<256x113xf32>, vector<256x128xf32>, vector<113x128xf32> -> vector<113x128xf32>
    %slice3A_197 = vector.extract_strided_slice %broadcast_in_dim3A {offsets = [6, 0], sizes = [1, 1], strides = [1, 1]} : vector<32x1xf32> to vector<1x1xf32>
    %mul3A_198 = vector.broadcast %slice3A_197 : vector<1x1xf32> to vector<1x128xf32>
    %mul3A_199 = arith.mulf %mul3A_198, %get3A_7 : vector<1x128xf32>
    %add3A_200 = vector.broadcast %mul3A_199 : vector<1x128xf32> to vector<113x128xf32>
    %add3A_201 = arith.addf %dot_general3A_196, %add3A_200 : vector<113x128xf32>
    %swap3A_202 = arith.constant 0 : index
    %swap3A_203 = arith.constant 768 : index
    %swap3A_204 = vector.load %arg4[%swap3A_202, %swap3A_203] : memref<113x4096xf32, #tpu.memory_space<vmem>>, vector<113x128xf32>
    tpu.vector_store %arg4[%swap3A_202, %swap3A_203], %add3A_201 {strides = array<i32>} : memref<113x4096xf32, #tpu.memory_space<vmem>>, vector<113x128xf32>,
    %slice3A_205 = vector.extract_strided_slice %get3A_1 {offsets = [112, 0], sizes = [16, 128], strides = [1, 1]} : vector<512x128xf32> to vector<16x128xf32>
    %slice3A_206 = vector.extract_strided_slice %slice3A_205 {offsets = [0, 0], sizes = [16, 113], strides = [1, 1]} : vector<16x128xf32> to vector<16x113xf32>
    %slice3A_207 = vector.extract_strided_slice %slice3A_205 {offsets = [0, 1], sizes = [16, 113], strides = [1, 1]} : vector<16x128xf32> to vector<16x113xf32>
    %slice3A_208 = vector.extract_strided_slice %slice3A_205 {offsets = [0, 2], sizes = [16, 113], strides = [1, 1]} : vector<16x128xf32> to vector<16x113xf32>
    %slice3A_209 = vector.extract_strided_slice %slice3A_205 {offsets = [0, 3], sizes = [16, 113], strides = [1, 1]} : vector<16x128xf32> to vector<16x113xf32>
    %slice3A_210 = vector.extract_strided_slice %slice3A_205 {offsets = [0, 4], sizes = [16, 113], strides = [1, 1]} : vector<16x128xf32> to vector<16x113xf32>
    %slice3A_211 = vector.extract_strided_slice %slice3A_205 {offsets = [0, 5], sizes = [16, 113], strides = [1, 1]} : vector<16x128xf32> to vector<16x113xf32>
    %slice3A_212 = vector.extract_strided_slice %slice3A_205 {offsets = [0, 6], sizes = [16, 113], strides = [1, 1]} : vector<16x128xf32> to vector<16x113xf32>
    %slice3A_213 = vector.extract_strided_slice %slice3A_205 {offsets = [0, 7], sizes = [16, 113], strides = [1, 1]} : vector<16x128xf32> to vector<16x113xf32>
    %slice3A_214 = vector.extract_strided_slice %slice3A_205 {offsets = [0, 8], sizes = [16, 113], strides = [1, 1]} : vector<16x128xf32> to vector<16x113xf32>
    %slice3A_215 = vector.extract_strided_slice %slice3A_205 {offsets = [0, 9], sizes = [16, 113], strides = [1, 1]} : vector<16x128xf32> to vector<16x113xf32>
    %slice3A_216 = vector.extract_strided_slice %slice3A_205 {offsets = [0, 10], sizes = [16, 113], strides = [1, 1]} : vector<16x128xf32> to vector<16x113xf32>
    %slice3A_217 = vector.extract_strided_slice %slice3A_205 {offsets = [0, 11], sizes = [16, 113], strides = [1, 1]} : vector<16x128xf32> to vector<16x113xf32>
    %slice3A_218 = vector.extract_strided_slice %slice3A_205 {offsets = [0, 12], sizes = [16, 113], strides = [1, 1]} : vector<16x128xf32> to vector<16x113xf32>
    %slice3A_219 = vector.extract_strided_slice %slice3A_205 {offsets = [0, 13], sizes = [16, 113], strides = [1, 1]} : vector<16x128xf32> to vector<16x113xf32>
    %slice3A_220 = vector.extract_strided_slice %slice3A_205 {offsets = [0, 14], sizes = [16, 113], strides = [1, 1]} : vector<16x128xf32> to vector<16x113xf32>
    %slice3A_221 = vector.extract_strided_slice %slice3A_205 {offsets = [0, 15], sizes = [16, 113], strides = [1, 1]} : vector<16x128xf32> to vector<16x113xf32>
    %concatenate3A_222 = tpu.concatenate %slice3A_206, %slice3A_207, %slice3A_208, %slice3A_209, %slice3A_210, %slice3A_211, %slice3A_212, %slice3A_213, %slice3A_214, %slice3A_215, %slice3A_216, %slice3A_217, %slice3A_218, %slice3A_219, %slice3A_220, %slice3A_221 in 0 : vector<16x113xf32>, vector<16x113xf32>, vector<16x113xf32>, vector<16x113xf32>, vector<16x113xf32>, vector<16x113xf32>, vector<16x113xf32>, vector<16x113xf32>, vector<16x113xf32>, vector<16x113xf32>, vector<16x113xf32>, vector<16x113xf32>, vector<16x113xf32>, vector<16x113xf32>, vector<16x113xf32>, vector<16x113xf32> -> vector<256x113xf32>
    %dot_general3A_223 = arith.constant dense<0.000000e+00> : vector<113x128xf32>
    %dot_general3A_224 = tpu.matmul %concatenate3A_222, %get3A_4, %dot_general3A_223 {dimension_numbers = #tpu.dot_dimension_numbers<[0], [0], [1], [1], [0, 1, 1, 1], [], []>, transpose_lhs_hint = false} : vector<256x113xf32>, vector<256x128xf32>, vector<113x128xf32> -> vector<113x128xf32>
    %slice3A_225 = vector.extract_strided_slice %broadcast_in_dim3A {offsets = [7, 0], sizes = [1, 1], strides = [1, 1]} : vector<32x1xf32> to vector<1x1xf32>
    %mul3A_226 = vector.broadcast %slice3A_225 : vector<1x1xf32> to vector<1x128xf32>
    %mul3A_227 = arith.mulf %mul3A_226, %get3A_7 : vector<1x128xf32>
    %add3A_228 = vector.broadcast %mul3A_227 : vector<1x128xf32> to vector<113x128xf32>
    %add3A_229 = arith.addf %dot_general3A_224, %add3A_228 : vector<113x128xf32>
    %swap3A_230 = arith.constant 0 : index
    %swap3A_231 = arith.constant 896 : index
    %swap3A_232 = vector.load %arg4[%swap3A_230, %swap3A_231] : memref<113x4096xf32, #tpu.memory_space<vmem>>, vector<113x128xf32>
    tpu.vector_store %arg4[%swap3A_230, %swap3A_231], %add3A_229 {strides = array<i32>} : memref<113x4096xf32, #tpu.memory_space<vmem>>, vector<113x128xf32>,
    %slice3A_233 = vector.extract_strided_slice %get3A_1 {offsets = [128, 0], sizes = [16, 128], strides = [1, 1]} : vector<512x128xf32> to vector<16x128xf32>
    %slice3A_234 = vector.extract_strided_slice %slice3A_233 {offsets = [0, 0], sizes = [16, 113], strides = [1, 1]} : vector<16x128xf32> to vector<16x113xf32>
    %slice3A_235 = vector.extract_strided_slice %slice3A_233 {offsets = [0, 1], sizes = [16, 113], strides = [1, 1]} : vector<16x128xf32> to vector<16x113xf32>
    %slice3A_236 = vector.extract_strided_slice %slice3A_233 {offsets = [0, 2], sizes = [16, 113], strides = [1, 1]} : vector<16x128xf32> to vector<16x113xf32>
    %slice3A_237 = vector.extract_strided_slice %slice3A_233 {offsets = [0, 3], sizes = [16, 113], strides = [1, 1]} : vector<16x128xf32> to vector<16x113xf32>
    %slice3A_238 = vector.extract_strided_slice %slice3A_233 {offsets = [0, 4], sizes = [16, 113], strides = [1, 1]} : vector<16x128xf32> to vector<16x113xf32>
    %slice3A_239 = vector.extract_strided_slice %slice3A_233 {offsets = [0, 5], sizes = [16, 113], strides = [1, 1]} : vector<16x128xf32> to vector<16x113xf32>
    %slice3A_240 = vector.extract_strided_slice %slice3A_233 {offsets = [0, 6], sizes = [16, 113], strides = [1, 1]} : vector<16x128xf32> to vector<16x113xf32>
    %slice3A_241 = vector.extract_strided_slice %slice3A_233 {offsets = [0, 7], sizes = [16, 113], strides = [1, 1]} : vector<16x128xf32> to vector<16x113xf32>
    %slice3A_242 = vector.extract_strided_slice %slice3A_233 {offsets = [0, 8], sizes = [16, 113], strides = [1, 1]} : vector<16x128xf32> to vector<16x113xf32>
    %slice3A_243 = vector.extract_strided_slice %slice3A_233 {offsets = [0, 9], sizes = [16, 113], strides = [1, 1]} : vector<16x128xf32> to vector<16x113xf32>
    %slice3A_244 = vector.extract_strided_slice %slice3A_233 {offsets = [0, 10], sizes = [16, 113], strides = [1, 1]} : vector<16x128xf32> to vector<16x113xf32>
    %slice3A_245 = vector.extract_strided_slice %slice3A_233 {offsets = [0, 11], sizes = [16, 113], strides = [1, 1]} : vector<16x128xf32> to vector<16x113xf32>
    %slice3A_246 = vector.extract_strided_slice %slice3A_233 {offsets = [0, 12], sizes = [16, 113], strides = [1, 1]} : vector<16x128xf32> to vector<16x113xf32>
    %slice3A_247 = vector.extract_strided_slice %slice3A_233 {offsets = [0, 13], sizes = [16, 113], strides = [1, 1]} : vector<16x128xf32> to vector<16x113xf32>
    %slice3A_248 = vector.extract_strided_slice %slice3A_233 {offsets = [0, 14], sizes = [16, 113], strides = [1, 1]} : vector<16x128xf32> to vector<16x113xf32>
    %slice3A_249 = vector.extract_strided_slice %slice3A_233 {offsets = [0, 15], sizes = [16, 113], strides = [1, 1]} : vector<16x128xf32> to vector<16x113xf32>
    %concatenate3A_250 = tpu.concatenate %slice3A_234, %slice3A_235, %slice3A_236, %slice3A_237, %slice3A_238, %slice3A_239, %slice3A_240, %slice3A_241, %slice3A_242, %slice3A_243, %slice3A_244, %slice3A_245, %slice3A_246, %slice3A_247, %slice3A_248, %slice3A_249 in 0 : vector<16x113xf32>, vector<16x113xf32>, vector<16x113xf32>, vector<16x113xf32>, vector<16x113xf32>, vector<16x113xf32>, vector<16x113xf32>, vector<16x113xf32>, vector<16x113xf32>, vector<16x113xf32>, vector<16x113xf32>, vector<16x113xf32>, vector<16x113xf32>, vector<16x113xf32>, vector<16x113xf32>, vector<16x113xf32> -> vector<256x113xf32>
    %dot_general3A_251 = arith.constant dense<0.000000e+00> : vector<113x128xf32>
    %dot_general3A_252 = tpu.matmul %concatenate3A_250, %get3A_4, %dot_general3A_251 {dimension_numbers = #tpu.dot_dimension_numbers<[0], [0], [1], [1], [0, 1, 1, 1], [], []>, transpose_lhs_hint = false} : vector<256x113xf32>, vector<256x128xf32>, vector<113x128xf32> -> vector<113x128xf32>
    %slice3A_253 = vector.extract_strided_slice %broadcast_in_dim3A {offsets = [8, 0], sizes = [1, 1], strides = [1, 1]} : vector<32x1xf32> to vector<1x1xf32>
    %mul3A_254 = vector.broadcast %slice3A_253 : vector<1x1xf32> to vector<1x128xf32>
    %mul3A_255 = arith.mulf %mul3A_254, %get3A_7 : vector<1x128xf32>
    %add3A_256 = vector.broadcast %mul3A_255 : vector<1x128xf32> to vector<113x128xf32>
    %add3A_257 = arith.addf %dot_general3A_252, %add3A_256 : vector<113x128xf32>
    %swap3A_258 = arith.constant 0 : index
    %swap3A_259 = arith.constant 1024 : index
    %swap3A_260 = vector.load %arg4[%swap3A_258, %swap3A_259] : memref<113x4096xf32, #tpu.memory_space<vmem>>, vector<113x128xf32>
    tpu.vector_store %arg4[%swap3A_258, %swap3A_259], %add3A_257 {strides = array<i32>} : memref<113x4096xf32, #tpu.memory_space<vmem>>, vector<113x128xf32>,
    %slice3A_261 = vector.extract_strided_slice %get3A_1 {offsets = [144, 0], sizes = [16, 128], strides = [1, 1]} : vector<512x128xf32> to vector<16x128xf32>
    %slice3A_262 = vector.extract_strided_slice %slice3A_261 {offsets = [0, 0], sizes = [16, 113], strides = [1, 1]} : vector<16x128xf32> to vector<16x113xf32>
    %slice3A_263 = vector.extract_strided_slice %slice3A_261 {offsets = [0, 1], sizes = [16, 113], strides = [1, 1]} : vector<16x128xf32> to vector<16x113xf32>
    %slice3A_264 = vector.extract_strided_slice %slice3A_261 {offsets = [0, 2], sizes = [16, 113], strides = [1, 1]} : vector<16x128xf32> to vector<16x113xf32>
    %slice3A_265 = vector.extract_strided_slice %slice3A_261 {offsets = [0, 3], sizes = [16, 113], strides = [1, 1]} : vector<16x128xf32> to vector<16x113xf32>
    %slice3A_266 = vector.extract_strided_slice %slice3A_261 {offsets = [0, 4], sizes = [16, 113], strides = [1, 1]} : vector<16x128xf32> to vector<16x113xf32>
    %slice3A_267 = vector.extract_strided_slice %slice3A_261 {offsets = [0, 5], sizes = [16, 113], strides = [1, 1]} : vector<16x128xf32> to vector<16x113xf32>
    %slice3A_268 = vector.extract_strided_slice %slice3A_261 {offsets = [0, 6], sizes = [16, 113], strides = [1, 1]} : vector<16x128xf32> to vector<16x113xf32>
    %slice3A_269 = vector.extract_strided_slice %slice3A_261 {offsets = [0, 7], sizes = [16, 113], strides = [1, 1]} : vector<16x128xf32> to vector<16x113xf32>
    %slice3A_270 = vector.extract_strided_slice %slice3A_261 {offsets = [0, 8], sizes = [16, 113], strides = [1, 1]} : vector<16x128xf32> to vector<16x113xf32>
    %slice3A_271 = vector.extract_strided_slice %slice3A_261 {offsets = [0, 9], sizes = [16, 113], strides = [1, 1]} : vector<16x128xf32> to vector<16x113xf32>
    %slice3A_272 = vector.extract_strided_slice %slice3A_261 {offsets = [0, 10], sizes = [16, 113], strides = [1, 1]} : vector<16x128xf32> to vector<16x113xf32>
    %slice3A_273 = vector.extract_strided_slice %slice3A_261 {offsets = [0, 11], sizes = [16, 113], strides = [1, 1]} : vector<16x128xf32> to vector<16x113xf32>
    %slice3A_274 = vector.extract_strided_slice %slice3A_261 {offsets = [0, 12], sizes = [16, 113], strides = [1, 1]} : vector<16x128xf32> to vector<16x113xf32>
    %slice3A_275 = vector.extract_strided_slice %slice3A_261 {offsets = [0, 13], sizes = [16, 113], strides = [1, 1]} : vector<16x128xf32> to vector<16x113xf32>
    %slice3A_276 = vector.extract_strided_slice %slice3A_261 {offsets = [0, 14], sizes = [16, 113], strides = [1, 1]} : vector<16x128xf32> to vector<16x113xf32>
    %slice3A_277 = vector.extract_strided_slice %slice3A_261 {offsets = [0, 15], sizes = [16, 113], strides = [1, 1]} : vector<16x128xf32> to vector<16x113xf32>
    %concatenate3A_278 = tpu.concatenate %slice3A_262, %slice3A_263, %slice3A_264, %slice3A_265, %slice3A_266, %slice3A_267, %slice3A_268, %slice3A_269, %slice3A_270, %slice3A_271, %slice3A_272, %slice3A_273, %slice3A_274, %slice3A_275, %slice3A_276, %slice3A_277 in 0 : vector<16x113xf32>, vector<16x113xf32>, vector<16x113xf32>, vector<16x113xf32>, vector<16x113xf32>, vector<16x113xf32>, vector<16x113xf32>, vector<16x113xf32>, vector<16x113xf32>, vector<16x113xf32>, vector<16x113xf32>, vector<16x113xf32>, vector<16x113xf32>, vector<16x113xf32>, vector<16x113xf32>, vector<16x113xf32> -> vector<256x113xf32>
    %dot_general3A_279 = arith.constant dense<0.000000e+00> : vector<113x128xf32>
    %dot_general3A_280 = tpu.matmul %concatenate3A_278, %get3A_4, %dot_general3A_279 {dimension_numbers = #tpu.dot_dimension_numbers<[0], [0], [1], [1], [0, 1, 1, 1], [], []>, transpose_lhs_hint = false} : vector<256x113xf32>, vector<256x128xf32>, vector<113x128xf32> -> vector<113x128xf32>
    %slice3A_281 = vector.extract_strided_slice %broadcast_in_dim3A {offsets = [9, 0], sizes = [1, 1], strides = [1, 1]} : vector<32x1xf32> to vector<1x1xf32>
    %mul3A_282 = vector.broadcast %slice3A_281 : vector<1x1xf32> to vector<1x128xf32>
    %mul3A_283 = arith.mulf %mul3A_282, %get3A_7 : vector<1x128xf32>
    %add3A_284 = vector.broadcast %mul3A_283 : vector<1x128xf32> to vector<113x128xf32>
    %add3A_285 = arith.addf %dot_general3A_280, %add3A_284 : vector<113x128xf32>
    %swap3A_286 = arith.constant 0 : index
    %swap3A_287 = arith.constant 1152 : index
    %swap3A_288 = vector.load %arg4[%swap3A_286, %swap3A_287] : memref<113x4096xf32, #tpu.memory_space<vmem>>, vector<113x128xf32>
    tpu.vector_store %arg4[%swap3A_286, %swap3A_287], %add3A_285 {strides = array<i32>} : memref<113x4096xf32, #tpu.memory_space<vmem>>, vector<113x128xf32>,
    %slice3A_289 = vector.extract_strided_slice %get3A_1 {offsets = [160, 0], sizes = [16, 128], strides = [1, 1]} : vector<512x128xf32> to vector<16x128xf32>
    %slice3A_290 = vector.extract_strided_slice %slice3A_289 {offsets = [0, 0], sizes = [16, 113], strides = [1, 1]} : vector<16x128xf32> to vector<16x113xf32>
    %slice3A_291 = vector.extract_strided_slice %slice3A_289 {offsets = [0, 1], sizes = [16, 113], strides = [1, 1]} : vector<16x128xf32> to vector<16x113xf32>
    %slice3A_292 = vector.extract_strided_slice %slice3A_289 {offsets = [0, 2], sizes = [16, 113], strides = [1, 1]} : vector<16x128xf32> to vector<16x113xf32>
    %slice3A_293 = vector.extract_strided_slice %slice3A_289 {offsets = [0, 3], sizes = [16, 113], strides = [1, 1]} : vector<16x128xf32> to vector<16x113xf32>
    %slice3A_294 = vector.extract_strided_slice %slice3A_289 {offsets = [0, 4], sizes = [16, 113], strides = [1, 1]} : vector<16x128xf32> to vector<16x113xf32>
    %slice3A_295 = vector.extract_strided_slice %slice3A_289 {offsets = [0, 5], sizes = [16, 113], strides = [1, 1]} : vector<16x128xf32> to vector<16x113xf32>
    %slice3A_296 = vector.extract_strided_slice %slice3A_289 {offsets = [0, 6], sizes = [16, 113], strides = [1, 1]} : vector<16x128xf32> to vector<16x113xf32>
    %slice3A_297 = vector.extract_strided_slice %slice3A_289 {offsets = [0, 7], sizes = [16, 113], strides = [1, 1]} : vector<16x128xf32> to vector<16x113xf32>
    %slice3A_298 = vector.extract_strided_slice %slice3A_289 {offsets = [0, 8], sizes = [16, 113], strides = [1, 1]} : vector<16x128xf32> to vector<16x113xf32>
    %slice3A_299 = vector.extract_strided_slice %slice3A_289 {offsets = [0, 9], sizes = [16, 113], strides = [1, 1]} : vector<16x128xf32> to vector<16x113xf32>
    %slice3A_300 = vector.extract_strided_slice %slice3A_289 {offsets = [0, 10], sizes = [16, 113], strides = [1, 1]} : vector<16x128xf32> to vector<16x113xf32>
    %slice3A_301 = vector.extract_strided_slice %slice3A_289 {offsets = [0, 11], sizes = [16, 113], strides = [1, 1]} : vector<16x128xf32> to vector<16x113xf32>
    %slice3A_302 = vector.extract_strided_slice %slice3A_289 {offsets = [0, 12], sizes = [16, 113], strides = [1, 1]} : vector<16x128xf32> to vector<16x113xf32>
    %slice3A_303 = vector.extract_strided_slice %slice3A_289 {offsets = [0, 13], sizes = [16, 113], strides = [1, 1]} : vector<16x128xf32> to vector<16x113xf32>
    %slice3A_304 = vector.extract_strided_slice %slice3A_289 {offsets = [0, 14], sizes = [16, 113], strides = [1, 1]} : vector<16x128xf32> to vector<16x113xf32>
    %slice3A_305 = vector.extract_strided_slice %slice3A_289 {offsets = [0, 15], sizes = [16, 113], strides = [1, 1]} : vector<16x128xf32> to vector<16x113xf32>
    %concatenate3A_306 = tpu.concatenate %slice3A_290, %slice3A_291, %slice3A_292, %slice3A_293, %slice3A_294, %slice3A_295, %slice3A_296, %slice3A_297, %slice3A_298, %slice3A_299, %slice3A_300, %slice3A_301, %slice3A_302, %slice3A_303, %slice3A_304, %slice3A_305 in 0 : vector<16x113xf32>, vector<16x113xf32>, vector<16x113xf32>, vector<16x113xf32>, vector<16x113xf32>, vector<16x113xf32>, vector<16x113xf32>, vector<16x113xf32>, vector<16x113xf32>, vector<16x113xf32>, vector<16x113xf32>, vector<16x113xf32>, vector<16x113xf32>, vector<16x113xf32>, vector<16x113xf32>, vector<16x113xf32> -> vector<256x113xf32>
    %dot_general3A_307 = arith.constant dense<0.000000e+00> : vector<113x128xf32>
    %dot_general3A_308 = tpu.matmul %concatenate3A_306, %get3A_4, %dot_general3A_307 {dimension_numbers = #tpu.dot_dimension_numbers<[0], [0], [1], [1], [0, 1, 1, 1], [], []>, transpose_lhs_hint = false} : vector<256x113xf32>, vector<256x128xf32>, vector<113x128xf32> -> vector<113x128xf32>
    %slice3A_309 = vector.extract_strided_slice %broadcast_in_dim3A {offsets = [10, 0], sizes = [1, 1], strides = [1, 1]} : vector<32x1xf32> to vector<1x1xf32>
    %mul3A_310 = vector.broadcast %slice3A_309 : vector<1x1xf32> to vector<1x128xf32>
    %mul3A_311 = arith.mulf %mul3A_310, %get3A_7 : vector<1x128xf32>
    %add3A_312 = vector.broadcast %mul3A_311 : vector<1x128xf32> to vector<113x128xf32>
    %add3A_313 = arith.addf %dot_general3A_308, %add3A_312 : vector<113x128xf32>
    %swap3A_314 = arith.constant 0 : index
    %swap3A_315 = arith.constant 1280 : index
    %swap3A_316 = vector.load %arg4[%swap3A_314, %swap3A_315] : memref<113x4096xf32, #tpu.memory_space<vmem>>, vector<113x128xf32>
    tpu.vector_store %arg4[%swap3A_314, %swap3A_315], %add3A_313 {strides = array<i32>} : memref<113x4096xf32, #tpu.memory_space<vmem>>, vector<113x128xf32>,
    %slice3A_317 = vector.extract_strided_slice %get3A_1 {offsets = [176, 0], sizes = [16, 128], strides = [1, 1]} : vector<512x128xf32> to vector<16x128xf32>
    %slice3A_318 = vector.extract_strided_slice %slice3A_317 {offsets = [0, 0], sizes = [16, 113], strides = [1, 1]} : vector<16x128xf32> to vector<16x113xf32>
    %slice3A_319 = vector.extract_strided_slice %slice3A_317 {offsets = [0, 1], sizes = [16, 113], strides = [1, 1]} : vector<16x128xf32> to vector<16x113xf32>
    %slice3A_320 = vector.extract_strided_slice %slice3A_317 {offsets = [0, 2], sizes = [16, 113], strides = [1, 1]} : vector<16x128xf32> to vector<16x113xf32>
    %slice3A_321 = vector.extract_strided_slice %slice3A_317 {offsets = [0, 3], sizes = [16, 113], strides = [1, 1]} : vector<16x128xf32> to vector<16x113xf32>
    %slice3A_322 = vector.extract_strided_slice %slice3A_317 {offsets = [0, 4], sizes = [16, 113], strides = [1, 1]} : vector<16x128xf32> to vector<16x113xf32>
    %slice3A_323 = vector.extract_strided_slice %slice3A_317 {offsets = [0, 5], sizes = [16, 113], strides = [1, 1]} : vector<16x128xf32> to vector<16x113xf32>
    %slice3A_324 = vector.extract_strided_slice %slice3A_317 {offsets = [0, 6], sizes = [16, 113], strides = [1, 1]} : vector<16x128xf32> to vector<16x113xf32>
    %slice3A_325 = vector.extract_strided_slice %slice3A_317 {offsets = [0, 7], sizes = [16, 113], strides = [1, 1]} : vector<16x128xf32> to vector<16x113xf32>
    %slice3A_326 = vector.extract_strided_slice %slice3A_317 {offsets = [0, 8], sizes = [16, 113], strides = [1, 1]} : vector<16x128xf32> to vector<16x113xf32>
    %slice3A_327 = vector.extract_strided_slice %slice3A_317 {offsets = [0, 9], sizes = [16, 113], strides = [1, 1]} : vector<16x128xf32> to vector<16x113xf32>
    %slice3A_328 = vector.extract_strided_slice %slice3A_317 {offsets = [0, 10], sizes = [16, 113], strides = [1, 1]} : vector<16x128xf32> to vector<16x113xf32>
    %slice3A_329 = vector.extract_strided_slice %slice3A_317 {offsets = [0, 11], sizes = [16, 113], strides = [1, 1]} : vector<16x128xf32> to vector<16x113xf32>
    %slice3A_330 = vector.extract_strided_slice %slice3A_317 {offsets = [0, 12], sizes = [16, 113], strides = [1, 1]} : vector<16x128xf32> to vector<16x113xf32>
    %slice3A_331 = vector.extract_strided_slice %slice3A_317 {offsets = [0, 13], sizes = [16, 113], strides = [1, 1]} : vector<16x128xf32> to vector<16x113xf32>
    %slice3A_332 = vector.extract_strided_slice %slice3A_317 {offsets = [0, 14], sizes = [16, 113], strides = [1, 1]} : vector<16x128xf32> to vector<16x113xf32>
    %slice3A_333 = vector.extract_strided_slice %slice3A_317 {offsets = [0, 15], sizes = [16, 113], strides = [1, 1]} : vector<16x128xf32> to vector<16x113xf32>
    %concatenate3A_334 = tpu.concatenate %slice3A_318, %slice3A_319, %slice3A_320, %slice3A_321, %slice3A_322, %slice3A_323, %slice3A_324, %slice3A_325, %slice3A_326, %slice3A_327, %slice3A_328, %slice3A_329, %slice3A_330, %slice3A_331, %slice3A_332, %slice3A_333 in 0 : vector<16x113xf32>, vector<16x113xf32>, vector<16x113xf32>, vector<16x113xf32>, vector<16x113xf32>, vector<16x113xf32>, vector<16x113xf32>, vector<16x113xf32>, vector<16x113xf32>, vector<16x113xf32>, vector<16x113xf32>, vector<16x113xf32>, vector<16x113xf32>, vector<16x113xf32>, vector<16x113xf32>, vector<16x113xf32> -> vector<256x113xf32>
    %dot_general3A_335 = arith.constant dense<0.000000e+00> : vector<113x128xf32>
    %dot_general3A_336 = tpu.matmul %concatenate3A_334, %get3A_4, %dot_general3A_335 {dimension_numbers = #tpu.dot_dimension_numbers<[0], [0], [1], [1], [0, 1, 1, 1], [], []>, transpose_lhs_hint = false} : vector<256x113xf32>, vector<256x128xf32>, vector<113x128xf32> -> vector<113x128xf32>
    %slice3A_337 = vector.extract_strided_slice %broadcast_in_dim3A {offsets = [11, 0], sizes = [1, 1], strides = [1, 1]} : vector<32x1xf32> to vector<1x1xf32>
    %mul3A_338 = vector.broadcast %slice3A_337 : vector<1x1xf32> to vector<1x128xf32>
    %mul3A_339 = arith.mulf %mul3A_338, %get3A_7 : vector<1x128xf32>
    %add3A_340 = vector.broadcast %mul3A_339 : vector<1x128xf32> to vector<113x128xf32>
    %add3A_341 = arith.addf %dot_general3A_336, %add3A_340 : vector<113x128xf32>
    %swap3A_342 = arith.constant 0 : index
    %swap3A_343 = arith.constant 1408 : index
    %swap3A_344 = vector.load %arg4[%swap3A_342, %swap3A_343] : memref<113x4096xf32, #tpu.memory_space<vmem>>, vector<113x128xf32>
    tpu.vector_store %arg4[%swap3A_342, %swap3A_343], %add3A_341 {strides = array<i32>} : memref<113x4096xf32, #tpu.memory_space<vmem>>, vector<113x128xf32>,
    %slice3A_345 = vector.extract_strided_slice %get3A_1 {offsets = [192, 0], sizes = [16, 128], strides = [1, 1]} : vector<512x128xf32> to vector<16x128xf32>
    %slice3A_346 = vector.extract_strided_slice %slice3A_345 {offsets = [0, 0], sizes = [16, 113], strides = [1, 1]} : vector<16x128xf32> to vector<16x113xf32>
    %slice3A_347 = vector.extract_strided_slice %slice3A_345 {offsets = [0, 1], sizes = [16, 113], strides = [1, 1]} : vector<16x128xf32> to vector<16x113xf32>
    %slice3A_348 = vector.extract_strided_slice %slice3A_345 {offsets = [0, 2], sizes = [16, 113], strides = [1, 1]} : vector<16x128xf32> to vector<16x113xf32>
    %slice3A_349 = vector.extract_strided_slice %slice3A_345 {offsets = [0, 3], sizes = [16, 113], strides = [1, 1]} : vector<16x128xf32> to vector<16x113xf32>
    %slice3A_350 = vector.extract_strided_slice %slice3A_345 {offsets = [0, 4], sizes = [16, 113], strides = [1, 1]} : vector<16x128xf32> to vector<16x113xf32>
    %slice3A_351 = vector.extract_strided_slice %slice3A_345 {offsets = [0, 5], sizes = [16, 113], strides = [1, 1]} : vector<16x128xf32> to vector<16x113xf32>
    %slice3A_352 = vector.extract_strided_slice %slice3A_345 {offsets = [0, 6], sizes = [16, 113], strides = [1, 1]} : vector<16x128xf32> to vector<16x113xf32>
    %slice3A_353 = vector.extract_strided_slice %slice3A_345 {offsets = [0, 7], sizes = [16, 113], strides = [1, 1]} : vector<16x128xf32> to vector<16x113xf32>
    %slice3A_354 = vector.extract_strided_slice %slice3A_345 {offsets = [0, 8], sizes = [16, 113], strides = [1, 1]} : vector<16x128xf32> to vector<16x113xf32>
    %slice3A_355 = vector.extract_strided_slice %slice3A_345 {offsets = [0, 9], sizes = [16, 113], strides = [1, 1]} : vector<16x128xf32> to vector<16x113xf32>
    %slice3A_356 = vector.extract_strided_slice %slice3A_345 {offsets = [0, 10], sizes = [16, 113], strides = [1, 1]} : vector<16x128xf32> to vector<16x113xf32>
    %slice3A_357 = vector.extract_strided_slice %slice3A_345 {offsets = [0, 11], sizes = [16, 113], strides = [1, 1]} : vector<16x128xf32> to vector<16x113xf32>
    %slice3A_358 = vector.extract_strided_slice %slice3A_345 {offsets = [0, 12], sizes = [16, 113], strides = [1, 1]} : vector<16x128xf32> to vector<16x113xf32>
    %slice3A_359 = vector.extract_strided_slice %slice3A_345 {offsets = [0, 13], sizes = [16, 113], strides = [1, 1]} : vector<16x128xf32> to vector<16x113xf32>
    %slice3A_360 = vector.extract_strided_slice %slice3A_345 {offsets = [0, 14], sizes = [16, 113], strides = [1, 1]} : vector<16x128xf32> to vector<16x113xf32>
    %slice3A_361 = vector.extract_strided_slice %slice3A_345 {offsets = [0, 15], sizes = [16, 113], strides = [1, 1]} : vector<16x128xf32> to vector<16x113xf32>
    %concatenate3A_362 = tpu.concatenate %slice3A_346, %slice3A_347, %slice3A_348, %slice3A_349, %slice3A_350, %slice3A_351, %slice3A_352, %slice3A_353, %slice3A_354, %slice3A_355, %slice3A_356, %slice3A_357, %slice3A_358, %slice3A_359, %slice3A_360, %slice3A_361 in 0 : vector<16x113xf32>, vector<16x113xf32>, vector<16x113xf32>, vector<16x113xf32>, vector<16x113xf32>, vector<16x113xf32>, vector<16x113xf32>, vector<16x113xf32>, vector<16x113xf32>, vector<16x113xf32>, vector<16x113xf32>, vector<16x113xf32>, vector<16x113xf32>, vector<16x113xf32>, vector<16x113xf32>, vector<16x113xf32> -> vector<256x113xf32>
    %dot_general3A_363 = arith.constant dense<0.000000e+00> : vector<113x128xf32>
    %dot_general3A_364 = tpu.matmul %concatenate3A_362, %get3A_4, %dot_general3A_363 {dimension_numbers = #tpu.dot_dimension_numbers<[0], [0], [1], [1], [0, 1, 1, 1], [], []>, transpose_lhs_hint = false} : vector<256x113xf32>, vector<256x128xf32>, vector<113x128xf32> -> vector<113x128xf32>
    %slice3A_365 = vector.extract_strided_slice %broadcast_in_dim3A {offsets = [12, 0], sizes = [1, 1], strides = [1, 1]} : vector<32x1xf32> to vector<1x1xf32>
    %mul3A_366 = vector.broadcast %slice3A_365 : vector<1x1xf32> to vector<1x128xf32>
    %mul3A_367 = arith.mulf %mul3A_366, %get3A_7 : vector<1x128xf32>
    %add3A_368 = vector.broadcast %mul3A_367 : vector<1x128xf32> to vector<113x128xf32>
    %add3A_369 = arith.addf %dot_general3A_364, %add3A_368 : vector<113x128xf32>
    %swap3A_370 = arith.constant 0 : index
    %swap3A_371 = arith.constant 1536 : index
    %swap3A_372 = vector.load %arg4[%swap3A_370, %swap3A_371] : memref<113x4096xf32, #tpu.memory_space<vmem>>, vector<113x128xf32>
    tpu.vector_store %arg4[%swap3A_370, %swap3A_371], %add3A_369 {strides = array<i32>} : memref<113x4096xf32, #tpu.memory_space<vmem>>, vector<113x128xf32>,
    %slice3A_373 = vector.extract_strided_slice %get3A_1 {offsets = [208, 0], sizes = [16, 128], strides = [1, 1]} : vector<512x128xf32> to vector<16x128xf32>
    %slice3A_374 = vector.extract_strided_slice %slice3A_373 {offsets = [0, 0], sizes = [16, 113], strides = [1, 1]} : vector<16x128xf32> to vector<16x113xf32>
    %slice3A_375 = vector.extract_strided_slice %slice3A_373 {offsets = [0, 1], sizes = [16, 113], strides = [1, 1]} : vector<16x128xf32> to vector<16x113xf32>
    %slice3A_376 = vector.extract_strided_slice %slice3A_373 {offsets = [0, 2], sizes = [16, 113], strides = [1, 1]} : vector<16x128xf32> to vector<16x113xf32>
    %slice3A_377 = vector.extract_strided_slice %slice3A_373 {offsets = [0, 3], sizes = [16, 113], strides = [1, 1]} : vector<16x128xf32> to vector<16x113xf32>
    %slice3A_378 = vector.extract_strided_slice %slice3A_373 {offsets = [0, 4], sizes = [16, 113], strides = [1, 1]} : vector<16x128xf32> to vector<16x113xf32>
    %slice3A_379 = vector.extract_strided_slice %slice3A_373 {offsets = [0, 5], sizes = [16, 113], strides = [1, 1]} : vector<16x128xf32> to vector<16x113xf32>
    %slice3A_380 = vector.extract_strided_slice %slice3A_373 {offsets = [0, 6], sizes = [16, 113], strides = [1, 1]} : vector<16x128xf32> to vector<16x113xf32>
    %slice3A_381 = vector.extract_strided_slice %slice3A_373 {offsets = [0, 7], sizes = [16, 113], strides = [1, 1]} : vector<16x128xf32> to vector<16x113xf32>
    %slice3A_382 = vector.extract_strided_slice %slice3A_373 {offsets = [0, 8], sizes = [16, 113], strides = [1, 1]} : vector<16x128xf32> to vector<16x113xf32>
    %slice3A_383 = vector.extract_strided_slice %slice3A_373 {offsets = [0, 9], sizes = [16, 113], strides = [1, 1]} : vector<16x128xf32> to vector<16x113xf32>
    %slice3A_384 = vector.extract_strided_slice %slice3A_373 {offsets = [0, 10], sizes = [16, 113], strides = [1, 1]} : vector<16x128xf32> to vector<16x113xf32>
    %slice3A_385 = vector.extract_strided_slice %slice3A_373 {offsets = [0, 11], sizes = [16, 113], strides = [1, 1]} : vector<16x128xf32> to vector<16x113xf32>
    %slice3A_386 = vector.extract_strided_slice %slice3A_373 {offsets = [0, 12], sizes = [16, 113], strides = [1, 1]} : vector<16x128xf32> to vector<16x113xf32>
    %slice3A_387 = vector.extract_strided_slice %slice3A_373 {offsets = [0, 13], sizes = [16, 113], strides = [1, 1]} : vector<16x128xf32> to vector<16x113xf32>
    %slice3A_388 = vector.extract_strided_slice %slice3A_373 {offsets = [0, 14], sizes = [16, 113], strides = [1, 1]} : vector<16x128xf32> to vector<16x113xf32>
    %slice3A_389 = vector.extract_strided_slice %slice3A_373 {offsets = [0, 15], sizes = [16, 113], strides = [1, 1]} : vector<16x128xf32> to vector<16x113xf32>
    %concatenate3A_390 = tpu.concatenate %slice3A_374, %slice3A_375, %slice3A_376, %slice3A_377, %slice3A_378, %slice3A_379, %slice3A_380, %slice3A_381, %slice3A_382, %slice3A_383, %slice3A_384, %slice3A_385, %slice3A_386, %slice3A_387, %slice3A_388, %slice3A_389 in 0 : vector<16x113xf32>, vector<16x113xf32>, vector<16x113xf32>, vector<16x113xf32>, vector<16x113xf32>, vector<16x113xf32>, vector<16x113xf32>, vector<16x113xf32>, vector<16x113xf32>, vector<16x113xf32>, vector<16x113xf32>, vector<16x113xf32>, vector<16x113xf32>, vector<16x113xf32>, vector<16x113xf32>, vector<16x113xf32> -> vector<256x113xf32>
    %dot_general3A_391 = arith.constant dense<0.000000e+00> : vector<113x128xf32>
    %dot_general3A_392 = tpu.matmul %concatenate3A_390, %get3A_4, %dot_general3A_391 {dimension_numbers = #tpu.dot_dimension_numbers<[0], [0], [1], [1], [0, 1, 1, 1], [], []>, transpose_lhs_hint = false} : vector<256x113xf32>, vector<256x128xf32>, vector<113x128xf32> -> vector<113x128xf32>
    %slice3A_393 = vector.extract_strided_slice %broadcast_in_dim3A {offsets = [13, 0], sizes = [1, 1], strides = [1, 1]} : vector<32x1xf32> to vector<1x1xf32>
    %mul3A_394 = vector.broadcast %slice3A_393 : vector<1x1xf32> to vector<1x128xf32>
    %mul3A_395 = arith.mulf %mul3A_394, %get3A_7 : vector<1x128xf32>
    %add3A_396 = vector.broadcast %mul3A_395 : vector<1x128xf32> to vector<113x128xf32>
    %add3A_397 = arith.addf %dot_general3A_392, %add3A_396 : vector<113x128xf32>
    %swap3A_398 = arith.constant 0 : index
    %swap3A_399 = arith.constant 1664 : index
    %swap3A_400 = vector.load %arg4[%swap3A_398, %swap3A_399] : memref<113x4096xf32, #tpu.memory_space<vmem>>, vector<113x128xf32>
    tpu.vector_store %arg4[%swap3A_398, %swap3A_399], %add3A_397 {strides = array<i32>} : memref<113x4096xf32, #tpu.memory_space<vmem>>, vector<113x128xf32>,
    %slice3A_401 = vector.extract_strided_slice %get3A_1 {offsets = [224, 0], sizes = [16, 128], strides = [1, 1]} : vector<512x128xf32> to vector<16x128xf32>
    %slice3A_402 = vector.extract_strided_slice %slice3A_401 {offsets = [0, 0], sizes = [16, 113], strides = [1, 1]} : vector<16x128xf32> to vector<16x113xf32>
    %slice3A_403 = vector.extract_strided_slice %slice3A_401 {offsets = [0, 1], sizes = [16, 113], strides = [1, 1]} : vector<16x128xf32> to vector<16x113xf32>
    %slice3A_404 = vector.extract_strided_slice %slice3A_401 {offsets = [0, 2], sizes = [16, 113], strides = [1, 1]} : vector<16x128xf32> to vector<16x113xf32>
    %slice3A_405 = vector.extract_strided_slice %slice3A_401 {offsets = [0, 3], sizes = [16, 113], strides = [1, 1]} : vector<16x128xf32> to vector<16x113xf32>
    %slice3A_406 = vector.extract_strided_slice %slice3A_401 {offsets = [0, 4], sizes = [16, 113], strides = [1, 1]} : vector<16x128xf32> to vector<16x113xf32>
    %slice3A_407 = vector.extract_strided_slice %slice3A_401 {offsets = [0, 5], sizes = [16, 113], strides = [1, 1]} : vector<16x128xf32> to vector<16x113xf32>
    %slice3A_408 = vector.extract_strided_slice %slice3A_401 {offsets = [0, 6], sizes = [16, 113], strides = [1, 1]} : vector<16x128xf32> to vector<16x113xf32>
    %slice3A_409 = vector.extract_strided_slice %slice3A_401 {offsets = [0, 7], sizes = [16, 113], strides = [1, 1]} : vector<16x128xf32> to vector<16x113xf32>
    %slice3A_410 = vector.extract_strided_slice %slice3A_401 {offsets = [0, 8], sizes = [16, 113], strides = [1, 1]} : vector<16x128xf32> to vector<16x113xf32>
    %slice3A_411 = vector.extract_strided_slice %slice3A_401 {offsets = [0, 9], sizes = [16, 113], strides = [1, 1]} : vector<16x128xf32> to vector<16x113xf32>
    %slice3A_412 = vector.extract_strided_slice %slice3A_401 {offsets = [0, 10], sizes = [16, 113], strides = [1, 1]} : vector<16x128xf32> to vector<16x113xf32>
    %slice3A_413 = vector.extract_strided_slice %slice3A_401 {offsets = [0, 11], sizes = [16, 113], strides = [1, 1]} : vector<16x128xf32> to vector<16x113xf32>
    %slice3A_414 = vector.extract_strided_slice %slice3A_401 {offsets = [0, 12], sizes = [16, 113], strides = [1, 1]} : vector<16x128xf32> to vector<16x113xf32>
    %slice3A_415 = vector.extract_strided_slice %slice3A_401 {offsets = [0, 13], sizes = [16, 113], strides = [1, 1]} : vector<16x128xf32> to vector<16x113xf32>
    %slice3A_416 = vector.extract_strided_slice %slice3A_401 {offsets = [0, 14], sizes = [16, 113], strides = [1, 1]} : vector<16x128xf32> to vector<16x113xf32>
    %slice3A_417 = vector.extract_strided_slice %slice3A_401 {offsets = [0, 15], sizes = [16, 113], strides = [1, 1]} : vector<16x128xf32> to vector<16x113xf32>
    %concatenate3A_418 = tpu.concatenate %slice3A_402, %slice3A_403, %slice3A_404, %slice3A_405, %slice3A_406, %slice3A_407, %slice3A_408, %slice3A_409, %slice3A_410, %slice3A_411, %slice3A_412, %slice3A_413, %slice3A_414, %slice3A_415, %slice3A_416, %slice3A_417 in 0 : vector<16x113xf32>, vector<16x113xf32>, vector<16x113xf32>, vector<16x113xf32>, vector<16x113xf32>, vector<16x113xf32>, vector<16x113xf32>, vector<16x113xf32>, vector<16x113xf32>, vector<16x113xf32>, vector<16x113xf32>, vector<16x113xf32>, vector<16x113xf32>, vector<16x113xf32>, vector<16x113xf32>, vector<16x113xf32> -> vector<256x113xf32>
    %dot_general3A_419 = arith.constant dense<0.000000e+00> : vector<113x128xf32>
    %dot_general3A_420 = tpu.matmul %concatenate3A_418, %get3A_4, %dot_general3A_419 {dimension_numbers = #tpu.dot_dimension_numbers<[0], [0], [1], [1], [0, 1, 1, 1], [], []>, transpose_lhs_hint = false} : vector<256x113xf32>, vector<256x128xf32>, vector<113x128xf32> -> vector<113x128xf32>
    %slice3A_421 = vector.extract_strided_slice %broadcast_in_dim3A {offsets = [14, 0], sizes = [1, 1], strides = [1, 1]} : vector<32x1xf32> to vector<1x1xf32>
    %mul3A_422 = vector.broadcast %slice3A_421 : vector<1x1xf32> to vector<1x128xf32>
    %mul3A_423 = arith.mulf %mul3A_422, %get3A_7 : vector<1x128xf32>
    %add3A_424 = vector.broadcast %mul3A_423 : vector<1x128xf32> to vector<113x128xf32>
    %add3A_425 = arith.addf %dot_general3A_420, %add3A_424 : vector<113x128xf32>
    %swap3A_426 = arith.constant 0 : index
    %swap3A_427 = arith.constant 1792 : index
    %swap3A_428 = vector.load %arg4[%swap3A_426, %swap3A_427] : memref<113x4096xf32, #tpu.memory_space<vmem>>, vector<113x128xf32>
    tpu.vector_store %arg4[%swap3A_426, %swap3A_427], %add3A_425 {strides = array<i32>} : memref<113x4096xf32, #tpu.memory_space<vmem>>, vector<113x128xf32>,
    %slice3A_429 = vector.extract_strided_slice %get3A_1 {offsets = [240, 0], sizes = [16, 128], strides = [1, 1]} : vector<512x128xf32> to vector<16x128xf32>
    %slice3A_430 = vector.extract_strided_slice %slice3A_429 {offsets = [0, 0], sizes = [16, 113], strides = [1, 1]} : vector<16x128xf32> to vector<16x113xf32>
    %slice3A_431 = vector.extract_strided_slice %slice3A_429 {offsets = [0, 1], sizes = [16, 113], strides = [1, 1]} : vector<16x128xf32> to vector<16x113xf32>
    %slice3A_432 = vector.extract_strided_slice %slice3A_429 {offsets = [0, 2], sizes = [16, 113], strides = [1, 1]} : vector<16x128xf32> to vector<16x113xf32>
    %slice3A_433 = vector.extract_strided_slice %slice3A_429 {offsets = [0, 3], sizes = [16, 113], strides = [1, 1]} : vector<16x128xf32> to vector<16x113xf32>
    %slice3A_434 = vector.extract_strided_slice %slice3A_429 {offsets = [0, 4], sizes = [16, 113], strides = [1, 1]} : vector<16x128xf32> to vector<16x113xf32>
    %slice3A_435 = vector.extract_strided_slice %slice3A_429 {offsets = [0, 5], sizes = [16, 113], strides = [1, 1]} : vector<16x128xf32> to vector<16x113xf32>
    %slice3A_436 = vector.extract_strided_slice %slice3A_429 {offsets = [0, 6], sizes = [16, 113], strides = [1, 1]} : vector<16x128xf32> to vector<16x113xf32>
    %slice3A_437 = vector.extract_strided_slice %slice3A_429 {offsets = [0, 7], sizes = [16, 113], strides = [1, 1]} : vector<16x128xf32> to vector<16x113xf32>
    %slice3A_438 = vector.extract_strided_slice %slice3A_429 {offsets = [0, 8], sizes = [16, 113], strides = [1, 1]} : vector<16x128xf32> to vector<16x113xf32>
    %slice3A_439 = vector.extract_strided_slice %slice3A_429 {offsets = [0, 9], sizes = [16, 113], strides = [1, 1]} : vector<16x128xf32> to vector<16x113xf32>
    %slice3A_440 = vector.extract_strided_slice %slice3A_429 {offsets = [0, 10], sizes = [16, 113], strides = [1, 1]} : vector<16x128xf32> to vector<16x113xf32>
    %slice3A_441 = vector.extract_strided_slice %slice3A_429 {offsets = [0, 11], sizes = [16, 113], strides = [1, 1]} : vector<16x128xf32> to vector<16x113xf32>
    %slice3A_442 = vector.extract_strided_slice %slice3A_429 {offsets = [0, 12], sizes = [16, 113], strides = [1, 1]} : vector<16x128xf32> to vector<16x113xf32>
    %slice3A_443 = vector.extract_strided_slice %slice3A_429 {offsets = [0, 13], sizes = [16, 113], strides = [1, 1]} : vector<16x128xf32> to vector<16x113xf32>
    %slice3A_444 = vector.extract_strided_slice %slice3A_429 {offsets = [0, 14], sizes = [16, 113], strides = [1, 1]} : vector<16x128xf32> to vector<16x113xf32>
    %slice3A_445 = vector.extract_strided_slice %slice3A_429 {offsets = [0, 15], sizes = [16, 113], strides = [1, 1]} : vector<16x128xf32> to vector<16x113xf32>
    %concatenate3A_446 = tpu.concatenate %slice3A_430, %slice3A_431, %slice3A_432, %slice3A_433, %slice3A_434, %slice3A_435, %slice3A_436, %slice3A_437, %slice3A_438, %slice3A_439, %slice3A_440, %slice3A_441, %slice3A_442, %slice3A_443, %slice3A_444, %slice3A_445 in 0 : vector<16x113xf32>, vector<16x113xf32>, vector<16x113xf32>, vector<16x113xf32>, vector<16x113xf32>, vector<16x113xf32>, vector<16x113xf32>, vector<16x113xf32>, vector<16x113xf32>, vector<16x113xf32>, vector<16x113xf32>, vector<16x113xf32>, vector<16x113xf32>, vector<16x113xf32>, vector<16x113xf32>, vector<16x113xf32> -> vector<256x113xf32>
    %dot_general3A_447 = arith.constant dense<0.000000e+00> : vector<113x128xf32>
    %dot_general3A_448 = tpu.matmul %concatenate3A_446, %get3A_4, %dot_general3A_447 {dimension_numbers = #tpu.dot_dimension_numbers<[0], [0], [1], [1], [0, 1, 1, 1], [], []>, transpose_lhs_hint = false} : vector<256x113xf32>, vector<256x128xf32>, vector<113x128xf32> -> vector<113x128xf32>
    %slice3A_449 = vector.extract_strided_slice %broadcast_in_dim3A {offsets = [15, 0], sizes = [1, 1], strides = [1, 1]} : vector<32x1xf32> to vector<1x1xf32>
    %mul3A_450 = vector.broadcast %slice3A_449 : vector<1x1xf32> to vector<1x128xf32>
    %mul3A_451 = arith.mulf %mul3A_450, %get3A_7 : vector<1x128xf32>
    %add3A_452 = vector.broadcast %mul3A_451 : vector<1x128xf32> to vector<113x128xf32>
    %add3A_453 = arith.addf %dot_general3A_448, %add3A_452 : vector<113x128xf32>
    %swap3A_454 = arith.constant 0 : index
    %swap3A_455 = arith.constant 1920 : index
    %swap3A_456 = vector.load %arg4[%swap3A_454, %swap3A_455] : memref<113x4096xf32, #tpu.memory_space<vmem>>, vector<113x128xf32>
    tpu.vector_store %arg4[%swap3A_454, %swap3A_455], %add3A_453 {strides = array<i32>} : memref<113x4096xf32, #tpu.memory_space<vmem>>, vector<113x128xf32>,
    %slice3A_457 = vector.extract_strided_slice %get3A_1 {offsets = [256, 0], sizes = [16, 128], strides = [1, 1]} : vector<512x128xf32> to vector<16x128xf32>
    %slice3A_458 = vector.extract_strided_slice %slice3A_457 {offsets = [0, 0], sizes = [16, 113], strides = [1, 1]} : vector<16x128xf32> to vector<16x113xf32>
    %slice3A_459 = vector.extract_strided_slice %slice3A_457 {offsets = [0, 1], sizes = [16, 113], strides = [1, 1]} : vector<16x128xf32> to vector<16x113xf32>
    %slice3A_460 = vector.extract_strided_slice %slice3A_457 {offsets = [0, 2], sizes = [16, 113], strides = [1, 1]} : vector<16x128xf32> to vector<16x113xf32>
    %slice3A_461 = vector.extract_strided_slice %slice3A_457 {offsets = [0, 3], sizes = [16, 113], strides = [1, 1]} : vector<16x128xf32> to vector<16x113xf32>
    %slice3A_462 = vector.extract_strided_slice %slice3A_457 {offsets = [0, 4], sizes = [16, 113], strides = [1, 1]} : vector<16x128xf32> to vector<16x113xf32>
    %slice3A_463 = vector.extract_strided_slice %slice3A_457 {offsets = [0, 5], sizes = [16, 113], strides = [1, 1]} : vector<16x128xf32> to vector<16x113xf32>
    %slice3A_464 = vector.extract_strided_slice %slice3A_457 {offsets = [0, 6], sizes = [16, 113], strides = [1, 1]} : vector<16x128xf32> to vector<16x113xf32>
    %slice3A_465 = vector.extract_strided_slice %slice3A_457 {offsets = [0, 7], sizes = [16, 113], strides = [1, 1]} : vector<16x128xf32> to vector<16x113xf32>
    %slice3A_466 = vector.extract_strided_slice %slice3A_457 {offsets = [0, 8], sizes = [16, 113], strides = [1, 1]} : vector<16x128xf32> to vector<16x113xf32>
    %slice3A_467 = vector.extract_strided_slice %slice3A_457 {offsets = [0, 9], sizes = [16, 113], strides = [1, 1]} : vector<16x128xf32> to vector<16x113xf32>
    %slice3A_468 = vector.extract_strided_slice %slice3A_457 {offsets = [0, 10], sizes = [16, 113], strides = [1, 1]} : vector<16x128xf32> to vector<16x113xf32>
    %slice3A_469 = vector.extract_strided_slice %slice3A_457 {offsets = [0, 11], sizes = [16, 113], strides = [1, 1]} : vector<16x128xf32> to vector<16x113xf32>
    %slice3A_470 = vector.extract_strided_slice %slice3A_457 {offsets = [0, 12], sizes = [16, 113], strides = [1, 1]} : vector<16x128xf32> to vector<16x113xf32>
    %slice3A_471 = vector.extract_strided_slice %slice3A_457 {offsets = [0, 13], sizes = [16, 113], strides = [1, 1]} : vector<16x128xf32> to vector<16x113xf32>
    %slice3A_472 = vector.extract_strided_slice %slice3A_457 {offsets = [0, 14], sizes = [16, 113], strides = [1, 1]} : vector<16x128xf32> to vector<16x113xf32>
    %slice3A_473 = vector.extract_strided_slice %slice3A_457 {offsets = [0, 15], sizes = [16, 113], strides = [1, 1]} : vector<16x128xf32> to vector<16x113xf32>
    %concatenate3A_474 = tpu.concatenate %slice3A_458, %slice3A_459, %slice3A_460, %slice3A_461, %slice3A_462, %slice3A_463, %slice3A_464, %slice3A_465, %slice3A_466, %slice3A_467, %slice3A_468, %slice3A_469, %slice3A_470, %slice3A_471, %slice3A_472, %slice3A_473 in 0 : vector<16x113xf32>, vector<16x113xf32>, vector<16x113xf32>, vector<16x113xf32>, vector<16x113xf32>, vector<16x113xf32>, vector<16x113xf32>, vector<16x113xf32>, vector<16x113xf32>, vector<16x113xf32>, vector<16x113xf32>, vector<16x113xf32>, vector<16x113xf32>, vector<16x113xf32>, vector<16x113xf32>, vector<16x113xf32> -> vector<256x113xf32>
    %dot_general3A_475 = arith.constant dense<0.000000e+00> : vector<113x128xf32>
    %dot_general3A_476 = tpu.matmul %concatenate3A_474, %get3A_4, %dot_general3A_475 {dimension_numbers = #tpu.dot_dimension_numbers<[0], [0], [1], [1], [0, 1, 1, 1], [], []>, transpose_lhs_hint = false} : vector<256x113xf32>, vector<256x128xf32>, vector<113x128xf32> -> vector<113x128xf32>
    %slice3A_477 = vector.extract_strided_slice %broadcast_in_dim3A {offsets = [16, 0], sizes = [1, 1], strides = [1, 1]} : vector<32x1xf32> to vector<1x1xf32>
    %mul3A_478 = vector.broadcast %slice3A_477 : vector<1x1xf32> to vector<1x128xf32>
    %mul3A_479 = arith.mulf %mul3A_478, %get3A_7 : vector<1x128xf32>
    %add3A_480 = vector.broadcast %mul3A_479 : vector<1x128xf32> to vector<113x128xf32>
    %add3A_481 = arith.addf %dot_general3A_476, %add3A_480 : vector<113x128xf32>
    %swap3A_482 = arith.constant 0 : index
    %swap3A_483 = arith.constant 2048 : index
    %swap3A_484 = vector.load %arg4[%swap3A_482, %swap3A_483] : memref<113x4096xf32, #tpu.memory_space<vmem>>, vector<113x128xf32>
    tpu.vector_store %arg4[%swap3A_482, %swap3A_483], %add3A_481 {strides = array<i32>} : memref<113x4096xf32, #tpu.memory_space<vmem>>, vector<113x128xf32>,
    %slice3A_485 = vector.extract_strided_slice %get3A_1 {offsets = [272, 0], sizes = [16, 128], strides = [1, 1]} : vector<512x128xf32> to vector<16x128xf32>
    %slice3A_486 = vector.extract_strided_slice %slice3A_485 {offsets = [0, 0], sizes = [16, 113], strides = [1, 1]} : vector<16x128xf32> to vector<16x113xf32>
    %slice3A_487 = vector.extract_strided_slice %slice3A_485 {offsets = [0, 1], sizes = [16, 113], strides = [1, 1]} : vector<16x128xf32> to vector<16x113xf32>
    %slice3A_488 = vector.extract_strided_slice %slice3A_485 {offsets = [0, 2], sizes = [16, 113], strides = [1, 1]} : vector<16x128xf32> to vector<16x113xf32>
    %slice3A_489 = vector.extract_strided_slice %slice3A_485 {offsets = [0, 3], sizes = [16, 113], strides = [1, 1]} : vector<16x128xf32> to vector<16x113xf32>
    %slice3A_490 = vector.extract_strided_slice %slice3A_485 {offsets = [0, 4], sizes = [16, 113], strides = [1, 1]} : vector<16x128xf32> to vector<16x113xf32>
    %slice3A_491 = vector.extract_strided_slice %slice3A_485 {offsets = [0, 5], sizes = [16, 113], strides = [1, 1]} : vector<16x128xf32> to vector<16x113xf32>
    %slice3A_492 = vector.extract_strided_slice %slice3A_485 {offsets = [0, 6], sizes = [16, 113], strides = [1, 1]} : vector<16x128xf32> to vector<16x113xf32>
    %slice3A_493 = vector.extract_strided_slice %slice3A_485 {offsets = [0, 7], sizes = [16, 113], strides = [1, 1]} : vector<16x128xf32> to vector<16x113xf32>
    %slice3A_494 = vector.extract_strided_slice %slice3A_485 {offsets = [0, 8], sizes = [16, 113], strides = [1, 1]} : vector<16x128xf32> to vector<16x113xf32>
    %slice3A_495 = vector.extract_strided_slice %slice3A_485 {offsets = [0, 9], sizes = [16, 113], strides = [1, 1]} : vector<16x128xf32> to vector<16x113xf32>
    %slice3A_496 = vector.extract_strided_slice %slice3A_485 {offsets = [0, 10], sizes = [16, 113], strides = [1, 1]} : vector<16x128xf32> to vector<16x113xf32>
    %slice3A_497 = vector.extract_strided_slice %slice3A_485 {offsets = [0, 11], sizes = [16, 113], strides = [1, 1]} : vector<16x128xf32> to vector<16x113xf32>
    %slice3A_498 = vector.extract_strided_slice %slice3A_485 {offsets = [0, 12], sizes = [16, 113], strides = [1, 1]} : vector<16x128xf32> to vector<16x113xf32>
    %slice3A_499 = vector.extract_strided_slice %slice3A_485 {offsets = [0, 13], sizes = [16, 113], strides = [1, 1]} : vector<16x128xf32> to vector<16x113xf32>
    %slice3A_500 = vector.extract_strided_slice %slice3A_485 {offsets = [0, 14], sizes = [16, 113], strides = [1, 1]} : vector<16x128xf32> to vector<16x113xf32>
    %slice3A_501 = vector.extract_strided_slice %slice3A_485 {offsets = [0, 15], sizes = [16, 113], strides = [1, 1]} : vector<16x128xf32> to vector<16x113xf32>
    %concatenate3A_502 = tpu.concatenate %slice3A_486, %slice3A_487, %slice3A_488, %slice3A_489, %slice3A_490, %slice3A_491, %slice3A_492, %slice3A_493, %slice3A_494, %slice3A_495, %slice3A_496, %slice3A_497, %slice3A_498, %slice3A_499, %slice3A_500, %slice3A_501 in 0 : vector<16x113xf32>, vector<16x113xf32>, vector<16x113xf32>, vector<16x113xf32>, vector<16x113xf32>, vector<16x113xf32>, vector<16x113xf32>, vector<16x113xf32>, vector<16x113xf32>, vector<16x113xf32>, vector<16x113xf32>, vector<16x113xf32>, vector<16x113xf32>, vector<16x113xf32>, vector<16x113xf32>, vector<16x113xf32> -> vector<256x113xf32>
    %dot_general3A_503 = arith.constant dense<0.000000e+00> : vector<113x128xf32>
    %dot_general3A_504 = tpu.matmul %concatenate3A_502, %get3A_4, %dot_general3A_503 {dimension_numbers = #tpu.dot_dimension_numbers<[0], [0], [1], [1], [0, 1, 1, 1], [], []>, transpose_lhs_hint = false} : vector<256x113xf32>, vector<256x128xf32>, vector<113x128xf32> -> vector<113x128xf32>
    %slice3A_505 = vector.extract_strided_slice %broadcast_in_dim3A {offsets = [17, 0], sizes = [1, 1], strides = [1, 1]} : vector<32x1xf32> to vector<1x1xf32>
    %mul3A_506 = vector.broadcast %slice3A_505 : vector<1x1xf32> to vector<1x128xf32>
    %mul3A_507 = arith.mulf %mul3A_506, %get3A_7 : vector<1x128xf32>
    %add3A_508 = vector.broadcast %mul3A_507 : vector<1x128xf32> to vector<113x128xf32>
    %add3A_509 = arith.addf %dot_general3A_504, %add3A_508 : vector<113x128xf32>
    %swap3A_510 = arith.constant 0 : index
    %swap3A_511 = arith.constant 2176 : index
    %swap3A_512 = vector.load %arg4[%swap3A_510, %swap3A_511] : memref<113x4096xf32, #tpu.memory_space<vmem>>, vector<113x128xf32>
    tpu.vector_store %arg4[%swap3A_510, %swap3A_511], %add3A_509 {strides = array<i32>} : memref<113x4096xf32, #tpu.memory_space<vmem>>, vector<113x128xf32>,
    %slice3A_513 = vector.extract_strided_slice %get3A_1 {offsets = [288, 0], sizes = [16, 128], strides = [1, 1]} : vector<512x128xf32> to vector<16x128xf32>
    %slice3A_514 = vector.extract_strided_slice %slice3A_513 {offsets = [0, 0], sizes = [16, 113], strides = [1, 1]} : vector<16x128xf32> to vector<16x113xf32>
    %slice3A_515 = vector.extract_strided_slice %slice3A_513 {offsets = [0, 1], sizes = [16, 113], strides = [1, 1]} : vector<16x128xf32> to vector<16x113xf32>
    %slice3A_516 = vector.extract_strided_slice %slice3A_513 {offsets = [0, 2], sizes = [16, 113], strides = [1, 1]} : vector<16x128xf32> to vector<16x113xf32>
    %slice3A_517 = vector.extract_strided_slice %slice3A_513 {offsets = [0, 3], sizes = [16, 113], strides = [1, 1]} : vector<16x128xf32> to vector<16x113xf32>
    %slice3A_518 = vector.extract_strided_slice %slice3A_513 {offsets = [0, 4], sizes = [16, 113], strides = [1, 1]} : vector<16x128xf32> to vector<16x113xf32>
    %slice3A_519 = vector.extract_strided_slice %slice3A_513 {offsets = [0, 5], sizes = [16, 113], strides = [1, 1]} : vector<16x128xf32> to vector<16x113xf32>
    %slice3A_520 = vector.extract_strided_slice %slice3A_513 {offsets = [0, 6], sizes = [16, 113], strides = [1, 1]} : vector<16x128xf32> to vector<16x113xf32>
    %slice3A_521 = vector.extract_strided_slice %slice3A_513 {offsets = [0, 7], sizes = [16, 113], strides = [1, 1]} : vector<16x128xf32> to vector<16x113xf32>
    %slice3A_522 = vector.extract_strided_slice %slice3A_513 {offsets = [0, 8], sizes = [16, 113], strides = [1, 1]} : vector<16x128xf32> to vector<16x113xf32>
    %slice3A_523 = vector.extract_strided_slice %slice3A_513 {offsets = [0, 9], sizes = [16, 113], strides = [1, 1]} : vector<16x128xf32> to vector<16x113xf32>
    %slice3A_524 = vector.extract_strided_slice %slice3A_513 {offsets = [0, 10], sizes = [16, 113], strides = [1, 1]} : vector<16x128xf32> to vector<16x113xf32>
    %slice3A_525 = vector.extract_strided_slice %slice3A_513 {offsets = [0, 11], sizes = [16, 113], strides = [1, 1]} : vector<16x128xf32> to vector<16x113xf32>
    %slice3A_526 = vector.extract_strided_slice %slice3A_513 {offsets = [0, 12], sizes = [16, 113], strides = [1, 1]} : vector<16x128xf32> to vector<16x113xf32>
    %slice3A_527 = vector.extract_strided_slice %slice3A_513 {offsets = [0, 13], sizes = [16, 113], strides = [1, 1]} : vector<16x128xf32> to vector<16x113xf32>
    %slice3A_528 = vector.extract_strided_slice %slice3A_513 {offsets = [0, 14], sizes = [16, 113], strides = [1, 1]} : vector<16x128xf32> to vector<16x113xf32>
    %slice3A_529 = vector.extract_strided_slice %slice3A_513 {offsets = [0, 15], sizes = [16, 113], strides = [1, 1]} : vector<16x128xf32> to vector<16x113xf32>
    %concatenate3A_530 = tpu.concatenate %slice3A_514, %slice3A_515, %slice3A_516, %slice3A_517, %slice3A_518, %slice3A_519, %slice3A_520, %slice3A_521, %slice3A_522, %slice3A_523, %slice3A_524, %slice3A_525, %slice3A_526, %slice3A_527, %slice3A_528, %slice3A_529 in 0 : vector<16x113xf32>, vector<16x113xf32>, vector<16x113xf32>, vector<16x113xf32>, vector<16x113xf32>, vector<16x113xf32>, vector<16x113xf32>, vector<16x113xf32>, vector<16x113xf32>, vector<16x113xf32>, vector<16x113xf32>, vector<16x113xf32>, vector<16x113xf32>, vector<16x113xf32>, vector<16x113xf32>, vector<16x113xf32> -> vector<256x113xf32>
    %dot_general3A_531 = arith.constant dense<0.000000e+00> : vector<113x128xf32>
    %dot_general3A_532 = tpu.matmul %concatenate3A_530, %get3A_4, %dot_general3A_531 {dimension_numbers = #tpu.dot_dimension_numbers<[0], [0], [1], [1], [0, 1, 1, 1], [], []>, transpose_lhs_hint = false} : vector<256x113xf32>, vector<256x128xf32>, vector<113x128xf32> -> vector<113x128xf32>
    %slice3A_533 = vector.extract_strided_slice %broadcast_in_dim3A {offsets = [18, 0], sizes = [1, 1], strides = [1, 1]} : vector<32x1xf32> to vector<1x1xf32>
    %mul3A_534 = vector.broadcast %slice3A_533 : vector<1x1xf32> to vector<1x128xf32>
    %mul3A_535 = arith.mulf %mul3A_534, %get3A_7 : vector<1x128xf32>
    %add3A_536 = vector.broadcast %mul3A_535 : vector<1x128xf32> to vector<113x128xf32>
    %add3A_537 = arith.addf %dot_general3A_532, %add3A_536 : vector<113x128xf32>
    %swap3A_538 = arith.constant 0 : index
    %swap3A_539 = arith.constant 2304 : index
    %swap3A_540 = vector.load %arg4[%swap3A_538, %swap3A_539] : memref<113x4096xf32, #tpu.memory_space<vmem>>, vector<113x128xf32>
    tpu.vector_store %arg4[%swap3A_538, %swap3A_539], %add3A_537 {strides = array<i32>} : memref<113x4096xf32, #tpu.memory_space<vmem>>, vector<113x128xf32>,
    %slice3A_541 = vector.extract_strided_slice %get3A_1 {offsets = [304, 0], sizes = [16, 128], strides = [1, 1]} : vector<512x128xf32> to vector<16x128xf32>
    %slice3A_542 = vector.extract_strided_slice %slice3A_541 {offsets = [0, 0], sizes = [16, 113], strides = [1, 1]} : vector<16x128xf32> to vector<16x113xf32>
    %slice3A_543 = vector.extract_strided_slice %slice3A_541 {offsets = [0, 1], sizes = [16, 113], strides = [1, 1]} : vector<16x128xf32> to vector<16x113xf32>
    %slice3A_544 = vector.extract_strided_slice %slice3A_541 {offsets = [0, 2], sizes = [16, 113], strides = [1, 1]} : vector<16x128xf32> to vector<16x113xf32>
    %slice3A_545 = vector.extract_strided_slice %slice3A_541 {offsets = [0, 3], sizes = [16, 113], strides = [1, 1]} : vector<16x128xf32> to vector<16x113xf32>
    %slice3A_546 = vector.extract_strided_slice %slice3A_541 {offsets = [0, 4], sizes = [16, 113], strides = [1, 1]} : vector<16x128xf32> to vector<16x113xf32>
    %slice3A_547 = vector.extract_strided_slice %slice3A_541 {offsets = [0, 5], sizes = [16, 113], strides = [1, 1]} : vector<16x128xf32> to vector<16x113xf32>
    %slice3A_548 = vector.extract_strided_slice %slice3A_541 {offsets = [0, 6], sizes = [16, 113], strides = [1, 1]} : vector<16x128xf32> to vector<16x113xf32>
    %slice3A_549 = vector.extract_strided_slice %slice3A_541 {offsets = [0, 7], sizes = [16, 113], strides = [1, 1]} : vector<16x128xf32> to vector<16x113xf32>
    %slice3A_550 = vector.extract_strided_slice %slice3A_541 {offsets = [0, 8], sizes = [16, 113], strides = [1, 1]} : vector<16x128xf32> to vector<16x113xf32>
    %slice3A_551 = vector.extract_strided_slice %slice3A_541 {offsets = [0, 9], sizes = [16, 113], strides = [1, 1]} : vector<16x128xf32> to vector<16x113xf32>
    %slice3A_552 = vector.extract_strided_slice %slice3A_541 {offsets = [0, 10], sizes = [16, 113], strides = [1, 1]} : vector<16x128xf32> to vector<16x113xf32>
    %slice3A_553 = vector.extract_strided_slice %slice3A_541 {offsets = [0, 11], sizes = [16, 113], strides = [1, 1]} : vector<16x128xf32> to vector<16x113xf32>
    %slice3A_554 = vector.extract_strided_slice %slice3A_541 {offsets = [0, 12], sizes = [16, 113], strides = [1, 1]} : vector<16x128xf32> to vector<16x113xf32>
    %slice3A_555 = vector.extract_strided_slice %slice3A_541 {offsets = [0, 13], sizes = [16, 113], strides = [1, 1]} : vector<16x128xf32> to vector<16x113xf32>
    %slice3A_556 = vector.extract_strided_slice %slice3A_541 {offsets = [0, 14], sizes = [16, 113], strides = [1, 1]} : vector<16x128xf32> to vector<16x113xf32>
    %slice3A_557 = vector.extract_strided_slice %slice3A_541 {offsets = [0, 15], sizes = [16, 113], strides = [1, 1]} : vector<16x128xf32> to vector<16x113xf32>
    %concatenate3A_558 = tpu.concatenate %slice3A_542, %slice3A_543, %slice3A_544, %slice3A_545, %slice3A_546, %slice3A_547, %slice3A_548, %slice3A_549, %slice3A_550, %slice3A_551, %slice3A_552, %slice3A_553, %slice3A_554, %slice3A_555, %slice3A_556, %slice3A_557 in 0 : vector<16x113xf32>, vector<16x113xf32>, vector<16x113xf32>, vector<16x113xf32>, vector<16x113xf32>, vector<16x113xf32>, vector<16x113xf32>, vector<16x113xf32>, vector<16x113xf32>, vector<16x113xf32>, vector<16x113xf32>, vector<16x113xf32>, vector<16x113xf32>, vector<16x113xf32>, vector<16x113xf32>, vector<16x113xf32> -> vector<256x113xf32>
    %dot_general3A_559 = arith.constant dense<0.000000e+00> : vector<113x128xf32>
    %dot_general3A_560 = tpu.matmul %concatenate3A_558, %get3A_4, %dot_general3A_559 {dimension_numbers = #tpu.dot_dimension_numbers<[0], [0], [1], [1], [0, 1, 1, 1], [], []>, transpose_lhs_hint = false} : vector<256x113xf32>, vector<256x128xf32>, vector<113x128xf32> -> vector<113x128xf32>
    %slice3A_561 = vector.extract_strided_slice %broadcast_in_dim3A {offsets = [19, 0], sizes = [1, 1], strides = [1, 1]} : vector<32x1xf32> to vector<1x1xf32>
    %mul3A_562 = vector.broadcast %slice3A_561 : vector<1x1xf32> to vector<1x128xf32>
    %mul3A_563 = arith.mulf %mul3A_562, %get3A_7 : vector<1x128xf32>
    %add3A_564 = vector.broadcast %mul3A_563 : vector<1x128xf32> to vector<113x128xf32>
    %add3A_565 = arith.addf %dot_general3A_560, %add3A_564 : vector<113x128xf32>
    %swap3A_566 = arith.constant 0 : index
    %swap3A_567 = arith.constant 2432 : index
    %swap3A_568 = vector.load %arg4[%swap3A_566, %swap3A_567] : memref<113x4096xf32, #tpu.memory_space<vmem>>, vector<113x128xf32>
    tpu.vector_store %arg4[%swap3A_566, %swap3A_567], %add3A_565 {strides = array<i32>} : memref<113x4096xf32, #tpu.memory_space<vmem>>, vector<113x128xf32>,
    %slice3A_569 = vector.extract_strided_slice %get3A_1 {offsets = [320, 0], sizes = [16, 128], strides = [1, 1]} : vector<512x128xf32> to vector<16x128xf32>
    %slice3A_570 = vector.extract_strided_slice %slice3A_569 {offsets = [0, 0], sizes = [16, 113], strides = [1, 1]} : vector<16x128xf32> to vector<16x113xf32>
    %slice3A_571 = vector.extract_strided_slice %slice3A_569 {offsets = [0, 1], sizes = [16, 113], strides = [1, 1]} : vector<16x128xf32> to vector<16x113xf32>
    %slice3A_572 = vector.extract_strided_slice %slice3A_569 {offsets = [0, 2], sizes = [16, 113], strides = [1, 1]} : vector<16x128xf32> to vector<16x113xf32>
    %slice3A_573 = vector.extract_strided_slice %slice3A_569 {offsets = [0, 3], sizes = [16, 113], strides = [1, 1]} : vector<16x128xf32> to vector<16x113xf32>
    %slice3A_574 = vector.extract_strided_slice %slice3A_569 {offsets = [0, 4], sizes = [16, 113], strides = [1, 1]} : vector<16x128xf32> to vector<16x113xf32>
    %slice3A_575 = vector.extract_strided_slice %slice3A_569 {offsets = [0, 5], sizes = [16, 113], strides = [1, 1]} : vector<16x128xf32> to vector<16x113xf32>
    %slice3A_576 = vector.extract_strided_slice %slice3A_569 {offsets = [0, 6], sizes = [16, 113], strides = [1, 1]} : vector<16x128xf32> to vector<16x113xf32>
    %slice3A_577 = vector.extract_strided_slice %slice3A_569 {offsets = [0, 7], sizes = [16, 113], strides = [1, 1]} : vector<16x128xf32> to vector<16x113xf32>
    %slice3A_578 = vector.extract_strided_slice %slice3A_569 {offsets = [0, 8], sizes = [16, 113], strides = [1, 1]} : vector<16x128xf32> to vector<16x113xf32>
    %slice3A_579 = vector.extract_strided_slice %slice3A_569 {offsets = [0, 9], sizes = [16, 113], strides = [1, 1]} : vector<16x128xf32> to vector<16x113xf32>
    %slice3A_580 = vector.extract_strided_slice %slice3A_569 {offsets = [0, 10], sizes = [16, 113], strides = [1, 1]} : vector<16x128xf32> to vector<16x113xf32>
    %slice3A_581 = vector.extract_strided_slice %slice3A_569 {offsets = [0, 11], sizes = [16, 113], strides = [1, 1]} : vector<16x128xf32> to vector<16x113xf32>
    %slice3A_582 = vector.extract_strided_slice %slice3A_569 {offsets = [0, 12], sizes = [16, 113], strides = [1, 1]} : vector<16x128xf32> to vector<16x113xf32>
    %slice3A_583 = vector.extract_strided_slice %slice3A_569 {offsets = [0, 13], sizes = [16, 113], strides = [1, 1]} : vector<16x128xf32> to vector<16x113xf32>
    %slice3A_584 = vector.extract_strided_slice %slice3A_569 {offsets = [0, 14], sizes = [16, 113], strides = [1, 1]} : vector<16x128xf32> to vector<16x113xf32>
    %slice3A_585 = vector.extract_strided_slice %slice3A_569 {offsets = [0, 15], sizes = [16, 113], strides = [1, 1]} : vector<16x128xf32> to vector<16x113xf32>
    %concatenate3A_586 = tpu.concatenate %slice3A_570, %slice3A_571, %slice3A_572, %slice3A_573, %slice3A_574, %slice3A_575, %slice3A_576, %slice3A_577, %slice3A_578, %slice3A_579, %slice3A_580, %slice3A_581, %slice3A_582, %slice3A_583, %slice3A_584, %slice3A_585 in 0 : vector<16x113xf32>, vector<16x113xf32>, vector<16x113xf32>, vector<16x113xf32>, vector<16x113xf32>, vector<16x113xf32>, vector<16x113xf32>, vector<16x113xf32>, vector<16x113xf32>, vector<16x113xf32>, vector<16x113xf32>, vector<16x113xf32>, vector<16x113xf32>, vector<16x113xf32>, vector<16x113xf32>, vector<16x113xf32> -> vector<256x113xf32>
    %dot_general3A_587 = arith.constant dense<0.000000e+00> : vector<113x128xf32>
    %dot_general3A_588 = tpu.matmul %concatenate3A_586, %get3A_4, %dot_general3A_587 {dimension_numbers = #tpu.dot_dimension_numbers<[0], [0], [1], [1], [0, 1, 1, 1], [], []>, transpose_lhs_hint = false} : vector<256x113xf32>, vector<256x128xf32>, vector<113x128xf32> -> vector<113x128xf32>
    %slice3A_589 = vector.extract_strided_slice %broadcast_in_dim3A {offsets = [20, 0], sizes = [1, 1], strides = [1, 1]} : vector<32x1xf32> to vector<1x1xf32>
    %mul3A_590 = vector.broadcast %slice3A_589 : vector<1x1xf32> to vector<1x128xf32>
    %mul3A_591 = arith.mulf %mul3A_590, %get3A_7 : vector<1x128xf32>
    %add3A_592 = vector.broadcast %mul3A_591 : vector<1x128xf32> to vector<113x128xf32>
    %add3A_593 = arith.addf %dot_general3A_588, %add3A_592 : vector<113x128xf32>
    %swap3A_594 = arith.constant 0 : index
    %swap3A_595 = arith.constant 2560 : index
    %swap3A_596 = vector.load %arg4[%swap3A_594, %swap3A_595] : memref<113x4096xf32, #tpu.memory_space<vmem>>, vector<113x128xf32>
    tpu.vector_store %arg4[%swap3A_594, %swap3A_595], %add3A_593 {strides = array<i32>} : memref<113x4096xf32, #tpu.memory_space<vmem>>, vector<113x128xf32>,
    %slice3A_597 = vector.extract_strided_slice %get3A_1 {offsets = [336, 0], sizes = [16, 128], strides = [1, 1]} : vector<512x128xf32> to vector<16x128xf32>
    %slice3A_598 = vector.extract_strided_slice %slice3A_597 {offsets = [0, 0], sizes = [16, 113], strides = [1, 1]} : vector<16x128xf32> to vector<16x113xf32>
    %slice3A_599 = vector.extract_strided_slice %slice3A_597 {offsets = [0, 1], sizes = [16, 113], strides = [1, 1]} : vector<16x128xf32> to vector<16x113xf32>
    %slice3A_600 = vector.extract_strided_slice %slice3A_597 {offsets = [0, 2], sizes = [16, 113], strides = [1, 1]} : vector<16x128xf32> to vector<16x113xf32>
    %slice3A_601 = vector.extract_strided_slice %slice3A_597 {offsets = [0, 3], sizes = [16, 113], strides = [1, 1]} : vector<16x128xf32> to vector<16x113xf32>
    %slice3A_602 = vector.extract_strided_slice %slice3A_597 {offsets = [0, 4], sizes = [16, 113], strides = [1, 1]} : vector<16x128xf32> to vector<16x113xf32>
    %slice3A_603 = vector.extract_strided_slice %slice3A_597 {offsets = [0, 5], sizes = [16, 113], strides = [1, 1]} : vector<16x128xf32> to vector<16x113xf32>
    %slice3A_604 = vector.extract_strided_slice %slice3A_597 {offsets = [0, 6], sizes = [16, 113], strides = [1, 1]} : vector<16x128xf32> to vector<16x113xf32>
    %slice3A_605 = vector.extract_strided_slice %slice3A_597 {offsets = [0, 7], sizes = [16, 113], strides = [1, 1]} : vector<16x128xf32> to vector<16x113xf32>
    %slice3A_606 = vector.extract_strided_slice %slice3A_597 {offsets = [0, 8], sizes = [16, 113], strides = [1, 1]} : vector<16x128xf32> to vector<16x113xf32>
    %slice3A_607 = vector.extract_strided_slice %slice3A_597 {offsets = [0, 9], sizes = [16, 113], strides = [1, 1]} : vector<16x128xf32> to vector<16x113xf32>
    %slice3A_608 = vector.extract_strided_slice %slice3A_597 {offsets = [0, 10], sizes = [16, 113], strides = [1, 1]} : vector<16x128xf32> to vector<16x113xf32>
    %slice3A_609 = vector.extract_strided_slice %slice3A_597 {offsets = [0, 11], sizes = [16, 113], strides = [1, 1]} : vector<16x128xf32> to vector<16x113xf32>
    %slice3A_610 = vector.extract_strided_slice %slice3A_597 {offsets = [0, 12], sizes = [16, 113], strides = [1, 1]} : vector<16x128xf32> to vector<16x113xf32>
    %slice3A_611 = vector.extract_strided_slice %slice3A_597 {offsets = [0, 13], sizes = [16, 113], strides = [1, 1]} : vector<16x128xf32> to vector<16x113xf32>
    %slice3A_612 = vector.extract_strided_slice %slice3A_597 {offsets = [0, 14], sizes = [16, 113], strides = [1, 1]} : vector<16x128xf32> to vector<16x113xf32>
    %slice3A_613 = vector.extract_strided_slice %slice3A_597 {offsets = [0, 15], sizes = [16, 113], strides = [1, 1]} : vector<16x128xf32> to vector<16x113xf32>
    %concatenate3A_614 = tpu.concatenate %slice3A_598, %slice3A_599, %slice3A_600, %slice3A_601, %slice3A_602, %slice3A_603, %slice3A_604, %slice3A_605, %slice3A_606, %slice3A_607, %slice3A_608, %slice3A_609, %slice3A_610, %slice3A_611, %slice3A_612, %slice3A_613 in 0 : vector<16x113xf32>, vector<16x113xf32>, vector<16x113xf32>, vector<16x113xf32>, vector<16x113xf32>, vector<16x113xf32>, vector<16x113xf32>, vector<16x113xf32>, vector<16x113xf32>, vector<16x113xf32>, vector<16x113xf32>, vector<16x113xf32>, vector<16x113xf32>, vector<16x113xf32>, vector<16x113xf32>, vector<16x113xf32> -> vector<256x113xf32>
    %dot_general3A_615 = arith.constant dense<0.000000e+00> : vector<113x128xf32>
    %dot_general3A_616 = tpu.matmul %concatenate3A_614, %get3A_4, %dot_general3A_615 {dimension_numbers = #tpu.dot_dimension_numbers<[0], [0], [1], [1], [0, 1, 1, 1], [], []>, transpose_lhs_hint = false} : vector<256x113xf32>, vector<256x128xf32>, vector<113x128xf32> -> vector<113x128xf32>
    %slice3A_617 = vector.extract_strided_slice %broadcast_in_dim3A {offsets = [21, 0], sizes = [1, 1], strides = [1, 1]} : vector<32x1xf32> to vector<1x1xf32>
    %mul3A_618 = vector.broadcast %slice3A_617 : vector<1x1xf32> to vector<1x128xf32>
    %mul3A_619 = arith.mulf %mul3A_618, %get3A_7 : vector<1x128xf32>
    %add3A_620 = vector.broadcast %mul3A_619 : vector<1x128xf32> to vector<113x128xf32>
    %add3A_621 = arith.addf %dot_general3A_616, %add3A_620 : vector<113x128xf32>
    %swap3A_622 = arith.constant 0 : index
    %swap3A_623 = arith.constant 2688 : index
    %swap3A_624 = vector.load %arg4[%swap3A_622, %swap3A_623] : memref<113x4096xf32, #tpu.memory_space<vmem>>, vector<113x128xf32>
    tpu.vector_store %arg4[%swap3A_622, %swap3A_623], %add3A_621 {strides = array<i32>} : memref<113x4096xf32, #tpu.memory_space<vmem>>, vector<113x128xf32>,
    %slice3A_625 = vector.extract_strided_slice %get3A_1 {offsets = [352, 0], sizes = [16, 128], strides = [1, 1]} : vector<512x128xf32> to vector<16x128xf32>
    %slice3A_626 = vector.extract_strided_slice %slice3A_625 {offsets = [0, 0], sizes = [16, 113], strides = [1, 1]} : vector<16x128xf32> to vector<16x113xf32>
    %slice3A_627 = vector.extract_strided_slice %slice3A_625 {offsets = [0, 1], sizes = [16, 113], strides = [1, 1]} : vector<16x128xf32> to vector<16x113xf32>
    %slice3A_628 = vector.extract_strided_slice %slice3A_625 {offsets = [0, 2], sizes = [16, 113], strides = [1, 1]} : vector<16x128xf32> to vector<16x113xf32>
    %slice3A_629 = vector.extract_strided_slice %slice3A_625 {offsets = [0, 3], sizes = [16, 113], strides = [1, 1]} : vector<16x128xf32> to vector<16x113xf32>
    %slice3A_630 = vector.extract_strided_slice %slice3A_625 {offsets = [0, 4], sizes = [16, 113], strides = [1, 1]} : vector<16x128xf32> to vector<16x113xf32>
    %slice3A_631 = vector.extract_strided_slice %slice3A_625 {offsets = [0, 5], sizes = [16, 113], strides = [1, 1]} : vector<16x128xf32> to vector<16x113xf32>
    %slice3A_632 = vector.extract_strided_slice %slice3A_625 {offsets = [0, 6], sizes = [16, 113], strides = [1, 1]} : vector<16x128xf32> to vector<16x113xf32>
    %slice3A_633 = vector.extract_strided_slice %slice3A_625 {offsets = [0, 7], sizes = [16, 113], strides = [1, 1]} : vector<16x128xf32> to vector<16x113xf32>
    %slice3A_634 = vector.extract_strided_slice %slice3A_625 {offsets = [0, 8], sizes = [16, 113], strides = [1, 1]} : vector<16x128xf32> to vector<16x113xf32>
    %slice3A_635 = vector.extract_strided_slice %slice3A_625 {offsets = [0, 9], sizes = [16, 113], strides = [1, 1]} : vector<16x128xf32> to vector<16x113xf32>
    %slice3A_636 = vector.extract_strided_slice %slice3A_625 {offsets = [0, 10], sizes = [16, 113], strides = [1, 1]} : vector<16x128xf32> to vector<16x113xf32>
    %slice3A_637 = vector.extract_strided_slice %slice3A_625 {offsets = [0, 11], sizes = [16, 113], strides = [1, 1]} : vector<16x128xf32> to vector<16x113xf32>
    %slice3A_638 = vector.extract_strided_slice %slice3A_625 {offsets = [0, 12], sizes = [16, 113], strides = [1, 1]} : vector<16x128xf32> to vector<16x113xf32>
    %slice3A_639 = vector.extract_strided_slice %slice3A_625 {offsets = [0, 13], sizes = [16, 113], strides = [1, 1]} : vector<16x128xf32> to vector<16x113xf32>
    %slice3A_640 = vector.extract_strided_slice %slice3A_625 {offsets = [0, 14], sizes = [16, 113], strides = [1, 1]} : vector<16x128xf32> to vector<16x113xf32>
    %slice3A_641 = vector.extract_strided_slice %slice3A_625 {offsets = [0, 15], sizes = [16, 113], strides = [1, 1]} : vector<16x128xf32> to vector<16x113xf32>
    %concatenate3A_642 = tpu.concatenate %slice3A_626, %slice3A_627, %slice3A_628, %slice3A_629, %slice3A_630, %slice3A_631, %slice3A_632, %slice3A_633, %slice3A_634, %slice3A_635, %slice3A_636, %slice3A_637, %slice3A_638, %slice3A_639, %slice3A_640, %slice3A_641 in 0 : vector<16x113xf32>, vector<16x113xf32>, vector<16x113xf32>, vector<16x113xf32>, vector<16x113xf32>, vector<16x113xf32>, vector<16x113xf32>, vector<16x113xf32>, vector<16x113xf32>, vector<16x113xf32>, vector<16x113xf32>, vector<16x113xf32>, vector<16x113xf32>, vector<16x113xf32>, vector<16x113xf32>, vector<16x113xf32> -> vector<256x113xf32>
    %dot_general3A_643 = arith.constant dense<0.000000e+00> : vector<113x128xf32>
    %dot_general3A_644 = tpu.matmul %concatenate3A_642, %get3A_4, %dot_general3A_643 {dimension_numbers = #tpu.dot_dimension_numbers<[0], [0], [1], [1], [0, 1, 1, 1], [], []>, transpose_lhs_hint = false} : vector<256x113xf32>, vector<256x128xf32>, vector<113x128xf32> -> vector<113x128xf32>
    %slice3A_645 = vector.extract_strided_slice %broadcast_in_dim3A {offsets = [22, 0], sizes = [1, 1], strides = [1, 1]} : vector<32x1xf32> to vector<1x1xf32>
    %mul3A_646 = vector.broadcast %slice3A_645 : vector<1x1xf32> to vector<1x128xf32>
    %mul3A_647 = arith.mulf %mul3A_646, %get3A_7 : vector<1x128xf32>
    %add3A_648 = vector.broadcast %mul3A_647 : vector<1x128xf32> to vector<113x128xf32>
    %add3A_649 = arith.addf %dot_general3A_644, %add3A_648 : vector<113x128xf32>
    %swap3A_650 = arith.constant 0 : index
    %swap3A_651 = arith.constant 2816 : index
    %swap3A_652 = vector.load %arg4[%swap3A_650, %swap3A_651] : memref<113x4096xf32, #tpu.memory_space<vmem>>, vector<113x128xf32>
    tpu.vector_store %arg4[%swap3A_650, %swap3A_651], %add3A_649 {strides = array<i32>} : memref<113x4096xf32, #tpu.memory_space<vmem>>, vector<113x128xf32>,
    %slice3A_653 = vector.extract_strided_slice %get3A_1 {offsets = [368, 0], sizes = [16, 128], strides = [1, 1]} : vector<512x128xf32> to vector<16x128xf32>
    %slice3A_654 = vector.extract_strided_slice %slice3A_653 {offsets = [0, 0], sizes = [16, 113], strides = [1, 1]} : vector<16x128xf32> to vector<16x113xf32>
    %slice3A_655 = vector.extract_strided_slice %slice3A_653 {offsets = [0, 1], sizes = [16, 113], strides = [1, 1]} : vector<16x128xf32> to vector<16x113xf32>
    %slice3A_656 = vector.extract_strided_slice %slice3A_653 {offsets = [0, 2], sizes = [16, 113], strides = [1, 1]} : vector<16x128xf32> to vector<16x113xf32>
    %slice3A_657 = vector.extract_strided_slice %slice3A_653 {offsets = [0, 3], sizes = [16, 113], strides = [1, 1]} : vector<16x128xf32> to vector<16x113xf32>
    %slice3A_658 = vector.extract_strided_slice %slice3A_653 {offsets = [0, 4], sizes = [16, 113], strides = [1, 1]} : vector<16x128xf32> to vector<16x113xf32>
    %slice3A_659 = vector.extract_strided_slice %slice3A_653 {offsets = [0, 5], sizes = [16, 113], strides = [1, 1]} : vector<16x128xf32> to vector<16x113xf32>
    %slice3A_660 = vector.extract_strided_slice %slice3A_653 {offsets = [0, 6], sizes = [16, 113], strides = [1, 1]} : vector<16x128xf32> to vector<16x113xf32>
    %slice3A_661 = vector.extract_strided_slice %slice3A_653 {offsets = [0, 7], sizes = [16, 113], strides = [1, 1]} : vector<16x128xf32> to vector<16x113xf32>
    %slice3A_662 = vector.extract_strided_slice %slice3A_653 {offsets = [0, 8], sizes = [16, 113], strides = [1, 1]} : vector<16x128xf32> to vector<16x113xf32>
    %slice3A_663 = vector.extract_strided_slice %slice3A_653 {offsets = [0, 9], sizes = [16, 113], strides = [1, 1]} : vector<16x128xf32> to vector<16x113xf32>
    %slice3A_664 = vector.extract_strided_slice %slice3A_653 {offsets = [0, 10], sizes = [16, 113], strides = [1, 1]} : vector<16x128xf32> to vector<16x113xf32>
    %slice3A_665 = vector.extract_strided_slice %slice3A_653 {offsets = [0, 11], sizes = [16, 113], strides = [1, 1]} : vector<16x128xf32> to vector<16x113xf32>
    %slice3A_666 = vector.extract_strided_slice %slice3A_653 {offsets = [0, 12], sizes = [16, 113], strides = [1, 1]} : vector<16x128xf32> to vector<16x113xf32>
    %slice3A_667 = vector.extract_strided_slice %slice3A_653 {offsets = [0, 13], sizes = [16, 113], strides = [1, 1]} : vector<16x128xf32> to vector<16x113xf32>
    %slice3A_668 = vector.extract_strided_slice %slice3A_653 {offsets = [0, 14], sizes = [16, 113], strides = [1, 1]} : vector<16x128xf32> to vector<16x113xf32>
    %slice3A_669 = vector.extract_strided_slice %slice3A_653 {offsets = [0, 15], sizes = [16, 113], strides = [1, 1]} : vector<16x128xf32> to vector<16x113xf32>
    %concatenate3A_670 = tpu.concatenate %slice3A_654, %slice3A_655, %slice3A_656, %slice3A_657, %slice3A_658, %slice3A_659, %slice3A_660, %slice3A_661, %slice3A_662, %slice3A_663, %slice3A_664, %slice3A_665, %slice3A_666, %slice3A_667, %slice3A_668, %slice3A_669 in 0 : vector<16x113xf32>, vector<16x113xf32>, vector<16x113xf32>, vector<16x113xf32>, vector<16x113xf32>, vector<16x113xf32>, vector<16x113xf32>, vector<16x113xf32>, vector<16x113xf32>, vector<16x113xf32>, vector<16x113xf32>, vector<16x113xf32>, vector<16x113xf32>, vector<16x113xf32>, vector<16x113xf32>, vector<16x113xf32> -> vector<256x113xf32>
    %dot_general3A_671 = arith.constant dense<0.000000e+00> : vector<113x128xf32>
    %dot_general3A_672 = tpu.matmul %concatenate3A_670, %get3A_4, %dot_general3A_671 {dimension_numbers = #tpu.dot_dimension_numbers<[0], [0], [1], [1], [0, 1, 1, 1], [], []>, transpose_lhs_hint = false} : vector<256x113xf32>, vector<256x128xf32>, vector<113x128xf32> -> vector<113x128xf32>
    %slice3A_673 = vector.extract_strided_slice %broadcast_in_dim3A {offsets = [23, 0], sizes = [1, 1], strides = [1, 1]} : vector<32x1xf32> to vector<1x1xf32>
    %mul3A_674 = vector.broadcast %slice3A_673 : vector<1x1xf32> to vector<1x128xf32>
    %mul3A_675 = arith.mulf %mul3A_674, %get3A_7 : vector<1x128xf32>
    %add3A_676 = vector.broadcast %mul3A_675 : vector<1x128xf32> to vector<113x128xf32>
    %add3A_677 = arith.addf %dot_general3A_672, %add3A_676 : vector<113x128xf32>
    %swap3A_678 = arith.constant 0 : index
    %swap3A_679 = arith.constant 2944 : index
    %swap3A_680 = vector.load %arg4[%swap3A_678, %swap3A_679] : memref<113x4096xf32, #tpu.memory_space<vmem>>, vector<113x128xf32>
    tpu.vector_store %arg4[%swap3A_678, %swap3A_679], %add3A_677 {strides = array<i32>} : memref<113x4096xf32, #tpu.memory_space<vmem>>, vector<113x128xf32>,
    %slice3A_681 = vector.extract_strided_slice %get3A_1 {offsets = [384, 0], sizes = [16, 128], strides = [1, 1]} : vector<512x128xf32> to vector<16x128xf32>
    %slice3A_682 = vector.extract_strided_slice %slice3A_681 {offsets = [0, 0], sizes = [16, 113], strides = [1, 1]} : vector<16x128xf32> to vector<16x113xf32>
    %slice3A_683 = vector.extract_strided_slice %slice3A_681 {offsets = [0, 1], sizes = [16, 113], strides = [1, 1]} : vector<16x128xf32> to vector<16x113xf32>
    %slice3A_684 = vector.extract_strided_slice %slice3A_681 {offsets = [0, 2], sizes = [16, 113], strides = [1, 1]} : vector<16x128xf32> to vector<16x113xf32>
    %slice3A_685 = vector.extract_strided_slice %slice3A_681 {offsets = [0, 3], sizes = [16, 113], strides = [1, 1]} : vector<16x128xf32> to vector<16x113xf32>
    %slice3A_686 = vector.extract_strided_slice %slice3A_681 {offsets = [0, 4], sizes = [16, 113], strides = [1, 1]} : vector<16x128xf32> to vector<16x113xf32>
    %slice3A_687 = vector.extract_strided_slice %slice3A_681 {offsets = [0, 5], sizes = [16, 113], strides = [1, 1]} : vector<16x128xf32> to vector<16x113xf32>
    %slice3A_688 = vector.extract_strided_slice %slice3A_681 {offsets = [0, 6], sizes = [16, 113], strides = [1, 1]} : vector<16x128xf32> to vector<16x113xf32>
    %slice3A_689 = vector.extract_strided_slice %slice3A_681 {offsets = [0, 7], sizes = [16, 113], strides = [1, 1]} : vector<16x128xf32> to vector<16x113xf32>
    %slice3A_690 = vector.extract_strided_slice %slice3A_681 {offsets = [0, 8], sizes = [16, 113], strides = [1, 1]} : vector<16x128xf32> to vector<16x113xf32>
    %slice3A_691 = vector.extract_strided_slice %slice3A_681 {offsets = [0, 9], sizes = [16, 113], strides = [1, 1]} : vector<16x128xf32> to vector<16x113xf32>
    %slice3A_692 = vector.extract_strided_slice %slice3A_681 {offsets = [0, 10], sizes = [16, 113], strides = [1, 1]} : vector<16x128xf32> to vector<16x113xf32>
    %slice3A_693 = vector.extract_strided_slice %slice3A_681 {offsets = [0, 11], sizes = [16, 113], strides = [1, 1]} : vector<16x128xf32> to vector<16x113xf32>
    %slice3A_694 = vector.extract_strided_slice %slice3A_681 {offsets = [0, 12], sizes = [16, 113], strides = [1, 1]} : vector<16x128xf32> to vector<16x113xf32>
    %slice3A_695 = vector.extract_strided_slice %slice3A_681 {offsets = [0, 13], sizes = [16, 113], strides = [1, 1]} : vector<16x128xf32> to vector<16x113xf32>
    %slice3A_696 = vector.extract_strided_slice %slice3A_681 {offsets = [0, 14], sizes = [16, 113], strides = [1, 1]} : vector<16x128xf32> to vector<16x113xf32>
    %slice3A_697 = vector.extract_strided_slice %slice3A_681 {offsets = [0, 15], sizes = [16, 113], strides = [1, 1]} : vector<16x128xf32> to vector<16x113xf32>
    %concatenate3A_698 = tpu.concatenate %slice3A_682, %slice3A_683, %slice3A_684, %slice3A_685, %slice3A_686, %slice3A_687, %slice3A_688, %slice3A_689, %slice3A_690, %slice3A_691, %slice3A_692, %slice3A_693, %slice3A_694, %slice3A_695, %slice3A_696, %slice3A_697 in 0 : vector<16x113xf32>, vector<16x113xf32>, vector<16x113xf32>, vector<16x113xf32>, vector<16x113xf32>, vector<16x113xf32>, vector<16x113xf32>, vector<16x113xf32>, vector<16x113xf32>, vector<16x113xf32>, vector<16x113xf32>, vector<16x113xf32>, vector<16x113xf32>, vector<16x113xf32>, vector<16x113xf32>, vector<16x113xf32> -> vector<256x113xf32>
    %dot_general3A_699 = arith.constant dense<0.000000e+00> : vector<113x128xf32>
    %dot_general3A_700 = tpu.matmul %concatenate3A_698, %get3A_4, %dot_general3A_699 {dimension_numbers = #tpu.dot_dimension_numbers<[0], [0], [1], [1], [0, 1, 1, 1], [], []>, transpose_lhs_hint = false} : vector<256x113xf32>, vector<256x128xf32>, vector<113x128xf32> -> vector<113x128xf32>
    %slice3A_701 = vector.extract_strided_slice %broadcast_in_dim3A {offsets = [24, 0], sizes = [1, 1], strides = [1, 1]} : vector<32x1xf32> to vector<1x1xf32>
    %mul3A_702 = vector.broadcast %slice3A_701 : vector<1x1xf32> to vector<1x128xf32>
    %mul3A_703 = arith.mulf %mul3A_702, %get3A_7 : vector<1x128xf32>
    %add3A_704 = vector.broadcast %mul3A_703 : vector<1x128xf32> to vector<113x128xf32>
    %add3A_705 = arith.addf %dot_general3A_700, %add3A_704 : vector<113x128xf32>
    %swap3A_706 = arith.constant 0 : index
    %swap3A_707 = arith.constant 3072 : index
    %swap3A_708 = vector.load %arg4[%swap3A_706, %swap3A_707] : memref<113x4096xf32, #tpu.memory_space<vmem>>, vector<113x128xf32>
    tpu.vector_store %arg4[%swap3A_706, %swap3A_707], %add3A_705 {strides = array<i32>} : memref<113x4096xf32, #tpu.memory_space<vmem>>, vector<113x128xf32>,
    %slice3A_709 = vector.extract_strided_slice %get3A_1 {offsets = [400, 0], sizes = [16, 128], strides = [1, 1]} : vector<512x128xf32> to vector<16x128xf32>
    %slice3A_710 = vector.extract_strided_slice %slice3A_709 {offsets = [0, 0], sizes = [16, 113], strides = [1, 1]} : vector<16x128xf32> to vector<16x113xf32>
    %slice3A_711 = vector.extract_strided_slice %slice3A_709 {offsets = [0, 1], sizes = [16, 113], strides = [1, 1]} : vector<16x128xf32> to vector<16x113xf32>
    %slice3A_712 = vector.extract_strided_slice %slice3A_709 {offsets = [0, 2], sizes = [16, 113], strides = [1, 1]} : vector<16x128xf32> to vector<16x113xf32>
    %slice3A_713 = vector.extract_strided_slice %slice3A_709 {offsets = [0, 3], sizes = [16, 113], strides = [1, 1]} : vector<16x128xf32> to vector<16x113xf32>
    %slice3A_714 = vector.extract_strided_slice %slice3A_709 {offsets = [0, 4], sizes = [16, 113], strides = [1, 1]} : vector<16x128xf32> to vector<16x113xf32>
    %slice3A_715 = vector.extract_strided_slice %slice3A_709 {offsets = [0, 5], sizes = [16, 113], strides = [1, 1]} : vector<16x128xf32> to vector<16x113xf32>
    %slice3A_716 = vector.extract_strided_slice %slice3A_709 {offsets = [0, 6], sizes = [16, 113], strides = [1, 1]} : vector<16x128xf32> to vector<16x113xf32>
    %slice3A_717 = vector.extract_strided_slice %slice3A_709 {offsets = [0, 7], sizes = [16, 113], strides = [1, 1]} : vector<16x128xf32> to vector<16x113xf32>
    %slice3A_718 = vector.extract_strided_slice %slice3A_709 {offsets = [0, 8], sizes = [16, 113], strides = [1, 1]} : vector<16x128xf32> to vector<16x113xf32>
    %slice3A_719 = vector.extract_strided_slice %slice3A_709 {offsets = [0, 9], sizes = [16, 113], strides = [1, 1]} : vector<16x128xf32> to vector<16x113xf32>
    %slice3A_720 = vector.extract_strided_slice %slice3A_709 {offsets = [0, 10], sizes = [16, 113], strides = [1, 1]} : vector<16x128xf32> to vector<16x113xf32>
    %slice3A_721 = vector.extract_strided_slice %slice3A_709 {offsets = [0, 11], sizes = [16, 113], strides = [1, 1]} : vector<16x128xf32> to vector<16x113xf32>
    %slice3A_722 = vector.extract_strided_slice %slice3A_709 {offsets = [0, 12], sizes = [16, 113], strides = [1, 1]} : vector<16x128xf32> to vector<16x113xf32>
    %slice3A_723 = vector.extract_strided_slice %slice3A_709 {offsets = [0, 13], sizes = [16, 113], strides = [1, 1]} : vector<16x128xf32> to vector<16x113xf32>
    %slice3A_724 = vector.extract_strided_slice %slice3A_709 {offsets = [0, 14], sizes = [16, 113], strides = [1, 1]} : vector<16x128xf32> to vector<16x113xf32>
    %slice3A_725 = vector.extract_strided_slice %slice3A_709 {offsets = [0, 15], sizes = [16, 113], strides = [1, 1]} : vector<16x128xf32> to vector<16x113xf32>
    %concatenate3A_726 = tpu.concatenate %slice3A_710, %slice3A_711, %slice3A_712, %slice3A_713, %slice3A_714, %slice3A_715, %slice3A_716, %slice3A_717, %slice3A_718, %slice3A_719, %slice3A_720, %slice3A_721, %slice3A_722, %slice3A_723, %slice3A_724, %slice3A_725 in 0 : vector<16x113xf32>, vector<16x113xf32>, vector<16x113xf32>, vector<16x113xf32>, vector<16x113xf32>, vector<16x113xf32>, vector<16x113xf32>, vector<16x113xf32>, vector<16x113xf32>, vector<16x113xf32>, vector<16x113xf32>, vector<16x113xf32>, vector<16x113xf32>, vector<16x113xf32>, vector<16x113xf32>, vector<16x113xf32> -> vector<256x113xf32>
    %dot_general3A_727 = arith.constant dense<0.000000e+00> : vector<113x128xf32>
    %dot_general3A_728 = tpu.matmul %concatenate3A_726, %get3A_4, %dot_general3A_727 {dimension_numbers = #tpu.dot_dimension_numbers<[0], [0], [1], [1], [0, 1, 1, 1], [], []>, transpose_lhs_hint = false} : vector<256x113xf32>, vector<256x128xf32>, vector<113x128xf32> -> vector<113x128xf32>
    %slice3A_729 = vector.extract_strided_slice %broadcast_in_dim3A {offsets = [25, 0], sizes = [1, 1], strides = [1, 1]} : vector<32x1xf32> to vector<1x1xf32>
    %mul3A_730 = vector.broadcast %slice3A_729 : vector<1x1xf32> to vector<1x128xf32>
    %mul3A_731 = arith.mulf %mul3A_730, %get3A_7 : vector<1x128xf32>
    %add3A_732 = vector.broadcast %mul3A_731 : vector<1x128xf32> to vector<113x128xf32>
    %add3A_733 = arith.addf %dot_general3A_728, %add3A_732 : vector<113x128xf32>
    %swap3A_734 = arith.constant 0 : index
    %swap3A_735 = arith.constant 3200 : index
    %swap3A_736 = vector.load %arg4[%swap3A_734, %swap3A_735] : memref<113x4096xf32, #tpu.memory_space<vmem>>, vector<113x128xf32>
    tpu.vector_store %arg4[%swap3A_734, %swap3A_735], %add3A_733 {strides = array<i32>} : memref<113x4096xf32, #tpu.memory_space<vmem>>, vector<113x128xf32>,
    %slice3A_737 = vector.extract_strided_slice %get3A_1 {offsets = [416, 0], sizes = [16, 128], strides = [1, 1]} : vector<512x128xf32> to vector<16x128xf32>
    %slice3A_738 = vector.extract_strided_slice %slice3A_737 {offsets = [0, 0], sizes = [16, 113], strides = [1, 1]} : vector<16x128xf32> to vector<16x113xf32>
    %slice3A_739 = vector.extract_strided_slice %slice3A_737 {offsets = [0, 1], sizes = [16, 113], strides = [1, 1]} : vector<16x128xf32> to vector<16x113xf32>
    %slice3A_740 = vector.extract_strided_slice %slice3A_737 {offsets = [0, 2], sizes = [16, 113], strides = [1, 1]} : vector<16x128xf32> to vector<16x113xf32>
    %slice3A_741 = vector.extract_strided_slice %slice3A_737 {offsets = [0, 3], sizes = [16, 113], strides = [1, 1]} : vector<16x128xf32> to vector<16x113xf32>
    %slice3A_742 = vector.extract_strided_slice %slice3A_737 {offsets = [0, 4], sizes = [16, 113], strides = [1, 1]} : vector<16x128xf32> to vector<16x113xf32>
    %slice3A_743 = vector.extract_strided_slice %slice3A_737 {offsets = [0, 5], sizes = [16, 113], strides = [1, 1]} : vector<16x128xf32> to vector<16x113xf32>
    %slice3A_744 = vector.extract_strided_slice %slice3A_737 {offsets = [0, 6], sizes = [16, 113], strides = [1, 1]} : vector<16x128xf32> to vector<16x113xf32>
    %slice3A_745 = vector.extract_strided_slice %slice3A_737 {offsets = [0, 7], sizes = [16, 113], strides = [1, 1]} : vector<16x128xf32> to vector<16x113xf32>
    %slice3A_746 = vector.extract_strided_slice %slice3A_737 {offsets = [0, 8], sizes = [16, 113], strides = [1, 1]} : vector<16x128xf32> to vector<16x113xf32>
    %slice3A_747 = vector.extract_strided_slice %slice3A_737 {offsets = [0, 9], sizes = [16, 113], strides = [1, 1]} : vector<16x128xf32> to vector<16x113xf32>
    %slice3A_748 = vector.extract_strided_slice %slice3A_737 {offsets = [0, 10], sizes = [16, 113], strides = [1, 1]} : vector<16x128xf32> to vector<16x113xf32>
    %slice3A_749 = vector.extract_strided_slice %slice3A_737 {offsets = [0, 11], sizes = [16, 113], strides = [1, 1]} : vector<16x128xf32> to vector<16x113xf32>
    %slice3A_750 = vector.extract_strided_slice %slice3A_737 {offsets = [0, 12], sizes = [16, 113], strides = [1, 1]} : vector<16x128xf32> to vector<16x113xf32>
    %slice3A_751 = vector.extract_strided_slice %slice3A_737 {offsets = [0, 13], sizes = [16, 113], strides = [1, 1]} : vector<16x128xf32> to vector<16x113xf32>
    %slice3A_752 = vector.extract_strided_slice %slice3A_737 {offsets = [0, 14], sizes = [16, 113], strides = [1, 1]} : vector<16x128xf32> to vector<16x113xf32>
    %slice3A_753 = vector.extract_strided_slice %slice3A_737 {offsets = [0, 15], sizes = [16, 113], strides = [1, 1]} : vector<16x128xf32> to vector<16x113xf32>
    %concatenate3A_754 = tpu.concatenate %slice3A_738, %slice3A_739, %slice3A_740, %slice3A_741, %slice3A_742, %slice3A_743, %slice3A_744, %slice3A_745, %slice3A_746, %slice3A_747, %slice3A_748, %slice3A_749, %slice3A_750, %slice3A_751, %slice3A_752, %slice3A_753 in 0 : vector<16x113xf32>, vector<16x113xf32>, vector<16x113xf32>, vector<16x113xf32>, vector<16x113xf32>, vector<16x113xf32>, vector<16x113xf32>, vector<16x113xf32>, vector<16x113xf32>, vector<16x113xf32>, vector<16x113xf32>, vector<16x113xf32>, vector<16x113xf32>, vector<16x113xf32>, vector<16x113xf32>, vector<16x113xf32> -> vector<256x113xf32>
    %dot_general3A_755 = arith.constant dense<0.000000e+00> : vector<113x128xf32>
    %dot_general3A_756 = tpu.matmul %concatenate3A_754, %get3A_4, %dot_general3A_755 {dimension_numbers = #tpu.dot_dimension_numbers<[0], [0], [1], [1], [0, 1, 1, 1], [], []>, transpose_lhs_hint = false} : vector<256x113xf32>, vector<256x128xf32>, vector<113x128xf32> -> vector<113x128xf32>
    %slice3A_757 = vector.extract_strided_slice %broadcast_in_dim3A {offsets = [26, 0], sizes = [1, 1], strides = [1, 1]} : vector<32x1xf32> to vector<1x1xf32>
    %mul3A_758 = vector.broadcast %slice3A_757 : vector<1x1xf32> to vector<1x128xf32>
    %mul3A_759 = arith.mulf %mul3A_758, %get3A_7 : vector<1x128xf32>
    %add3A_760 = vector.broadcast %mul3A_759 : vector<1x128xf32> to vector<113x128xf32>
    %add3A_761 = arith.addf %dot_general3A_756, %add3A_760 : vector<113x128xf32>
    %swap3A_762 = arith.constant 0 : index
    %swap3A_763 = arith.constant 3328 : index
    %swap3A_764 = vector.load %arg4[%swap3A_762, %swap3A_763] : memref<113x4096xf32, #tpu.memory_space<vmem>>, vector<113x128xf32>
    tpu.vector_store %arg4[%swap3A_762, %swap3A_763], %add3A_761 {strides = array<i32>} : memref<113x4096xf32, #tpu.memory_space<vmem>>, vector<113x128xf32>,
    %slice3A_765 = vector.extract_strided_slice %get3A_1 {offsets = [432, 0], sizes = [16, 128], strides = [1, 1]} : vector<512x128xf32> to vector<16x128xf32>
    %slice3A_766 = vector.extract_strided_slice %slice3A_765 {offsets = [0, 0], sizes = [16, 113], strides = [1, 1]} : vector<16x128xf32> to vector<16x113xf32>
    %slice3A_767 = vector.extract_strided_slice %slice3A_765 {offsets = [0, 1], sizes = [16, 113], strides = [1, 1]} : vector<16x128xf32> to vector<16x113xf32>
    %slice3A_768 = vector.extract_strided_slice %slice3A_765 {offsets = [0, 2], sizes = [16, 113], strides = [1, 1]} : vector<16x128xf32> to vector<16x113xf32>
    %slice3A_769 = vector.extract_strided_slice %slice3A_765 {offsets = [0, 3], sizes = [16, 113], strides = [1, 1]} : vector<16x128xf32> to vector<16x113xf32>
    %slice3A_770 = vector.extract_strided_slice %slice3A_765 {offsets = [0, 4], sizes = [16, 113], strides = [1, 1]} : vector<16x128xf32> to vector<16x113xf32>
    %slice3A_771 = vector.extract_strided_slice %slice3A_765 {offsets = [0, 5], sizes = [16, 113], strides = [1, 1]} : vector<16x128xf32> to vector<16x113xf32>
    %slice3A_772 = vector.extract_strided_slice %slice3A_765 {offsets = [0, 6], sizes = [16, 113], strides = [1, 1]} : vector<16x128xf32> to vector<16x113xf32>
    %slice3A_773 = vector.extract_strided_slice %slice3A_765 {offsets = [0, 7], sizes = [16, 113], strides = [1, 1]} : vector<16x128xf32> to vector<16x113xf32>
    %slice3A_774 = vector.extract_strided_slice %slice3A_765 {offsets = [0, 8], sizes = [16, 113], strides = [1, 1]} : vector<16x128xf32> to vector<16x113xf32>
    %slice3A_775 = vector.extract_strided_slice %slice3A_765 {offsets = [0, 9], sizes = [16, 113], strides = [1, 1]} : vector<16x128xf32> to vector<16x113xf32>
    %slice3A_776 = vector.extract_strided_slice %slice3A_765 {offsets = [0, 10], sizes = [16, 113], strides = [1, 1]} : vector<16x128xf32> to vector<16x113xf32>
    %slice3A_777 = vector.extract_strided_slice %slice3A_765 {offsets = [0, 11], sizes = [16, 113], strides = [1, 1]} : vector<16x128xf32> to vector<16x113xf32>
    %slice3A_778 = vector.extract_strided_slice %slice3A_765 {offsets = [0, 12], sizes = [16, 113], strides = [1, 1]} : vector<16x128xf32> to vector<16x113xf32>
    %slice3A_779 = vector.extract_strided_slice %slice3A_765 {offsets = [0, 13], sizes = [16, 113], strides = [1, 1]} : vector<16x128xf32> to vector<16x113xf32>
    %slice3A_780 = vector.extract_strided_slice %slice3A_765 {offsets = [0, 14], sizes = [16, 113], strides = [1, 1]} : vector<16x128xf32> to vector<16x113xf32>
    %slice3A_781 = vector.extract_strided_slice %slice3A_765 {offsets = [0, 15], sizes = [16, 113], strides = [1, 1]} : vector<16x128xf32> to vector<16x113xf32>
    %concatenate3A_782 = tpu.concatenate %slice3A_766, %slice3A_767, %slice3A_768, %slice3A_769, %slice3A_770, %slice3A_771, %slice3A_772, %slice3A_773, %slice3A_774, %slice3A_775, %slice3A_776, %slice3A_777, %slice3A_778, %slice3A_779, %slice3A_780, %slice3A_781 in 0 : vector<16x113xf32>, vector<16x113xf32>, vector<16x113xf32>, vector<16x113xf32>, vector<16x113xf32>, vector<16x113xf32>, vector<16x113xf32>, vector<16x113xf32>, vector<16x113xf32>, vector<16x113xf32>, vector<16x113xf32>, vector<16x113xf32>, vector<16x113xf32>, vector<16x113xf32>, vector<16x113xf32>, vector<16x113xf32> -> vector<256x113xf32>
    %dot_general3A_783 = arith.constant dense<0.000000e+00> : vector<113x128xf32>
    %dot_general3A_784 = tpu.matmul %concatenate3A_782, %get3A_4, %dot_general3A_783 {dimension_numbers = #tpu.dot_dimension_numbers<[0], [0], [1], [1], [0, 1, 1, 1], [], []>, transpose_lhs_hint = false} : vector<256x113xf32>, vector<256x128xf32>, vector<113x128xf32> -> vector<113x128xf32>
    %slice3A_785 = vector.extract_strided_slice %broadcast_in_dim3A {offsets = [27, 0], sizes = [1, 1], strides = [1, 1]} : vector<32x1xf32> to vector<1x1xf32>
    %mul3A_786 = vector.broadcast %slice3A_785 : vector<1x1xf32> to vector<1x128xf32>
    %mul3A_787 = arith.mulf %mul3A_786, %get3A_7 : vector<1x128xf32>
    %add3A_788 = vector.broadcast %mul3A_787 : vector<1x128xf32> to vector<113x128xf32>
    %add3A_789 = arith.addf %dot_general3A_784, %add3A_788 : vector<113x128xf32>
    %swap3A_790 = arith.constant 0 : index
    %swap3A_791 = arith.constant 3456 : index
    %swap3A_792 = vector.load %arg4[%swap3A_790, %swap3A_791] : memref<113x4096xf32, #tpu.memory_space<vmem>>, vector<113x128xf32>
    tpu.vector_store %arg4[%swap3A_790, %swap3A_791], %add3A_789 {strides = array<i32>} : memref<113x4096xf32, #tpu.memory_space<vmem>>, vector<113x128xf32>,
    %slice3A_793 = vector.extract_strided_slice %get3A_1 {offsets = [448, 0], sizes = [16, 128], strides = [1, 1]} : vector<512x128xf32> to vector<16x128xf32>
    %slice3A_794 = vector.extract_strided_slice %slice3A_793 {offsets = [0, 0], sizes = [16, 113], strides = [1, 1]} : vector<16x128xf32> to vector<16x113xf32>
    %slice3A_795 = vector.extract_strided_slice %slice3A_793 {offsets = [0, 1], sizes = [16, 113], strides = [1, 1]} : vector<16x128xf32> to vector<16x113xf32>
    %slice3A_796 = vector.extract_strided_slice %slice3A_793 {offsets = [0, 2], sizes = [16, 113], strides = [1, 1]} : vector<16x128xf32> to vector<16x113xf32>
    %slice3A_797 = vector.extract_strided_slice %slice3A_793 {offsets = [0, 3], sizes = [16, 113], strides = [1, 1]} : vector<16x128xf32> to vector<16x113xf32>
    %slice3A_798 = vector.extract_strided_slice %slice3A_793 {offsets = [0, 4], sizes = [16, 113], strides = [1, 1]} : vector<16x128xf32> to vector<16x113xf32>
    %slice3A_799 = vector.extract_strided_slice %slice3A_793 {offsets = [0, 5], sizes = [16, 113], strides = [1, 1]} : vector<16x128xf32> to vector<16x113xf32>
    %slice3A_800 = vector.extract_strided_slice %slice3A_793 {offsets = [0, 6], sizes = [16, 113], strides = [1, 1]} : vector<16x128xf32> to vector<16x113xf32>
    %slice3A_801 = vector.extract_strided_slice %slice3A_793 {offsets = [0, 7], sizes = [16, 113], strides = [1, 1]} : vector<16x128xf32> to vector<16x113xf32>
    %slice3A_802 = vector.extract_strided_slice %slice3A_793 {offsets = [0, 8], sizes = [16, 113], strides = [1, 1]} : vector<16x128xf32> to vector<16x113xf32>
    %slice3A_803 = vector.extract_strided_slice %slice3A_793 {offsets = [0, 9], sizes = [16, 113], strides = [1, 1]} : vector<16x128xf32> to vector<16x113xf32>
    %slice3A_804 = vector.extract_strided_slice %slice3A_793 {offsets = [0, 10], sizes = [16, 113], strides = [1, 1]} : vector<16x128xf32> to vector<16x113xf32>
    %slice3A_805 = vector.extract_strided_slice %slice3A_793 {offsets = [0, 11], sizes = [16, 113], strides = [1, 1]} : vector<16x128xf32> to vector<16x113xf32>
    %slice3A_806 = vector.extract_strided_slice %slice3A_793 {offsets = [0, 12], sizes = [16, 113], strides = [1, 1]} : vector<16x128xf32> to vector<16x113xf32>
    %slice3A_807 = vector.extract_strided_slice %slice3A_793 {offsets = [0, 13], sizes = [16, 113], strides = [1, 1]} : vector<16x128xf32> to vector<16x113xf32>
    %slice3A_808 = vector.extract_strided_slice %slice3A_793 {offsets = [0, 14], sizes = [16, 113], strides = [1, 1]} : vector<16x128xf32> to vector<16x113xf32>
    %slice3A_809 = vector.extract_strided_slice %slice3A_793 {offsets = [0, 15], sizes = [16, 113], strides = [1, 1]} : vector<16x128xf32> to vector<16x113xf32>
    %concatenate3A_810 = tpu.concatenate %slice3A_794, %slice3A_795, %slice3A_796, %slice3A_797, %slice3A_798, %slice3A_799, %slice3A_800, %slice3A_801, %slice3A_802, %slice3A_803, %slice3A_804, %slice3A_805, %slice3A_806, %slice3A_807, %slice3A_808, %slice3A_809 in 0 : vector<16x113xf32>, vector<16x113xf32>, vector<16x113xf32>, vector<16x113xf32>, vector<16x113xf32>, vector<16x113xf32>, vector<16x113xf32>, vector<16x113xf32>, vector<16x113xf32>, vector<16x113xf32>, vector<16x113xf32>, vector<16x113xf32>, vector<16x113xf32>, vector<16x113xf32>, vector<16x113xf32>, vector<16x113xf32> -> vector<256x113xf32>
    %dot_general3A_811 = arith.constant dense<0.000000e+00> : vector<113x128xf32>
    %dot_general3A_812 = tpu.matmul %concatenate3A_810, %get3A_4, %dot_general3A_811 {dimension_numbers = #tpu.dot_dimension_numbers<[0], [0], [1], [1], [0, 1, 1, 1], [], []>, transpose_lhs_hint = false} : vector<256x113xf32>, vector<256x128xf32>, vector<113x128xf32> -> vector<113x128xf32>
    %slice3A_813 = vector.extract_strided_slice %broadcast_in_dim3A {offsets = [28, 0], sizes = [1, 1], strides = [1, 1]} : vector<32x1xf32> to vector<1x1xf32>
    %mul3A_814 = vector.broadcast %slice3A_813 : vector<1x1xf32> to vector<1x128xf32>
    %mul3A_815 = arith.mulf %mul3A_814, %get3A_7 : vector<1x128xf32>
    %add3A_816 = vector.broadcast %mul3A_815 : vector<1x128xf32> to vector<113x128xf32>
    %add3A_817 = arith.addf %dot_general3A_812, %add3A_816 : vector<113x128xf32>
    %swap3A_818 = arith.constant 0 : index
    %swap3A_819 = arith.constant 3584 : index
    %swap3A_820 = vector.load %arg4[%swap3A_818, %swap3A_819] : memref<113x4096xf32, #tpu.memory_space<vmem>>, vector<113x128xf32>
    tpu.vector_store %arg4[%swap3A_818, %swap3A_819], %add3A_817 {strides = array<i32>} : memref<113x4096xf32, #tpu.memory_space<vmem>>, vector<113x128xf32>,
    %slice3A_821 = vector.extract_strided_slice %get3A_1 {offsets = [464, 0], sizes = [16, 128], strides = [1, 1]} : vector<512x128xf32> to vector<16x128xf32>
    %slice3A_822 = vector.extract_strided_slice %slice3A_821 {offsets = [0, 0], sizes = [16, 113], strides = [1, 1]} : vector<16x128xf32> to vector<16x113xf32>
    %slice3A_823 = vector.extract_strided_slice %slice3A_821 {offsets = [0, 1], sizes = [16, 113], strides = [1, 1]} : vector<16x128xf32> to vector<16x113xf32>
    %slice3A_824 = vector.extract_strided_slice %slice3A_821 {offsets = [0, 2], sizes = [16, 113], strides = [1, 1]} : vector<16x128xf32> to vector<16x113xf32>
    %slice3A_825 = vector.extract_strided_slice %slice3A_821 {offsets = [0, 3], sizes = [16, 113], strides = [1, 1]} : vector<16x128xf32> to vector<16x113xf32>
    %slice3A_826 = vector.extract_strided_slice %slice3A_821 {offsets = [0, 4], sizes = [16, 113], strides = [1, 1]} : vector<16x128xf32> to vector<16x113xf32>
    %slice3A_827 = vector.extract_strided_slice %slice3A_821 {offsets = [0, 5], sizes = [16, 113], strides = [1, 1]} : vector<16x128xf32> to vector<16x113xf32>
    %slice3A_828 = vector.extract_strided_slice %slice3A_821 {offsets = [0, 6], sizes = [16, 113], strides = [1, 1]} : vector<16x128xf32> to vector<16x113xf32>
    %slice3A_829 = vector.extract_strided_slice %slice3A_821 {offsets = [0, 7], sizes = [16, 113], strides = [1, 1]} : vector<16x128xf32> to vector<16x113xf32>
    %slice3A_830 = vector.extract_strided_slice %slice3A_821 {offsets = [0, 8], sizes = [16, 113], strides = [1, 1]} : vector<16x128xf32> to vector<16x113xf32>
    %slice3A_831 = vector.extract_strided_slice %slice3A_821 {offsets = [0, 9], sizes = [16, 113], strides = [1, 1]} : vector<16x128xf32> to vector<16x113xf32>
    %slice3A_832 = vector.extract_strided_slice %slice3A_821 {offsets = [0, 10], sizes = [16, 113], strides = [1, 1]} : vector<16x128xf32> to vector<16x113xf32>
    %slice3A_833 = vector.extract_strided_slice %slice3A_821 {offsets = [0, 11], sizes = [16, 113], strides = [1, 1]} : vector<16x128xf32> to vector<16x113xf32>
    %slice3A_834 = vector.extract_strided_slice %slice3A_821 {offsets = [0, 12], sizes = [16, 113], strides = [1, 1]} : vector<16x128xf32> to vector<16x113xf32>
    %slice3A_835 = vector.extract_strided_slice %slice3A_821 {offsets = [0, 13], sizes = [16, 113], strides = [1, 1]} : vector<16x128xf32> to vector<16x113xf32>
    %slice3A_836 = vector.extract_strided_slice %slice3A_821 {offsets = [0, 14], sizes = [16, 113], strides = [1, 1]} : vector<16x128xf32> to vector<16x113xf32>
    %slice3A_837 = vector.extract_strided_slice %slice3A_821 {offsets = [0, 15], sizes = [16, 113], strides = [1, 1]} : vector<16x128xf32> to vector<16x113xf32>
    %concatenate3A_838 = tpu.concatenate %slice3A_822, %slice3A_823, %slice3A_824, %slice3A_825, %slice3A_826, %slice3A_827, %slice3A_828, %slice3A_829, %slice3A_830, %slice3A_831, %slice3A_832, %slice3A_833, %slice3A_834, %slice3A_835, %slice3A_836, %slice3A_837 in 0 : vector<16x113xf32>, vector<16x113xf32>, vector<16x113xf32>, vector<16x113xf32>, vector<16x113xf32>, vector<16x113xf32>, vector<16x113xf32>, vector<16x113xf32>, vector<16x113xf32>, vector<16x113xf32>, vector<16x113xf32>, vector<16x113xf32>, vector<16x113xf32>, vector<16x113xf32>, vector<16x113xf32>, vector<16x113xf32> -> vector<256x113xf32>
    %dot_general3A_839 = arith.constant dense<0.000000e+00> : vector<113x128xf32>
    %dot_general3A_840 = tpu.matmul %concatenate3A_838, %get3A_4, %dot_general3A_839 {dimension_numbers = #tpu.dot_dimension_numbers<[0], [0], [1], [1], [0, 1, 1, 1], [], []>, transpose_lhs_hint = false} : vector<256x113xf32>, vector<256x128xf32>, vector<113x128xf32> -> vector<113x128xf32>
    %slice3A_841 = vector.extract_strided_slice %broadcast_in_dim3A {offsets = [29, 0], sizes = [1, 1], strides = [1, 1]} : vector<32x1xf32> to vector<1x1xf32>
    %mul3A_842 = vector.broadcast %slice3A_841 : vector<1x1xf32> to vector<1x128xf32>
    %mul3A_843 = arith.mulf %mul3A_842, %get3A_7 : vector<1x128xf32>
    %add3A_844 = vector.broadcast %mul3A_843 : vector<1x128xf32> to vector<113x128xf32>
    %add3A_845 = arith.addf %dot_general3A_840, %add3A_844 : vector<113x128xf32>
    %swap3A_846 = arith.constant 0 : index
    %swap3A_847 = arith.constant 3712 : index
    %swap3A_848 = vector.load %arg4[%swap3A_846, %swap3A_847] : memref<113x4096xf32, #tpu.memory_space<vmem>>, vector<113x128xf32>
    tpu.vector_store %arg4[%swap3A_846, %swap3A_847], %add3A_845 {strides = array<i32>} : memref<113x4096xf32, #tpu.memory_space<vmem>>, vector<113x128xf32>,
    %slice3A_849 = vector.extract_strided_slice %get3A_1 {offsets = [480, 0], sizes = [16, 128], strides = [1, 1]} : vector<512x128xf32> to vector<16x128xf32>
    %slice3A_850 = vector.extract_strided_slice %slice3A_849 {offsets = [0, 0], sizes = [16, 113], strides = [1, 1]} : vector<16x128xf32> to vector<16x113xf32>
    %slice3A_851 = vector.extract_strided_slice %slice3A_849 {offsets = [0, 1], sizes = [16, 113], strides = [1, 1]} : vector<16x128xf32> to vector<16x113xf32>
    %slice3A_852 = vector.extract_strided_slice %slice3A_849 {offsets = [0, 2], sizes = [16, 113], strides = [1, 1]} : vector<16x128xf32> to vector<16x113xf32>
    %slice3A_853 = vector.extract_strided_slice %slice3A_849 {offsets = [0, 3], sizes = [16, 113], strides = [1, 1]} : vector<16x128xf32> to vector<16x113xf32>
    %slice3A_854 = vector.extract_strided_slice %slice3A_849 {offsets = [0, 4], sizes = [16, 113], strides = [1, 1]} : vector<16x128xf32> to vector<16x113xf32>
    %slice3A_855 = vector.extract_strided_slice %slice3A_849 {offsets = [0, 5], sizes = [16, 113], strides = [1, 1]} : vector<16x128xf32> to vector<16x113xf32>
    %slice3A_856 = vector.extract_strided_slice %slice3A_849 {offsets = [0, 6], sizes = [16, 113], strides = [1, 1]} : vector<16x128xf32> to vector<16x113xf32>
    %slice3A_857 = vector.extract_strided_slice %slice3A_849 {offsets = [0, 7], sizes = [16, 113], strides = [1, 1]} : vector<16x128xf32> to vector<16x113xf32>
    %slice3A_858 = vector.extract_strided_slice %slice3A_849 {offsets = [0, 8], sizes = [16, 113], strides = [1, 1]} : vector<16x128xf32> to vector<16x113xf32>
    %slice3A_859 = vector.extract_strided_slice %slice3A_849 {offsets = [0, 9], sizes = [16, 113], strides = [1, 1]} : vector<16x128xf32> to vector<16x113xf32>
    %slice3A_860 = vector.extract_strided_slice %slice3A_849 {offsets = [0, 10], sizes = [16, 113], strides = [1, 1]} : vector<16x128xf32> to vector<16x113xf32>
    %slice3A_861 = vector.extract_strided_slice %slice3A_849 {offsets = [0, 11], sizes = [16, 113], strides = [1, 1]} : vector<16x128xf32> to vector<16x113xf32>
    %slice3A_862 = vector.extract_strided_slice %slice3A_849 {offsets = [0, 12], sizes = [16, 113], strides = [1, 1]} : vector<16x128xf32> to vector<16x113xf32>
    %slice3A_863 = vector.extract_strided_slice %slice3A_849 {offsets = [0, 13], sizes = [16, 113], strides = [1, 1]} : vector<16x128xf32> to vector<16x113xf32>
    %slice3A_864 = vector.extract_strided_slice %slice3A_849 {offsets = [0, 14], sizes = [16, 113], strides = [1, 1]} : vector<16x128xf32> to vector<16x113xf32>
    %slice3A_865 = vector.extract_strided_slice %slice3A_849 {offsets = [0, 15], sizes = [16, 113], strides = [1, 1]} : vector<16x128xf32> to vector<16x113xf32>
    %concatenate3A_866 = tpu.concatenate %slice3A_850, %slice3A_851, %slice3A_852, %slice3A_853, %slice3A_854, %slice3A_855, %slice3A_856, %slice3A_857, %slice3A_858, %slice3A_859, %slice3A_860, %slice3A_861, %slice3A_862, %slice3A_863, %slice3A_864, %slice3A_865 in 0 : vector<16x113xf32>, vector<16x113xf32>, vector<16x113xf32>, vector<16x113xf32>, vector<16x113xf32>, vector<16x113xf32>, vector<16x113xf32>, vector<16x113xf32>, vector<16x113xf32>, vector<16x113xf32>, vector<16x113xf32>, vector<16x113xf32>, vector<16x113xf32>, vector<16x113xf32>, vector<16x113xf32>, vector<16x113xf32> -> vector<256x113xf32>
    %dot_general3A_867 = arith.constant dense<0.000000e+00> : vector<113x128xf32>
    %dot_general3A_868 = tpu.matmul %concatenate3A_866, %get3A_4, %dot_general3A_867 {dimension_numbers = #tpu.dot_dimension_numbers<[0], [0], [1], [1], [0, 1, 1, 1], [], []>, transpose_lhs_hint = false} : vector<256x113xf32>, vector<256x128xf32>, vector<113x128xf32> -> vector<113x128xf32>
    %slice3A_869 = vector.extract_strided_slice %broadcast_in_dim3A {offsets = [30, 0], sizes = [1, 1], strides = [1, 1]} : vector<32x1xf32> to vector<1x1xf32>
    %mul3A_870 = vector.broadcast %slice3A_869 : vector<1x1xf32> to vector<1x128xf32>
    %mul3A_871 = arith.mulf %mul3A_870, %get3A_7 : vector<1x128xf32>
    %add3A_872 = vector.broadcast %mul3A_871 : vector<1x128xf32> to vector<113x128xf32>
    %add3A_873 = arith.addf %dot_general3A_868, %add3A_872 : vector<113x128xf32>
    %swap3A_874 = arith.constant 0 : index
    %swap3A_875 = arith.constant 3840 : index
    %swap3A_876 = vector.load %arg4[%swap3A_874, %swap3A_875] : memref<113x4096xf32, #tpu.memory_space<vmem>>, vector<113x128xf32>
    tpu.vector_store %arg4[%swap3A_874, %swap3A_875], %add3A_873 {strides = array<i32>} : memref<113x4096xf32, #tpu.memory_space<vmem>>, vector<113x128xf32>,
    %slice3A_877 = vector.extract_strided_slice %get3A_1 {offsets = [496, 0], sizes = [16, 128], strides = [1, 1]} : vector<512x128xf32> to vector<16x128xf32>
    %slice3A_878 = vector.extract_strided_slice %slice3A_877 {offsets = [0, 0], sizes = [16, 113], strides = [1, 1]} : vector<16x128xf32> to vector<16x113xf32>
    %slice3A_879 = vector.extract_strided_slice %slice3A_877 {offsets = [0, 1], sizes = [16, 113], strides = [1, 1]} : vector<16x128xf32> to vector<16x113xf32>
    %slice3A_880 = vector.extract_strided_slice %slice3A_877 {offsets = [0, 2], sizes = [16, 113], strides = [1, 1]} : vector<16x128xf32> to vector<16x113xf32>
    %slice3A_881 = vector.extract_strided_slice %slice3A_877 {offsets = [0, 3], sizes = [16, 113], strides = [1, 1]} : vector<16x128xf32> to vector<16x113xf32>
    %slice3A_882 = vector.extract_strided_slice %slice3A_877 {offsets = [0, 4], sizes = [16, 113], strides = [1, 1]} : vector<16x128xf32> to vector<16x113xf32>
    %slice3A_883 = vector.extract_strided_slice %slice3A_877 {offsets = [0, 5], sizes = [16, 113], strides = [1, 1]} : vector<16x128xf32> to vector<16x113xf32>
    %slice3A_884 = vector.extract_strided_slice %slice3A_877 {offsets = [0, 6], sizes = [16, 113], strides = [1, 1]} : vector<16x128xf32> to vector<16x113xf32>
    %slice3A_885 = vector.extract_strided_slice %slice3A_877 {offsets = [0, 7], sizes = [16, 113], strides = [1, 1]} : vector<16x128xf32> to vector<16x113xf32>
    %slice3A_886 = vector.extract_strided_slice %slice3A_877 {offsets = [0, 8], sizes = [16, 113], strides = [1, 1]} : vector<16x128xf32> to vector<16x113xf32>
    %slice3A_887 = vector.extract_strided_slice %slice3A_877 {offsets = [0, 9], sizes = [16, 113], strides = [1, 1]} : vector<16x128xf32> to vector<16x113xf32>
    %slice3A_888 = vector.extract_strided_slice %slice3A_877 {offsets = [0, 10], sizes = [16, 113], strides = [1, 1]} : vector<16x128xf32> to vector<16x113xf32>
    %slice3A_889 = vector.extract_strided_slice %slice3A_877 {offsets = [0, 11], sizes = [16, 113], strides = [1, 1]} : vector<16x128xf32> to vector<16x113xf32>
    %slice3A_890 = vector.extract_strided_slice %slice3A_877 {offsets = [0, 12], sizes = [16, 113], strides = [1, 1]} : vector<16x128xf32> to vector<16x113xf32>
    %slice3A_891 = vector.extract_strided_slice %slice3A_877 {offsets = [0, 13], sizes = [16, 113], strides = [1, 1]} : vector<16x128xf32> to vector<16x113xf32>
    %slice3A_892 = vector.extract_strided_slice %slice3A_877 {offsets = [0, 14], sizes = [16, 113], strides = [1, 1]} : vector<16x128xf32> to vector<16x113xf32>
    %slice3A_893 = vector.extract_strided_slice %slice3A_877 {offsets = [0, 15], sizes = [16, 113], strides = [1, 1]} : vector<16x128xf32> to vector<16x113xf32>
    %concatenate3A_894 = tpu.concatenate %slice3A_878, %slice3A_879, %slice3A_880, %slice3A_881, %slice3A_882, %slice3A_883, %slice3A_884, %slice3A_885, %slice3A_886, %slice3A_887, %slice3A_888, %slice3A_889, %slice3A_890, %slice3A_891, %slice3A_892, %slice3A_893 in 0 : vector<16x113xf32>, vector<16x113xf32>, vector<16x113xf32>, vector<16x113xf32>, vector<16x113xf32>, vector<16x113xf32>, vector<16x113xf32>, vector<16x113xf32>, vector<16x113xf32>, vector<16x113xf32>, vector<16x113xf32>, vector<16x113xf32>, vector<16x113xf32>, vector<16x113xf32>, vector<16x113xf32>, vector<16x113xf32> -> vector<256x113xf32>
    %dot_general3A_895 = arith.constant dense<0.000000e+00> : vector<113x128xf32>
    %dot_general3A_896 = tpu.matmul %concatenate3A_894, %get3A_4, %dot_general3A_895 {dimension_numbers = #tpu.dot_dimension_numbers<[0], [0], [1], [1], [0, 1, 1, 1], [], []>, transpose_lhs_hint = false} : vector<256x113xf32>, vector<256x128xf32>, vector<113x128xf32> -> vector<113x128xf32>
    %slice3A_897 = vector.extract_strided_slice %broadcast_in_dim3A {offsets = [31, 0], sizes = [1, 1], strides = [1, 1]} : vector<32x1xf32> to vector<1x1xf32>
    %mul3A_898 = vector.broadcast %slice3A_897 : vector<1x1xf32> to vector<1x128xf32>
    %mul3A_899 = arith.mulf %mul3A_898, %get3A_7 : vector<1x128xf32>
    %add3A_900 = vector.broadcast %mul3A_899 : vector<1x128xf32> to vector<113x128xf32>
    %add3A_901 = arith.addf %dot_general3A_896, %add3A_900 : vector<113x128xf32>
    %swap3A_902 = arith.constant 0 : index
    %swap3A_903 = arith.constant 3968 : index
    %swap3A_904 = vector.load %arg4[%swap3A_902, %swap3A_903] : memref<113x4096xf32, #tpu.memory_space<vmem>>, vector<113x128xf32>
    tpu.vector_store %arg4[%swap3A_902, %swap3A_903], %add3A_901 {strides = array<i32>} : memref<113x4096xf32, #tpu.memory_space<vmem>>, vector<113x128xf32>,
    return
  }
}

</mosaic_0001>

<sc_bundles>
// kernel: kernel.4.cloned.1.call-start
scs
__scs_entry_jumppad:
0x0: {  	(pc) =	sbr.rel $0x88, $3  }
0x1: {  	(tag) =	ssettag $0x0;
	lr =	simm.s32 $0x1  }
0x2: {  	[smem:$0x3F9D] =	sst lr;
	_ =	strace $0xD0000000  }
0x3: {  	_ = 	snop  }
0x4: {  	_ = 	snop  }
0x5: {  	_ = 	snop  }
0x6: {  	_ = 	snop  }
0x7: {  	_ = 	snop  }
__scs_overlays_trampoline_lowered:
0x8: {  	[smem:$0x3FAC] =	sst s0  }
0x9: {  	[smem:$0x3FAD] =	sst s1  }
0xa: {  	[smem:$0x3FAE] =	sst s2  }
0xb: {  	[smem:$0x3FAF] =	sst s3  }
0xc: {  	[smem:$0x3FB0] =	sst s4  }
0xd: {  	[smem:$0x3FB1] =	sst s5  }
0xe: {  	[smem:$0x3FB2] =	sst s6  }
0xf: {  	[smem:$0x3FB3] =	sst s7  }
0x10: {  	[smem:$0x3FB4] =	sst s8  }
0x11: {  	[smem:$0x3FB5] =	sst s9;
	s0 =	simm.s32 @!p0 $0x0  }
0x12: {  	s1 =	sld [smem:$0x3F9B];
	s0 =	simm.s32 @p0 $0x1  }
0x13: {  	[smem:$0x3FB6] =	sst s0;
	s0 =	simm.s32 @!p1 $0x0  }
0x14: {  	s2 =	sld [smem:$0x3F9A];
	s0 =	simm.s32 @p1 $0x1  }
0x15: {  	[smem:$0x3FB7] =	sst s0;
	s0 =	simm.s32 @!p2 $0x0  }
0x16: {  	s3 =	sld [smem:$0x3FDB];
	s0 =	simm.s32 @p2 $0x1  }
0x17: {  	s4 =	simm.s32 $0x1BF5;
	[smem:$0x3FB9] =	sst s0  }
0x18: {  	s0 =	sld [smem:$0x3F9C];
	_ =	swait.ge [sflag:s4], $0x0  }
0x19: {  	s7 =	sld [smem:$0x3F9D]  }
0x1a: {  	s8 =	sadd.s32 $0xFFFFE003, lr  }
0x1b: {  	s9 =	sadd.s32 $0xFFFFFEF7, lr;
	s5 =	simm.s32 $0xFFFFFFFF;
	p2 =	slt.u32 s8, $0xFFFFF086  }
0x1c: {  	p1 =	slt.u32 s9, $0xF7A;
	s5 =	simm.s32 @!p2 $0x0  }
0x1d: {  	s5 =	simm.s32 @p1 $0x1;
	p0 =	seq.s32 s7, s2  }
0x1e: {  	s7 =	smul.u32 @!p0 $0xF7A, s2;
	p2 =	seq.s32 @!p0 s5, $0x0  }
0x1f: {  	s9 =	smul.u32 $0xF7A, s1;
	s8 =	simm.s32 @!p0 $0x1BF5;
	p2 =	por !p2, p0  }
0x20: {  	[sflag:s8] =	ssyncset.s32 @!p0 $0xFFFFF086;
	s6 =	sadd.s32 @!p0 s3, s7;
	s7 =	simm.s32 @!p0 $0x108  }
0x21: {  	s3 =	sadd.s32 s3, s9;
	s6 =	sadd.s32 @!p0 $0x88, s6;
	s7 =	simm.s32 @p2 $0x1082  }
0x22: {  	[simem:s7], [sflag:s8] =	dma.local @!p0 [hbm:s6], $0xF7A  }
0x23: {  	s9 =	sor.u32 $0xD0000000, s2;
	s6 =	simm.s32 $0x108;
	_ =	swait.ge @!p0 [sflag:s8], $0x0  }
0x24: {  	s3 =	sadd.s32 $0x88, s3;
	s6 =	simm.s32 @!p1 $0x1082;
	[sflag:s4] =	ssyncset.s32 $0xFFFFF086  }
0x25: {  	[simem:s6], [sflag:s4] =	dma.local [hbm:s3], $0xF7A  }
0x26: {  	[smem:$0x3F9D] =	sst s1;
	(tag) =	ssettag s2;
	_ =	strace s9  }
0x27: {  	s1 =	sld [smem:$0x3FAD]  }
0x28: {  	s2 =	sld [smem:$0x3FAE]  }
0x29: {  	s4 =	sld [smem:$0x3FB0]  }
0x2a: {  	p0 =	seq.s32 s5, $0x0;
	s5 =	sld [smem:$0x3FB1]  }
0x2b: {  	s6 =	sld [smem:$0x3FB2]  }
0x2c: {  	s7 =	sld [smem:$0x3FB3]  }
0x2d: {  	s3 =	simm.s32 $0x108;
	s8 =	sld [smem:$0x3FB4]  }
0x2e: {  	s3 =	simm.s32 @!p0 $0x1082;
	s9 =	sld [smem:$0x3FB5]  }
0x2f: {  	lr =	sadd.s32 s0, s3;
	s0 =	sld [smem:$0x3FAC]  }
0x30: {  	s3 =	sld [smem:$0x3FAF]  }
0x31: {  	[smem:$0x3FB8] =	sst s10  }
0x32: {  	s10 =	sld [smem:$0x3FB6];
	_ =	sdelay $0x3  }
0x33: {  	p0 =	seq.s32 s10, $0x1;
	s10 =	sld [smem:$0x3FB8];
	_ =	sdelay $0x3  }
0x34: {  	[smem:$0x3FB8] =	sst s10  }
0x35: {  	s10 =	sld [smem:$0x3FB7];
	_ =	sdelay $0x3  }
0x36: {  	p1 =	seq.s32 s10, $0x1;
	s10 =	sld [smem:$0x3FB8];
	_ =	sdelay $0x3  }
0x37: {  	[smem:$0x3FB8] =	sst s10  }
0x38: {  	s10 =	sld [smem:$0x3FB9]  }
0x39: {  	_ = 	snop;
	(pc) =	sbr.ind lr, $3  }
0x3a: {  	_ = 	snop  }
0x3b: {  	_ = 	snop  }
0x3c: {  	p2 =	seq.s32 s10, $0x1;
	s10 =	sld [smem:$0x3FB8]  }
0x3d: {  	_ =	shalt  }
0x3e: {  	_ =	shalt  }
0x3f: {  	_ =	shalt  }
0x40: {  	_ =	shalt  }
0x41: {  	_ =	shalt  }
0x42: {  	_ =	shalt  }
0x43: {  	_ =	shalt  }
0x44: {  	_ =	shalt  }
0x45: {  	_ =	shalt  }
0x46: {  	_ =	shalt  }
0x47: {  	_ =	shalt  }
0x48: {  	_ =	shalt  }
0x49: {  	_ =	shalt  }
0x4a: {  	_ =	shalt  }
0x4b: {  	_ =	shalt  }
0x4c: {  	_ =	shalt  }
0x4d: {  	_ =	shalt  }
0x4e: {  	_ =	shalt  }
0x4f: {  	_ =	shalt  }
0x50: {  	_ =	shalt  }
0x51: {  	_ =	shalt  }
0x52: {  	_ =	shalt  }
0x53: {  	_ =	shalt  }
0x54: {  	_ =	shalt  }
0x55: {  	_ =	shalt  }
0x56: {  	_ =	shalt  }
0x57: {  	_ =	shalt  }
0x58: {  	_ =	shalt  }
0x59: {  	_ =	shalt  }
0x5a: {  	_ =	shalt  }
0x5b: {  	_ =	shalt  }
0x5c: {  	_ =	shalt  }
0x5d: {  	_ =	shalt  }
0x5e: {  	_ =	shalt  }
0x5f: {  	_ =	shalt  }
0x60: {  	_ =	shalt  }
0x61: {  	_ =	shalt  }
0x62: {  	_ =	shalt  }
0x63: {  	_ =	shalt  }
0x64: {  	_ =	shalt  }
0x65: {  	_ =	shalt  }
0x66: {  	_ =	shalt  }
0x67: {  	_ =	shalt  }
0x68: {  	_ =	shalt  }
0x69: {  	_ =	shalt  }
0x6a: {  	_ =	shalt  }
0x6b: {  	_ =	shalt  }
0x6c: {  	_ =	shalt  }
0x6d: {  	_ =	shalt  }
0x6e: {  	_ =	shalt  }
0x6f: {  	_ =	shalt  }
0x70: {  	_ =	shalt  }
0x71: {  	_ =	shalt  }
0x72: {  	_ =	shalt  }
0x73: {  	_ =	shalt  }
0x74: {  	_ =	shalt  }
0x75: {  	_ =	shalt  }
0x76: {  	_ =	shalt  }
0x77: {  	_ =	shalt  }
0x78: {  	_ =	shalt  }
0x79: {  	_ =	shalt  }
0x7a: {  	_ =	shalt  }
0x7b: {  	_ =	shalt  }
0x7c: {  	_ =	shalt  }
0x7d: {  	_ =	shalt  }
0x7e: {  	_ =	shalt  }
0x7f: {  	_ =	shalt  }
0x80: {  	_ =	shalt  }
0x81: {  	_ =	shalt  }
0x82: {  	_ =	shalt  }
0x83: {  	_ =	shalt  }
0x84: {  	_ =	shalt  }
0x85: {  	_ =	shalt  }
0x86: {  	_ =	shalt  }
0x87: {  	_ =	shalt  }
.Lfunc_end0:
.L_simem_size_0:
called_computation_lowered:
.L_overlay_start_0:
0x88: {  	s2 =	sld [smem:$0x3FD9]  }
0x89: {  	s3 =	sld [smem:$0x3FFE];
	_ =	sdelay $0x1  }
0x8a: {  	s1 =	srdreg.scid  }
0x8b: {  	s0 =	sand.u32 $0x1, s1  }
0x8c: {  	s17 =	sshll.u32 s0, $0xA;
	s2 =	sadd.s32 s3, s2  }
0x8d: {  	s2 =	sadd.s32 s2, s17  }
0x8e: {  	[smem:$0x3FC4] =	sst s2  }
0x8f: {  	_ = 	snop  }
0x90: {  	s2 =	sld [smem:$0x3FC9]  }
0x91: {  	s18 =	sld [smem:$0x3FD0];
	(tm) =	ssettm $0x1  }
0x92: {  	s4 =	sld [smem:$0x3FFB];
	_ =	sdelay $0x3  }
0x93: {  	_ =	strace s4  }
0x94: {  	s4 =	sld [smem:$0x3FFC];
	_ =	sdelay $0x3  }
0x95: {  	_ =	strace s4  }
0x96: {  	s4 =	sld [smem:$0x3FFD];
	_ =	sdelay $0x3  }
0x97: {  	_ =	strace s4  }
0x98: {  	_ =	strace $0x8FFFFFFF  }
0x99: {  	s19 =	sld [smem:$0x3FDB];
	_ =	sdelay $0x1  }
0x9a: {  	s5 =	simm.s32 $_scs_section_size  }
0x9b: {  	s6 =	simm.s32 $_size__tile_overlayer_lowered;
	s7 =	simm.s32 $_tile_overlayer_lowered  }
0x9c: {  	s22 =	simm.s32 $0x1BFF;
	s21 =	sshll.u32 s7, $0x1;
	s4 =	sadd.s32 s5, s19  }
0x9d: {  	s8 =	simm.s32 $0x0;
	s20 =	sshll.u32 s6, $0x1;
	s6 =	sadd.s32 s21, s4  }
0x9e: {  	[timem:s8], [sflag:s22] =	dma.local [hbm:s6], s20  }
0x9f: {  	_ =	swait.ge [sflag:s22], s20  }
0xa0: {  	s5 =	ssub.s32 $0x0, s20;
	[sflag:s22] =	ssyncset.done $0x0  }
0xa1: {  	[sflag:s22] =	ssyncadd.s32 s5;
	_ =	sdelay $0x1  }
0xa2: {  	s23 =	simm.s32 $0x1B8B  }
0xa3: {  	_ =	swait.ge [sflag:s23], $0x1  }
0xa4: {  	[sflag:s23] =	ssyncset.done $0x0  }
0xa5: {  	s25 =	simm.s32 $0x1B8E;
	s24 =	sld [smem:$0x3FFE];
	[sflag:s23] =	ssyncadd.s32 $0xFFFFFFFF  }
0xa6: {  	s26 =	simm.s32 $execute0_lowered;
	[smem:$0x3FD2] =	sst s25  }
0xa7: {  	s6 =	sshll.u32 s26, $0x1;
	_ =	strace $0x80000046;
	[dreg:$0x1] =	wrdreg $0xFFFFFFFF  }
0xa8: {  	s28 =	simm.s32 $_size_execute0_lowered;
	s4 =	sadd.s32 s4, s6;
	[dreg:$0x0] =	wrdreg $0x0  }
0xa9: {  	s6 =	sshll.u32 s28, $0x1;
	[dreg:$0x2] =	wrdreg s4  }
0xaa: {  	[dreg:$0x3] =	wrdreg s6  }
0xab: {  	[dreg:$0x4] =	wrdreg $0xC0  }
0xac: {  	_ =	task [dreg:s8], $0x5FFFF  }
0xad: {  	[dreg:$0x1] =	wrdreg $0xFFFFFFFF  }
0xae: {  	[dreg:$0x0] =	wrdreg $0x60  }
0xaf: {  	[dreg:$0x2] =	wrdreg s2  }
0xb0: {  	[dreg:$0x3] =	wrdreg s24  }
0xb1: {  	[dreg:$0x4] =	wrdreg s18  }
0xb2: {  	[dreg:$0x5] =	wrdreg $0x9  }
0xb3: {  	_ =	task.clear_ibuf [dreg:s8], $0x6FFFF;
	_ =	strace $0x90000046  }
0xb4: {  	s29 =	simm.s32 $0x9;
	_ =	strace $0x80000048  }
0xb5: {  	_ =	swait.ge [sflag:s29], $0x1  }
0xb6: {  	[sflag:s29] =	ssyncadd.s32 $0xFFFFFFFF  }
0xb7: {  	_ =	strace $0x90000048  }
0xb8: {  	_ =	sfence  }
0xb9: {  	s30 =	sld [smem:$0x0];
	_ =	sdelay $0x2  }
0xba: {  	s31 =	sshll.u32 s1, $0xD;
	s1 =	sshrl.u32 s1, $0x2  }
0xbb: {  	s3 =	sand.u32 $0x4000, s31;
	s1 =	sadd.s32 s1, s30  }
0xbc: {  	s0 =	sor.u32 s3, s0;
	s1 =	sshll.u32 s1, $0x11  }
0xbd: {  	s0 =	sor.u32 s1, s0  }
0xbe: {  	s0 =	sadd.s32 $0x8F2B, s0  }
0xbf: {  	[sflag:s0] =	ssyncadd.remote.s32 $0x1  }
0xc0: {  	_ =	sfence.sel $0xFFFF  }
0xc1: {  	[dreg:$0x0] =	wrdreg $0xFFFFFFFF;
	(pc) =	sbr.abs _section_cstart, $3  }
0xc2: {  	[dreg:$0x1] =	wrdreg $0xFFFFFFFF  }
0xc3: {  	_ =	task.clear_ibuf [dreg:s8], $0x2FFFF;
	_ =	strace $0x9FFFFFFF  }
0xc4: {  	(tm) =	ssettm $0x7FFFFFFF  }
0xc5: {  	_ =	shalt  }
tec
execute0_lowered:
.L_overlay_start_1:
0x0: {  	(tag) =	ssettag $0x1  }
0x1: {  	s0 =	rddreg [dreg:$0x0]  }
0x2: {  	s3 =	rddreg [dreg:$0x1]  }
0x3: {  	s5 =	rddreg [dreg:$0x2];
	s2 =	srdreg.scid  }
0x4: {  	s1 =	stileid.u32;
	s9 =	simm.s32 $0x2;
	s10 =	simm.s32 $0x2080  }
0x5: {  	s11 =	simm.s32 $0x3;
	s4 =	sand.u32 $0x1, s2;
	s6 =	sshll.u32 s1, $0x1  }
0x6: {  	s12 =	simm.s32 $0x0;
	s2 =	simm.s32 $0x0;
	s6 =	sor.u32 s4, s6  }
0x7: {  	s4 =	ssub.s32 $0x2, s4;
	[smem:$0x7FF] =	sst s2;
	s7 =	sshll.u32 s6, $0x3  }
0x8: {  	s8 =	sshrl.u32 s4, $0x1;
	_ =	strace $0x80000047;
	s31 =	sshll.u32 s6, $0xA  }
0x9: {  	s6 =	sshll.u32 s6, $0x8;
	s3 =	sadd.s32 s7, s3;
	s30 =	ssub.s32 s4, s8  }
0xa: {  	s4 =	sadd.s32 s0, s31;
	s5 =	sadd.s32 s5, s6;
	s7 =	simm.s32 $0x80  }
0xb: {  	v0 =	vimm.f32 $0.0e+00;
	s8 =	simm.s32 $0x1;
	s3 =	sadd.s32 $0xC00, s3;
	s6 =	smax.u32 s30, $0x1  }
.LBB2_1:
0xc: {  	[tilespmem:s2], [sflag:$0x1] =	stream.linear.gather [hbm4b:s3+s2], $0x40, $0x38;
	[tilespmem:$0x2880] =	vst v63  }
0xd: {  	_ = 	snop  }
0xe: {  	[tilespmem:s7], [sflag:$0x2] =	stream.linear.gather [hbm4b:s4+s2], $0x2000, $0x38;
	[tilespmem:$0x2880] =	vst v63  }
0xf: {  	[tilespmem:$0x2080] =	vst v0  }
0x10: {  	[tilespmem:$0x2090] =	vst v0  }
0x11: {  	[tilespmem:$0x20A0] =	vst v0  }
0x12: {  	[tilespmem:$0x20B0] =	vst v0  }
0x13: {  	[tilespmem:$0x20C0] =	vst v0  }
0x14: {  	[tilespmem:$0x20D0] =	vst v0  }
0x15: {  	[tilespmem:$0x20E0] =	vst v0  }
0x16: {  	[tilespmem:$0x20F0] =	vst v0  }
0x17: {  	[tilespmem:$0x2100] =	vst v0  }
0x18: {  	[tilespmem:$0x2110] =	vst v0  }
0x19: {  	[tilespmem:$0x2120] =	vst v0  }
0x1a: {  	[tilespmem:$0x2130] =	vst v0  }
0x1b: {  	[tilespmem:$0x2140] =	vst v0  }
0x1c: {  	[tilespmem:$0x2150] =	vst v0  }
0x1d: {  	[tilespmem:$0x2160] =	vst v0  }
0x1e: {  	[tilespmem:$0x2170] =	vst v0  }
0x1f: {  	[tilespmem:$0x2180] =	vst v0  }
0x20: {  	[tilespmem:$0x2190] =	vst v0  }
0x21: {  	[tilespmem:$0x21A0] =	vst v0  }
0x22: {  	[tilespmem:$0x21B0] =	vst v0  }
0x23: {  	[tilespmem:$0x21C0] =	vst v0  }
0x24: {  	[tilespmem:$0x21D0] =	vst v0  }
0x25: {  	[tilespmem:$0x21E0] =	vst v0  }
0x26: {  	[tilespmem:$0x21F0] =	vst v0  }
0x27: {  	[tilespmem:$0x2200] =	vst v0  }
0x28: {  	[tilespmem:$0x2210] =	vst v0  }
0x29: {  	[tilespmem:$0x2220] =	vst v0  }
0x2a: {  	[tilespmem:$0x2230] =	vst v0  }
0x2b: {  	[tilespmem:$0x2240] =	vst v0  }
0x2c: {  	[tilespmem:$0x2250] =	vst v0  }
0x2d: {  	[tilespmem:$0x2260] =	vst v0  }
0x2e: {  	[tilespmem:$0x2270] =	vst v0  }
0x2f: {  	[tilespmem:$0x2280] =	vst v0  }
0x30: {  	[tilespmem:$0x2290] =	vst v0  }
0x31: {  	[tilespmem:$0x22A0] =	vst v0  }
0x32: {  	[tilespmem:$0x22B0] =	vst v0  }
0x33: {  	[tilespmem:$0x22C0] =	vst v0  }
0x34: {  	[tilespmem:$0x22D0] =	vst v0  }
0x35: {  	[tilespmem:$0x22E0] =	vst v0  }
0x36: {  	[tilespmem:$0x22F0] =	vst v0  }
0x37: {  	[tilespmem:$0x2300] =	vst v0  }
0x38: {  	[tilespmem:$0x2310] =	vst v0  }
0x39: {  	[tilespmem:$0x2320] =	vst v0  }
0x3a: {  	[tilespmem:$0x2330] =	vst v0  }
0x3b: {  	[tilespmem:$0x2340] =	vst v0  }
0x3c: {  	[tilespmem:$0x2350] =	vst v0  }
0x3d: {  	[tilespmem:$0x2360] =	vst v0  }
0x3e: {  	[tilespmem:$0x2370] =	vst v0  }
0x3f: {  	[tilespmem:$0x2380] =	vst v0  }
0x40: {  	[tilespmem:$0x2390] =	vst v0  }
0x41: {  	[tilespmem:$0x23A0] =	vst v0  }
0x42: {  	[tilespmem:$0x23B0] =	vst v0  }
0x43: {  	[tilespmem:$0x23C0] =	vst v0  }
0x44: {  	[tilespmem:$0x23D0] =	vst v0  }
0x45: {  	[tilespmem:$0x23E0] =	vst v0  }
0x46: {  	[tilespmem:$0x23F0] =	vst v0  }
0x47: {  	[tilespmem:$0x2400] =	vst v0  }
0x48: {  	[tilespmem:$0x2410] =	vst v0  }
0x49: {  	[tilespmem:$0x2420] =	vst v0  }
0x4a: {  	[tilespmem:$0x2430] =	vst v0  }
0x4b: {  	[tilespmem:$0x2440] =	vst v0  }
0x4c: {  	[tilespmem:$0x2450] =	vst v0  }
0x4d: {  	[tilespmem:$0x2460] =	vst v0  }
0x4e: {  	[tilespmem:$0x2470] =	vst v0  }
0x4f: {  	[tilespmem:$0x2480] =	vst v0  }
0x50: {  	[tilespmem:$0x2490] =	vst v0  }
0x51: {  	[tilespmem:$0x24A0] =	vst v0  }
0x52: {  	[tilespmem:$0x24B0] =	vst v0  }
0x53: {  	[tilespmem:$0x24C0] =	vst v0  }
0x54: {  	[tilespmem:$0x24D0] =	vst v0  }
0x55: {  	[tilespmem:$0x24E0] =	vst v0  }
0x56: {  	[tilespmem:$0x24F0] =	vst v0  }
0x57: {  	[tilespmem:$0x2500] =	vst v0  }
0x58: {  	[tilespmem:$0x2510] =	vst v0  }
0x59: {  	[tilespmem:$0x2520] =	vst v0  }
0x5a: {  	[tilespmem:$0x2530] =	vst v0  }
0x5b: {  	[tilespmem:$0x2540] =	vst v0  }
0x5c: {  	[tilespmem:$0x2550] =	vst v0  }
0x5d: {  	[tilespmem:$0x2560] =	vst v0  }
0x5e: {  	[tilespmem:$0x2570] =	vst v0  }
0x5f: {  	[tilespmem:$0x2580] =	vst v0  }
0x60: {  	[tilespmem:$0x2590] =	vst v0  }
0x61: {  	[tilespmem:$0x25A0] =	vst v0  }
0x62: {  	[tilespmem:$0x25B0] =	vst v0  }
0x63: {  	[tilespmem:$0x25C0] =	vst v0  }
0x64: {  	[tilespmem:$0x25D0] =	vst v0  }
0x65: {  	[tilespmem:$0x25E0] =	vst v0  }
0x66: {  	[tilespmem:$0x25F0] =	vst v0  }
0x67: {  	[tilespmem:$0x2600] =	vst v0  }
0x68: {  	[tilespmem:$0x2610] =	vst v0  }
0x69: {  	[tilespmem:$0x2620] =	vst v0  }
0x6a: {  	[tilespmem:$0x2630] =	vst v0  }
0x6b: {  	[tilespmem:$0x2640] =	vst v0  }
0x6c: {  	[tilespmem:$0x2650] =	vst v0  }
0x6d: {  	[tilespmem:$0x2660] =	vst v0  }
0x6e: {  	[tilespmem:$0x2670] =	vst v0  }
0x6f: {  	[tilespmem:$0x2680] =	vst v0  }
0x70: {  	[tilespmem:$0x2690] =	vst v0  }
0x71: {  	[tilespmem:$0x26A0] =	vst v0  }
0x72: {  	[tilespmem:$0x26B0] =	vst v0  }
0x73: {  	[tilespmem:$0x26C0] =	vst v0  }
0x74: {  	[tilespmem:$0x26D0] =	vst v0  }
0x75: {  	[tilespmem:$0x26E0] =	vst v0  }
0x76: {  	[tilespmem:$0x26F0] =	vst v0  }
0x77: {  	[tilespmem:$0x2700] =	vst v0  }
0x78: {  	[tilespmem:$0x2710] =	vst v0  }
0x79: {  	[tilespmem:$0x2720] =	vst v0  }
0x7a: {  	[tilespmem:$0x2730] =	vst v0  }
0x7b: {  	[tilespmem:$0x2740] =	vst v0  }
0x7c: {  	[tilespmem:$0x2750] =	vst v0  }
0x7d: {  	[tilespmem:$0x2760] =	vst v0  }
0x7e: {  	[tilespmem:$0x2770] =	vst v0  }
0x7f: {  	[tilespmem:$0x2780] =	vst v0  }
0x80: {  	[tilespmem:$0x2790] =	vst v0  }
0x81: {  	[tilespmem:$0x27A0] =	vst v0  }
0x82: {  	[tilespmem:$0x27B0] =	vst v0  }
0x83: {  	[tilespmem:$0x27C0] =	vst v0  }
0x84: {  	[tilespmem:$0x27D0] =	vst v0  }
0x85: {  	[tilespmem:$0x27E0] =	vst v0  }
0x86: {  	[tilespmem:$0x27F0] =	vst v0  }
0x87: {  	[tilespmem:$0x2800] =	vst v0  }
0x88: {  	[tilespmem:$0x2810] =	vst v0  }
0x89: {  	[tilespmem:$0x2820] =	vst v0  }
0x8a: {  	[tilespmem:$0x2830] =	vst v0  }
0x8b: {  	[tilespmem:$0x2840] =	vst v0  }
0x8c: {  	[tilespmem:$0x2850] =	vst v0  }
0x8d: {  	[tilespmem:$0x2860] =	vst v0  }
0x8e: {  	[tilespmem:$0x2870] =	vst v0  }
0x8f: {  	_ =	swait.ge [sflag:s8], $0x40  }
0x90: {  	[sflag:s8] =	ssyncset.done $0x0  }
0x91: {  	[sflag:s8] =	ssyncadd.s32 $0xFFFFFFC0  }
0x92: {  	_ =	swait.ge [sflag:s9], $0x2000  }
0x93: {  	[sflag:s9] =	ssyncset.done $0x0  }
0x94: {  	s0 =	simm.s32 $0x8;
	[sflag:s9] =	ssyncadd.s32 $0xFFFFE000  }
0x95: {  	v1 =	vld [tilespmem:s0+$0x7]  }
0x96: {  	v2 =	vld [tilespmem:s0+$0xFFFFFFF9]  }
0x97: {  	v3 =	vld [tilespmem:s0+$0xFFFFFFFA]  }
0x98: {  	v4 =	vld [tilespmem:s0+$0xFFFFFFFB]  }
0x99: {  	v5 =	vld [tilespmem:s0+$0xFFFFFFFD]  }
0x9a: {  	v6 =	vld [tilespmem:s0+$0xFFFFFFFE]  }
0x9b: {  	v34 =	vld [tilespmem:s0+$0x1]  }
0x9c: {  	v35 =	vld [tilespmem:s0+$0x3]  }
0x9d: {  	v36 =	vld [tilespmem:s0+$0x4]  }
0x9e: {  	s13 =	simm.s32 $0x480;
	v37 =	vld [tilespmem:s0+$0xFFFFFFF8]  }
0x9f: {  	v38 =	vld [tilespmem:s13+$0xFFFFFC00]  }
0xa0: {  	v39 =	vld [tilespmem:s13+$0xFFFFFD80]  }
0xa1: {  	v40 =	vld [tilespmem:s13+$0xFFFFFE00]  }
0xa2: {  	v7 =	vld [tilespmem:s13+$0xFFFFFE80]  }
0xa3: {  	v8 =	vld [tilespmem:s13+$0xFFFFFF00];
	(v2sf) =	vpush v1, $0x0  }
0xa4: {  	v1 =	vld [tilespmem:s0+$0xFFFFFFFC]  }
0xa5: {  	v9 =	vld [tilespmem:s13+$0xFFFFFF80];
	(v2sf) =	vpush v2, $0x0  }
0xa6: {  	v10 =	vld [tilespmem:s13+$0x0];
	(v2sf) =	vpush v3, $0x0  }
0xa7: {  	v2 =	vld [tilespmem:s0+$0xFFFFFFFF]  }
0xa8: {  	v3 =	vld [tilespmem:s0+$0x0];
	(v2sf) =	vpush v4, $0x0  }
0xa9: {  	v11 =	vld [tilespmem:s13+$0x80];
	(v2sf) =	vpush v1, $0x0  }
0xaa: {  	v1 =	vld [tilespmem:s0+$0x2];
	(v2sf) =	vpush v5, $0x0  }
0xab: {  	v12 =	vld [tilespmem:s13+$0x100];
	(v2sf) =	vpush v6, $0x0  }
0xac: {  	v13 =	vld [tilespmem:s13+$0x180];
	(v2sf) =	vpush v2, $0x0  }
0xad: {  	v2 =	vld [tilespmem:s0+$0x5];
	(v2sf) =	vpush v3, $0x0  }
0xae: {  	v3 =	vld [tilespmem:s0+$0x6];
	(v2sf) =	vpush v34, $0x0  }
0xaf: {  	v14 =	vld [tilespmem:s13+$0x200];
	(v2sf) =	vpush v1, $0x0  }
0xb0: {  	v1 =	vld [tilespmem:s13+$0x380];
	(v2sf) =	vpush v35, $0x0  }
0xb1: {  	v15 =	vld [tilespmem:s13+$0x280];
	(v2sf) =	vpush v36, $0x0  }
0xb2: {  	(v2sf) =	vpush v2, $0x0;
	v2 =	vld [tilespmem:s13+$0xFFFFFC80];
	s17 =	spop (v2sf)  }
0xb3: {  	(v2sf) =	vpush v3, $0x0;
	v3 =	vld [tilespmem:s13+$0xFFFFFD00];
	s0 =	sshll.u32 s17, $0x9  }
0xb4: {  	v16 =	vld [tilespmem:s13+$0x300];
	s14 =	spop (v2sf);
	s0 =	sshra.s32 s0, $0x2  }
0xb5: {  	s15 =	spop (v2sf);
	s14 =	sshll.u32 s14, $0x9;
	[tilespmem:s0+$0x2080] =	vst.add.f32.msk $0xffff, v1  }
0xb6: {  	s17 =	sshra.s32 s14, $0x2;
	s18 =	sshll.u32 s15, $0x9;
	v1 =	vld [tilespmem:s13+$0x390]  }
0xb7: {  	s19 =	spop (v2sf);
	s18 =	sshra.s32 s18, $0x2;
	[tilespmem:s17+$0x2080] =	vst.add.f32.msk $0xffff, v2  }
0xb8: {  	s19 =	sshll.u32 s19, $0x9;
	[tilespmem:s18+$0x2080] =	vst.add.f32.msk $0xffff, v3  }
0xb9: {  	s20 =	spop (v2sf);
	s19 =	sshra.s32 s19, $0x2;
	v3 =	vld [tilespmem:s13+$0xFFFFFC90]  }
0xba: {  	s20 =	sshll.u32 s20, $0x9;
	[tilespmem:s19+$0x2080] =	vst.add.f32.msk $0xffff, v39  }
0xbb: {  	s21 =	spop (v2sf);
	s20 =	sshra.s32 s20, $0x2;
	v4 =	vld [tilespmem:s13+$0xFFFFFD90]  }
0xbc: {  	s21 =	sshll.u32 s21, $0x9;
	[tilespmem:s20+$0x2080] =	vst.add.f32.msk $0xffff, v40  }
0xbd: {  	s21 =	sshra.s32 s21, $0x2;
	[tilespmem:s0+$0x2090] =	vst.add.f32.msk $0xffff, v1  }
0xbe: {  	s22 =	spop (v2sf);
	[tilespmem:s21+$0x2080] =	vst.add.f32.msk $0xffff, v7  }
0xbf: {  	s22 =	sshll.u32 s22, $0x9;
	v41 =	vld [tilespmem:s13+$0xFFFFFE10]  }
0xc0: {  	s22 =	sshra.s32 s22, $0x2;
	v1 =	vld [tilespmem:s13+$0x3A0]  }
0xc1: {  	s23 =	spop (v2sf);
	[tilespmem:s22+$0x2080] =	vst.add.f32.msk $0xffff, v8  }
0xc2: {  	s23 =	sshll.u32 s23, $0x9;
	v42 =	vld [tilespmem:s13+$0xFFFFFE90]  }
0xc3: {  	s24 =	spop (v2sf);
	s23 =	sshra.s32 s23, $0x2;
	[tilespmem:s17+$0x2090] =	vst.add.f32.msk $0xffff, v3  }
0xc4: {  	s24 =	sshll.u32 s24, $0x9;
	[tilespmem:s23+$0x2080] =	vst.add.f32.msk $0xffff, v9  }
0xc5: {  	s24 =	sshra.s32 s24, $0x2;
	v43 =	vld [tilespmem:s13+$0xFFFFFF10]  }
0xc6: {  	s25 =	spop (v2sf);
	[tilespmem:s24+$0x2080] =	vst.add.f32.msk $0xffff, v10  }
0xc7: {  	s25 =	sshll.u32 s25, $0x9;
	v44 =	vld [tilespmem:s13+$0xFFFFFF90]  }
0xc8: {  	s25 =	sshra.s32 s25, $0x2;
	[tilespmem:s19+$0x2090] =	vst.add.f32.msk $0xffff, v4  }
0xc9: {  	s26 =	spop (v2sf);
	[tilespmem:s25+$0x2080] =	vst.add.f32.msk $0xffff, v11  }
0xca: {  	s26 =	sshll.u32 s26, $0x9;
	v45 =	vld [tilespmem:s13+$0x10]  }
0xcb: {  	s26 =	sshra.s32 s26, $0x2;
	v4 =	vld [tilespmem:s13+$0xFFFFFDA0]  }
0xcc: {  	[tilespmem:s26+$0x2080] =	vst.add.f32.msk $0xffff, v12  }
0xcd: {  	s28 =	spop (v2sf);
	v46 =	vld [tilespmem:s13+$0x90]  }
0xce: {  	s28 =	sshll.u32 s28, $0x9;
	[tilespmem:s20+$0x2090] =	vst.add.f32.msk $0xffff, v41  }
0xcf: {  	s28 =	sshra.s32 s28, $0x2;
	[tilespmem:s0+$0x20A0] =	vst.add.f32.msk $0xffff, v1  }
0xd0: {  	(v2sf) =	vpush v37, $0x0;
	[tilespmem:s28+$0x2080] =	vst.add.f32.msk $0xffff, v13  }
0xd1: {  	v47 =	vld [tilespmem:s13+$0x110]  }
0xd2: {  	s29 =	spop (v2sf);
	[tilespmem:s21+$0x2090] =	vst.add.f32.msk $0xffff, v42  }
0xd3: {  	s29 =	sshll.u32 s29, $0x9;
	v5 =	vld [tilespmem:s13+$0xFFFFFE20]  }
0xd4: {  	s29 =	sshra.s32 s29, $0x2;
	v1 =	vld [tilespmem:s13+$0x3B0]  }
0xd5: {  	[tilespmem:s29+$0x2080] =	vst.add.f32.msk $0xffff, v14  }
0xd6: {  	s30 =	spop (v2sf);
	v48 =	vld [tilespmem:s13+$0x190]  }
0xd7: {  	s30 =	sshll.u32 s30, $0x9;
	[tilespmem:s22+$0x2090] =	vst.add.f32.msk $0xffff, v43  }
0xd8: {  	s14 =	sshra.s32 s30, $0x2;
	v6 =	vld [tilespmem:s13+$0xFFFFFEA0]  }
0xd9: {  	[tilespmem:s14+$0x2080] =	vst.add.f32.msk $0xffff, v15  }
0xda: {  	s31 =	spop (v2sf);
	v49 =	vld [tilespmem:s13+$0x210]  }
0xdb: {  	s31 =	sshll.u32 s31, $0x9;
	[tilespmem:s23+$0x2090] =	vst.add.f32.msk $0xffff, v44  }
0xdc: {  	s15 =	sshra.s32 s31, $0x2;
	v7 =	vld [tilespmem:s13+$0xFFFFFF20]  }
0xdd: {  	[tilespmem:s15+$0x2080] =	vst.add.f32.msk $0xffff, v16  }
0xde: {  	v50 =	vld [tilespmem:s13+$0x290]  }
0xdf: {  	s16 =	spop (v2sf);
	[tilespmem:s24+$0x2090] =	vst.add.f32.msk $0xffff, v45  }
0xe0: {  	s16 =	sshll.u32 s16, $0x9;
	v8 =	vld [tilespmem:s13+$0xFFFFFFA0]  }
0xe1: {  	s16 =	sshra.s32 s16, $0x2;
	[tilespmem:s19+$0x20A0] =	vst.add.f32.msk $0xffff, v4  }
0xe2: {  	[tilespmem:s16+$0x2080] =	vst.add.f32.msk $0xffff, v38  }
0xe3: {  	v51 =	vld [tilespmem:s13+$0x310]  }
0xe4: {  	[tilespmem:s25+$0x2090] =	vst.add.f32.msk $0xffff, v46  }
0xe5: {  	v9 =	vld [tilespmem:s13+$0x20]  }
0xe6: {  	v4 =	vld [tilespmem:s13+$0xFFFFFDB0]  }
0xe7: {  	v2 =	vld [tilespmem:s13+$0xFFFFFC10]  }
0xe8: {  	[tilespmem:s26+$0x2090] =	vst.add.f32.msk $0xffff, v47  }
0xe9: {  	v10 =	vld [tilespmem:s13+$0xA0]  }
0xea: {  	[tilespmem:s20+$0x20A0] =	vst.add.f32.msk $0xffff, v5  }
0xeb: {  	[tilespmem:s0+$0x20B0] =	vst.add.f32.msk $0xffff, v1  }
0xec: {  	[tilespmem:s28+$0x2090] =	vst.add.f32.msk $0xffff, v48  }
0xed: {  	v11 =	vld [tilespmem:s13+$0x120]  }
0xee: {  	[tilespmem:s21+$0x20A0] =	vst.add.f32.msk $0xffff, v6  }
0xef: {  	v5 =	vld [tilespmem:s13+$0xFFFFFE30]  }
0xf0: {  	v1 =	vld [tilespmem:s13+$0x3C0]  }
0xf1: {  	[tilespmem:s29+$0x2090] =	vst.add.f32.msk $0xffff, v49  }
0xf2: {  	v12 =	vld [tilespmem:s13+$0x1A0]  }
0xf3: {  	[tilespmem:s22+$0x20A0] =	vst.add.f32.msk $0xffff, v7  }
0xf4: {  	v6 =	vld [tilespmem:s13+$0xFFFFFEB0]  }
0xf5: {  	[tilespmem:s14+$0x2090] =	vst.add.f32.msk $0xffff, v50  }
0xf6: {  	v13 =	vld [tilespmem:s13+$0x220]  }
0xf7: {  	[tilespmem:s23+$0x20A0] =	vst.add.f32.msk $0xffff, v8  }
0xf8: {  	v7 =	vld [tilespmem:s13+$0xFFFFFF30]  }
0xf9: {  	[tilespmem:s15+$0x2090] =	vst.add.f32.msk $0xffff, v51  }
0xfa: {  	v14 =	vld [tilespmem:s13+$0x2A0]  }
0xfb: {  	[tilespmem:s24+$0x20A0] =	vst.add.f32.msk $0xffff, v9  }
0xfc: {  	v8 =	vld [tilespmem:s13+$0xFFFFFFB0]  }
0xfd: {  	[tilespmem:s19+$0x20B0] =	vst.add.f32.msk $0xffff, v4  }
0xfe: {  	[tilespmem:s16+$0x2090] =	vst.add.f32.msk $0xffff, v2  }
0xff: {  	v2 =	vld [tilespmem:s13+$0xFFFFFCA0]  }
0x100: {  	v15 =	vld [tilespmem:s13+$0x320]  }
0x101: {  	[tilespmem:s25+$0x20A0] =	vst.add.f32.msk $0xffff, v10  }
0x102: {  	v9 =	vld [tilespmem:s13+$0x30]  }
0x103: {  	v4 =	vld [tilespmem:s13+$0xFFFFFDC0]  }
0x104: {  	[tilespmem:s26+$0x20A0] =	vst.add.f32.msk $0xffff, v11  }
0x105: {  	v10 =	vld [tilespmem:s13+$0xB0]  }
0x106: {  	[tilespmem:s20+$0x20B0] =	vst.add.f32.msk $0xffff, v5  }
0x107: {  	[tilespmem:s0+$0x20C0] =	vst.add.f32.msk $0xffff, v1  }
0x108: {  	[tilespmem:s28+$0x20A0] =	vst.add.f32.msk $0xffff, v12  }
0x109: {  	v11 =	vld [tilespmem:s13+$0x130]  }
0x10a: {  	[tilespmem:s21+$0x20B0] =	vst.add.f32.msk $0xffff, v6  }
0x10b: {  	v5 =	vld [tilespmem:s13+$0xFFFFFE40]  }
0x10c: {  	v1 =	vld [tilespmem:s13+$0x3D0]  }
0x10d: {  	[tilespmem:s29+$0x20A0] =	vst.add.f32.msk $0xffff, v13  }
0x10e: {  	v12 =	vld [tilespmem:s13+$0x1B0]  }
0x10f: {  	[tilespmem:s22+$0x20B0] =	vst.add.f32.msk $0xffff, v7  }
0x110: {  	v6 =	vld [tilespmem:s13+$0xFFFFFEC0]  }
0x111: {  	[tilespmem:s14+$0x20A0] =	vst.add.f32.msk $0xffff, v14  }
0x112: {  	v13 =	vld [tilespmem:s13+$0x230]  }
0x113: {  	[tilespmem:s23+$0x20B0] =	vst.add.f32.msk $0xffff, v8  }
0x114: {  	v7 =	vld [tilespmem:s13+$0xFFFFFF40]  }
0x115: {  	[tilespmem:s17+$0x20A0] =	vst.add.f32.msk $0xffff, v2  }
0x116: {  	[tilespmem:s15+$0x20A0] =	vst.add.f32.msk $0xffff, v15  }
0x117: {  	v14 =	vld [tilespmem:s13+$0x2B0]  }
0x118: {  	[tilespmem:s24+$0x20B0] =	vst.add.f32.msk $0xffff, v9  }
0x119: {  	v8 =	vld [tilespmem:s13+$0xFFFFFFC0]  }
0x11a: {  	[tilespmem:s19+$0x20C0] =	vst.add.f32.msk $0xffff, v4  }
0x11b: {  	v2 =	vld [tilespmem:s13+$0xFFFFFCB0]  }
0x11c: {  	v15 =	vld [tilespmem:s13+$0x330]  }
0x11d: {  	[tilespmem:s25+$0x20B0] =	vst.add.f32.msk $0xffff, v10  }
0x11e: {  	v9 =	vld [tilespmem:s13+$0x40]  }
0x11f: {  	v4 =	vld [tilespmem:s13+$0xFFFFFDD0]  }
0x120: {  	[tilespmem:s26+$0x20B0] =	vst.add.f32.msk $0xffff, v11  }
0x121: {  	v10 =	vld [tilespmem:s13+$0xC0]  }
0x122: {  	[tilespmem:s20+$0x20C0] =	vst.add.f32.msk $0xffff, v5  }
0x123: {  	[tilespmem:s0+$0x20D0] =	vst.add.f32.msk $0xffff, v1  }
0x124: {  	[tilespmem:s28+$0x20B0] =	vst.add.f32.msk $0xffff, v12  }
0x125: {  	v11 =	vld [tilespmem:s13+$0x140]  }
0x126: {  	[tilespmem:s21+$0x20C0] =	vst.add.f32.msk $0xffff, v6  }
0x127: {  	v5 =	vld [tilespmem:s13+$0xFFFFFE50]  }
0x128: {  	v1 =	vld [tilespmem:s13+$0x3E0]  }
0x129: {  	[tilespmem:s29+$0x20B0] =	vst.add.f32.msk $0xffff, v13  }
0x12a: {  	v12 =	vld [tilespmem:s13+$0x1C0]  }
0x12b: {  	[tilespmem:s22+$0x20C0] =	vst.add.f32.msk $0xffff, v7  }
0x12c: {  	v6 =	vld [tilespmem:s13+$0xFFFFFED0]  }
0x12d: {  	[tilespmem:s14+$0x20B0] =	vst.add.f32.msk $0xffff, v14  }
0x12e: {  	v13 =	vld [tilespmem:s13+$0x240]  }
0x12f: {  	[tilespmem:s23+$0x20C0] =	vst.add.f32.msk $0xffff, v8  }
0x130: {  	v7 =	vld [tilespmem:s13+$0xFFFFFF50]  }
0x131: {  	[tilespmem:s17+$0x20B0] =	vst.add.f32.msk $0xffff, v2  }
0x132: {  	[tilespmem:s15+$0x20B0] =	vst.add.f32.msk $0xffff, v15  }
0x133: {  	v14 =	vld [tilespmem:s13+$0x2C0]  }
0x134: {  	[tilespmem:s24+$0x20C0] =	vst.add.f32.msk $0xffff, v9  }
0x135: {  	v8 =	vld [tilespmem:s13+$0xFFFFFFD0]  }
0x136: {  	[tilespmem:s19+$0x20D0] =	vst.add.f32.msk $0xffff, v4  }
0x137: {  	v2 =	vld [tilespmem:s13+$0xFFFFFCC0]  }
0x138: {  	v15 =	vld [tilespmem:s13+$0x340]  }
0x139: {  	[tilespmem:s25+$0x20C0] =	vst.add.f32.msk $0xffff, v10  }
0x13a: {  	v9 =	vld [tilespmem:s13+$0x50]  }
0x13b: {  	v4 =	vld [tilespmem:s13+$0xFFFFFDE0]  }
0x13c: {  	[tilespmem:s26+$0x20C0] =	vst.add.f32.msk $0xffff, v11  }
0x13d: {  	v10 =	vld [tilespmem:s13+$0xD0]  }
0x13e: {  	[tilespmem:s20+$0x20D0] =	vst.add.f32.msk $0xffff, v5  }
0x13f: {  	[tilespmem:s0+$0x20E0] =	vst.add.f32.msk $0xffff, v1  }
0x140: {  	[tilespmem:s28+$0x20C0] =	vst.add.f32.msk $0xffff, v12  }
0x141: {  	v11 =	vld [tilespmem:s13+$0x150]  }
0x142: {  	[tilespmem:s21+$0x20D0] =	vst.add.f32.msk $0xffff, v6  }
0x143: {  	v5 =	vld [tilespmem:s13+$0xFFFFFE60]  }
0x144: {  	v1 =	vld [tilespmem:s13+$0x3F0]  }
0x145: {  	[tilespmem:s29+$0x20C0] =	vst.add.f32.msk $0xffff, v13  }
0x146: {  	v12 =	vld [tilespmem:s13+$0x1D0]  }
0x147: {  	[tilespmem:s22+$0x20D0] =	vst.add.f32.msk $0xffff, v7  }
0x148: {  	v6 =	vld [tilespmem:s13+$0xFFFFFEE0]  }
0x149: {  	[tilespmem:s14+$0x20C0] =	vst.add.f32.msk $0xffff, v14  }
0x14a: {  	v13 =	vld [tilespmem:s13+$0x250]  }
0x14b: {  	[tilespmem:s23+$0x20D0] =	vst.add.f32.msk $0xffff, v8  }
0x14c: {  	v7 =	vld [tilespmem:s13+$0xFFFFFF60]  }
0x14d: {  	[tilespmem:s17+$0x20C0] =	vst.add.f32.msk $0xffff, v2  }
0x14e: {  	[tilespmem:s15+$0x20C0] =	vst.add.f32.msk $0xffff, v15  }
0x14f: {  	v14 =	vld [tilespmem:s13+$0x2D0]  }
0x150: {  	[tilespmem:s24+$0x20D0] =	vst.add.f32.msk $0xffff, v9  }
0x151: {  	v8 =	vld [tilespmem:s13+$0xFFFFFFE0]  }
0x152: {  	[tilespmem:s19+$0x20E0] =	vst.add.f32.msk $0xffff, v4  }
0x153: {  	v2 =	vld [tilespmem:s13+$0xFFFFFCD0]  }
0x154: {  	v15 =	vld [tilespmem:s13+$0x350]  }
0x155: {  	[tilespmem:s25+$0x20D0] =	vst.add.f32.msk $0xffff, v10  }
0x156: {  	v9 =	vld [tilespmem:s13+$0x60]  }
0x157: {  	v54 =	vld [tilespmem:s13+$0xFFFFFDF0]  }
0x158: {  	[tilespmem:s26+$0x20D0] =	vst.add.f32.msk $0xffff, v11  }
0x159: {  	v10 =	vld [tilespmem:s13+$0xE0]  }
0x15a: {  	[tilespmem:s20+$0x20E0] =	vst.add.f32.msk $0xffff, v5  }
0x15b: {  	[tilespmem:s0+$0x20F0] =	vst.add.f32.msk $0xffff, v1  }
0x15c: {  	v1 =	vld [tilespmem:s13+$0xFFFFFD10]  }
0x15d: {  	[tilespmem:s28+$0x20D0] =	vst.add.f32.msk $0xffff, v12  }
0x15e: {  	v11 =	vld [tilespmem:s13+$0x160]  }
0x15f: {  	[tilespmem:s21+$0x20E0] =	vst.add.f32.msk $0xffff, v6  }
0x160: {  	v55 =	vld [tilespmem:s13+$0xFFFFFE70]  }
0x161: {  	[tilespmem:s29+$0x20D0] =	vst.add.f32.msk $0xffff, v13  }
0x162: {  	v12 =	vld [tilespmem:s13+$0x1E0]  }
0x163: {  	[tilespmem:s22+$0x20E0] =	vst.add.f32.msk $0xffff, v7  }
0x164: {  	v56 =	vld [tilespmem:s13+$0xFFFFFEF0]  }
0x165: {  	[tilespmem:s14+$0x20D0] =	vst.add.f32.msk $0xffff, v14  }
0x166: {  	v13 =	vld [tilespmem:s13+$0x260]  }
0x167: {  	[tilespmem:s23+$0x20E0] =	vst.add.f32.msk $0xffff, v8  }
0x168: {  	v57 =	vld [tilespmem:s13+$0xFFFFFF70]  }
0x169: {  	[tilespmem:s17+$0x20D0] =	vst.add.f32.msk $0xffff, v2  }
0x16a: {  	[tilespmem:s15+$0x20D0] =	vst.add.f32.msk $0xffff, v15  }
0x16b: {  	v14 =	vld [tilespmem:s13+$0x2E0]  }
0x16c: {  	[tilespmem:s24+$0x20E0] =	vst.add.f32.msk $0xffff, v9  }
0x16d: {  	v58 =	vld [tilespmem:s13+$0xFFFFFFF0]  }
0x16e: {  	[tilespmem:s19+$0x20F0] =	vst.add.f32.msk $0xffff, v54  }
0x16f: {  	v2 =	vld [tilespmem:s13+$0xFFFFFCE0]  }
0x170: {  	v15 =	vld [tilespmem:s13+$0x360]  }
0x171: {  	[tilespmem:s25+$0x20E0] =	vst.add.f32.msk $0xffff, v10  }
0x172: {  	v59 =	vld [tilespmem:s13+$0x70]  }
0x173: {  	[tilespmem:s18+$0x2090] =	vst.add.f32.msk $0xffff, v1  }
0x174: {  	v1 =	vld [tilespmem:s13+$0xFFFFFC20]  }
0x175: {  	[tilespmem:s26+$0x20E0] =	vst.add.f32.msk $0xffff, v11  }
0x176: {  	v60 =	vld [tilespmem:s13+$0xF0]  }
0x177: {  	[tilespmem:s20+$0x20F0] =	vst.add.f32.msk $0xffff, v55  }
0x178: {  	v3 =	vld [tilespmem:s13+$0xFFFFFD20]  }
0x179: {  	[tilespmem:s28+$0x20E0] =	vst.add.f32.msk $0xffff, v12  }
0x17a: {  	v61 =	vld [tilespmem:s13+$0x170]  }
0x17b: {  	[tilespmem:s21+$0x20F0] =	vst.add.f32.msk $0xffff, v56  }
0x17c: {  	[tilespmem:s29+$0x20E0] =	vst.add.f32.msk $0xffff, v13  }
0x17d: {  	v62 =	vld [tilespmem:s13+$0x1F0]  }
0x17e: {  	[tilespmem:s16+$0x20A0] =	vst.add.f32.msk $0xffff, v1  }
0x17f: {  	[tilespmem:s18+$0x20A0] =	vst.add.f32.msk $0xffff, v3  }
0x180: {  	v1 =	vld [tilespmem:s13+$0xFFFFFC30]  }
0x181: {  	v3 =	vld [tilespmem:s13+$0xFFFFFD30]  }
0x182: {  	[tilespmem:s22+$0x20F0] =	vst.add.f32.msk $0xffff, v57  }
0x183: {  	[tilespmem:s14+$0x20E0] =	vst.add.f32.msk $0xffff, v14  }
0x184: {  	v63 =	vld [tilespmem:s13+$0x270]  }
0x185: {  	[tilespmem:s16+$0x20B0] =	vst.add.f32.msk $0xffff, v1  }
0x186: {  	[tilespmem:s18+$0x20B0] =	vst.add.f32.msk $0xffff, v3  }
0x187: {  	v1 =	vld [tilespmem:s13+$0xFFFFFC40]  }
0x188: {  	v3 =	vld [tilespmem:s13+$0xFFFFFD40]  }
0x189: {  	[tilespmem:s23+$0x20F0] =	vst.add.f32.msk $0xffff, v58  }
0x18a: {  	[tilespmem:s17+$0x20E0] =	vst.add.f32.msk $0xffff, v2  }
0x18b: {  	[tilespmem:s15+$0x20E0] =	vst.add.f32.msk $0xffff, v15  }
0x18c: {  	[tilespmem:s16+$0x20C0] =	vst.add.f32.msk $0xffff, v1  }
0x18d: {  	[tilespmem:s18+$0x20C0] =	vst.add.f32.msk $0xffff, v3  }
0x18e: {  	v1 =	vld [tilespmem:s13+$0xFFFFFC50]  }
0x18f: {  	v3 =	vld [tilespmem:s13+$0xFFFFFD50]  }
0x190: {  	v2 =	vld [tilespmem:s13+$0x2F0]  }
0x191: {  	[tilespmem:s24+$0x20F0] =	vst.add.f32.msk $0xffff, v59  }
0x192: {  	v52 =	vld [tilespmem:s13+$0xFFFFFCF0]  }
0x193: {  	[tilespmem:s16+$0x20D0] =	vst.add.f32.msk $0xffff, v1  }
0x194: {  	[tilespmem:s18+$0x20D0] =	vst.add.f32.msk $0xffff, v3  }
0x195: {  	v1 =	vld [tilespmem:s13+$0xFFFFFC60]  }
0x196: {  	v3 =	vld [tilespmem:s13+$0xFFFFFD60]  }
0x197: {  	[tilespmem:s25+$0x20F0] =	vst.add.f32.msk $0xffff, v60  }
0x198: {  	[tilespmem:s26+$0x20F0] =	vst.add.f32.msk $0xffff, v61  }
0x199: {  	[tilespmem:s28+$0x20F0] =	vst.add.f32.msk $0xffff, v62  }
0x19a: {  	[tilespmem:s16+$0x20E0] =	vst.add.f32.msk $0xffff, v1  }
0x19b: {  	[tilespmem:s18+$0x20E0] =	vst.add.f32.msk $0xffff, v3  }
0x19c: {  	v3 =	vld [tilespmem:s13+$0xFFFFFC70]  }
0x19d: {  	v53 =	vld [tilespmem:s13+$0xFFFFFD70]  }
0x19e: {  	[tilespmem:s29+$0x20F0] =	vst.add.f32.msk $0xffff, v63  }
0x19f: {  	[tilespmem:s17+$0x20F0] =	vst.add.f32.msk $0xffff, v52  }
0x1a0: {  	v1 =	vld [tilespmem:s13+$0x370]  }
0x1a1: {  	[tilespmem:s16+$0x20F0] =	vst.add.f32.msk $0xffff, v3  }
0x1a2: {  	s17 =	simm.s32 $0x18;
	s16 =	simm.s32 $0x0;
	[tilespmem:s18+$0x20F0] =	vst.add.f32.msk $0xffff, v53  }
.LBB2_2:
0x1a3: {  	v3 =	vld [tilespmem:s17+$0x7];
	s16 =	sadd.s32 $0x10, s16  }
0x1a4: {  	v4 =	vld [tilespmem:s17+$0xFFFFFFF9];
	p0 =	slt.u32 s16, $0x30  }
0x1a5: {  	v5 =	vld [tilespmem:s17+$0xFFFFFFFA]  }
0x1a6: {  	v6 =	vld [tilespmem:s17+$0xFFFFFFFB]  }
0x1a7: {  	v7 =	vld [tilespmem:s17+$0xFFFFFFFC]  }
0x1a8: {  	v8 =	vld [tilespmem:s17+$0xFFFFFFFD];
	(v2sf) =	vpush v3, $0x0  }
0x1a9: {  	v3 =	vld [tilespmem:s17+$0xFFFFFFFE];
	(v2sf) =	vpush v4, $0x0  }
0x1aa: {  	v4 =	vld [tilespmem:s17+$0xFFFFFFFF];
	(v2sf) =	vpush v5, $0x0  }
0x1ab: {  	v5 =	vld [tilespmem:s17+$0x0];
	(v2sf) =	vpush v6, $0x0  }
0x1ac: {  	v6 =	vld [tilespmem:s17+$0x1];
	(v2sf) =	vpush v7, $0x0  }
0x1ad: {  	v7 =	vld [tilespmem:s17+$0x2];
	(v2sf) =	vpush v8, $0x0  }
0x1ae: {  	v8 =	vld [tilespmem:s17+$0x3];
	(v2sf) =	vpush v3, $0x0  }
0x1af: {  	v3 =	vld [tilespmem:s17+$0x4];
	(v2sf) =	vpush v4, $0x0  }
0x1b0: {  	v4 =	vld [tilespmem:s17+$0x5];
	(v2sf) =	vpush v5, $0x0  }
0x1b1: {  	v5 =	vld [tilespmem:s17+$0x6];
	(v2sf) =	vpush v6, $0x0  }
0x1b2: {  	v6 =	vld [tilespmem:s17+$0xFFFFFFF8];
	(v2sf) =	vpush v7, $0x0  }
0x1b3: {  	(v2sf) =	vpush v8, $0x0;
	[tilespmem:s14+$0x20F0] =	vst.add.f32.msk $0xffff, v2  }
0x1b4: {  	s13 =	sadd.s32 $0x800, s13;
	(v2sf) =	vpush v3, $0x0;
	[tilespmem:s15+$0x20F0] =	vst.add.f32.msk $0xffff, v1  }
0x1b5: {  	v1 =	vld [tilespmem:s13+$0x380];
	(v2sf) =	vpush v4, $0x0  }
0x1b6: {  	v2 =	vld [tilespmem:s13+$0xFFFFFC00];
	(v2sf) =	vpush v5, $0x0  }
0x1b7: {  	v3 =	vld [tilespmem:s13+$0xFFFFFC80];
	(v2sf) =	vpush v6, $0x0;
	s0 =	spop (v2sf)  }
0x1b8: {  	v4 =	vld [tilespmem:s13+$0xFFFFFD00];
	s0 =	sshll.u32 s0, $0x9;
	s14 =	spop (v2sf)  }
0x1b9: {  	s14 =	sshll.u32 s14, $0x9;
	v5 =	vld [tilespmem:s13+$0xFFFFFD80];
	s0 =	sshra.s32 s0, $0x2;
	s15 =	spop (v2sf)  }
0x1ba: {  	s18 =	sshra.s32 s14, $0x2;
	s14 =	sshll.u32 s15, $0x9;
	[tilespmem:s0+$0x2080] =	vst.add.f32.msk $0xffff, v1;
	s15 =	spop (v2sf)  }
0x1bb: {  	s19 =	sshra.s32 s14, $0x2;
	s14 =	sshll.u32 s15, $0x9;
	v1 =	vld [tilespmem:s13+$0x390];
	s15 =	spop (v2sf)  }
0x1bc: {  	s20 =	sshra.s32 s14, $0x2;
	v6 =	vld [tilespmem:s13+$0xFFFFFE00];
	s14 =	sshll.u32 s15, $0x9;
	s15 =	spop (v2sf)  }
0x1bd: {  	s21 =	sshra.s32 s14, $0x2;
	v7 =	vld [tilespmem:s13+$0xFFFFFE80];
	s14 =	sshll.u32 s15, $0x9;
	s15 =	spop (v2sf)  }
0x1be: {  	s22 =	sshra.s32 s14, $0x2;
	v8 =	vld [tilespmem:s13+$0xFFFFFF00];
	s14 =	sshll.u32 s15, $0x9;
	s15 =	spop (v2sf)  }
0x1bf: {  	s23 =	sshra.s32 s14, $0x2;
	v9 =	vld [tilespmem:s13+$0xFFFFFF80];
	s14 =	sshll.u32 s15, $0x9;
	s15 =	spop (v2sf)  }
0x1c0: {  	s24 =	sshra.s32 s14, $0x2;
	s14 =	sshll.u32 s15, $0x9;
	[tilespmem:s0+$0x2090] =	vst.add.f32.msk $0xffff, v1;
	s15 =	spop (v2sf)  }
0x1c1: {  	s25 =	sshra.s32 s14, $0x2;
	s14 =	sshll.u32 s15, $0x9;
	v1 =	vld [tilespmem:s13+$0x3A0];
	s15 =	spop (v2sf)  }
0x1c2: {  	v10 =	vld [tilespmem:s13+$0x0];
	s26 =	sshra.s32 s14, $0x2;
	s14 =	sshll.u32 s15, $0x9;
	s15 =	spop (v2sf)  }
0x1c3: {  	v11 =	vld [tilespmem:s13+$0x80];
	s28 =	sshra.s32 s14, $0x2;
	s14 =	sshll.u32 s15, $0x9;
	s15 =	spop (v2sf)  }
0x1c4: {  	v12 =	vld [tilespmem:s13+$0x100];
	s29 =	sshra.s32 s14, $0x2;
	s14 =	sshll.u32 s15, $0x9;
	s15 =	spop (v2sf)  }
0x1c5: {  	v13 =	vld [tilespmem:s13+$0x180];
	s30 =	sshra.s32 s14, $0x2;
	s14 =	sshll.u32 s15, $0x9;
	s15 =	spop (v2sf)  }
0x1c6: {  	s14 =	sshra.s32 s14, $0x2;
	s15 =	sshll.u32 s15, $0x9;
	[tilespmem:s0+$0x20A0] =	vst.add.f32.msk $0xffff, v1;
	s31 =	spop (v2sf)  }
0x1c7: {  	s31 =	sshll.u32 s31, $0x9;
	s15 =	sshra.s32 s15, $0x2;
	v1 =	vld [tilespmem:s13+$0x3B0]  }
0x1c8: {  	s31 =	sshra.s32 s31, $0x2;
	v14 =	vld [tilespmem:s13+$0x200]  }
0x1c9: {  	v15 =	vld [tilespmem:s13+$0x280]  }
0x1ca: {  	v16 =	vld [tilespmem:s13+$0x300]  }
0x1cb: {  	[tilespmem:s31+$0x2080] =	vst.add.f32.msk $0xffff, v2  }
0x1cc: {  	[tilespmem:s0+$0x20B0] =	vst.add.f32.msk $0xffff, v1  }
0x1cd: {  	v1 =	vld [tilespmem:s13+$0x3C0]  }
0x1ce: {  	[tilespmem:s18+$0x2080] =	vst.add.f32.msk $0xffff, v3  }
0x1cf: {  	[tilespmem:s19+$0x2080] =	vst.add.f32.msk $0xffff, v4  }
0x1d0: {  	[tilespmem:s20+$0x2080] =	vst.add.f32.msk $0xffff, v5  }
0x1d1: {  	[tilespmem:s21+$0x2080] =	vst.add.f32.msk $0xffff, v6  }
0x1d2: {  	[tilespmem:s0+$0x20C0] =	vst.add.f32.msk $0xffff, v1  }
0x1d3: {  	v1 =	vld [tilespmem:s13+$0x3D0]  }
0x1d4: {  	[tilespmem:s22+$0x2080] =	vst.add.f32.msk $0xffff, v7  }
0x1d5: {  	[tilespmem:s23+$0x2080] =	vst.add.f32.msk $0xffff, v8  }
0x1d6: {  	[tilespmem:s24+$0x2080] =	vst.add.f32.msk $0xffff, v9  }
0x1d7: {  	[tilespmem:s25+$0x2080] =	vst.add.f32.msk $0xffff, v10  }
0x1d8: {  	[tilespmem:s0+$0x20D0] =	vst.add.f32.msk $0xffff, v1  }
0x1d9: {  	v1 =	vld [tilespmem:s13+$0x3E0]  }
0x1da: {  	[tilespmem:s26+$0x2080] =	vst.add.f32.msk $0xffff, v11  }
0x1db: {  	[tilespmem:s28+$0x2080] =	vst.add.f32.msk $0xffff, v12  }
0x1dc: {  	[tilespmem:s29+$0x2080] =	vst.add.f32.msk $0xffff, v13  }
0x1dd: {  	[tilespmem:s30+$0x2080] =	vst.add.f32.msk $0xffff, v14  }
0x1de: {  	[tilespmem:s0+$0x20E0] =	vst.add.f32.msk $0xffff, v1  }
0x1df: {  	v1 =	vld [tilespmem:s13+$0x3F0]  }
0x1e0: {  	[tilespmem:s14+$0x2080] =	vst.add.f32.msk $0xffff, v15  }
0x1e1: {  	[tilespmem:s15+$0x2080] =	vst.add.f32.msk $0xffff, v16  }
0x1e2: {  	v2 =	vld [tilespmem:s13+$0xFFFFFC10]  }
0x1e3: {  	v3 =	vld [tilespmem:s13+$0xFFFFFC90]  }
0x1e4: {  	[tilespmem:s0+$0x20F0] =	vst.add.f32.msk $0xffff, v1  }
0x1e5: {  	v1 =	vld [tilespmem:s13+$0xFFFFFD10]  }
0x1e6: {  	v4 =	vld [tilespmem:s13+$0xFFFFFD90]  }
0x1e7: {  	v5 =	vld [tilespmem:s13+$0xFFFFFE10]  }
0x1e8: {  	v6 =	vld [tilespmem:s13+$0xFFFFFE90]  }
0x1e9: {  	v7 =	vld [tilespmem:s13+$0xFFFFFF10]  }
0x1ea: {  	v8 =	vld [tilespmem:s13+$0xFFFFFF90]  }
0x1eb: {  	v9 =	vld [tilespmem:s13+$0x10]  }
0x1ec: {  	v10 =	vld [tilespmem:s13+$0x90]  }
0x1ed: {  	v11 =	vld [tilespmem:s13+$0x110]  }
0x1ee: {  	v12 =	vld [tilespmem:s13+$0x190]  }
0x1ef: {  	v13 =	vld [tilespmem:s13+$0x210]  }
0x1f0: {  	v14 =	vld [tilespmem:s13+$0x290]  }
0x1f1: {  	v15 =	vld [tilespmem:s13+$0x310]  }
0x1f2: {  	[tilespmem:s31+$0x2090] =	vst.add.f32.msk $0xffff, v2  }
0x1f3: {  	[tilespmem:s18+$0x2090] =	vst.add.f32.msk $0xffff, v3  }
0x1f4: {  	[tilespmem:s19+$0x2090] =	vst.add.f32.msk $0xffff, v1  }
0x1f5: {  	[tilespmem:s20+$0x2090] =	vst.add.f32.msk $0xffff, v4  }
0x1f6: {  	[tilespmem:s21+$0x2090] =	vst.add.f32.msk $0xffff, v5  }
0x1f7: {  	[tilespmem:s22+$0x2090] =	vst.add.f32.msk $0xffff, v6  }
0x1f8: {  	[tilespmem:s23+$0x2090] =	vst.add.f32.msk $0xffff, v7  }
0x1f9: {  	[tilespmem:s24+$0x2090] =	vst.add.f32.msk $0xffff, v8  }
0x1fa: {  	[tilespmem:s25+$0x2090] =	vst.add.f32.msk $0xffff, v9  }
0x1fb: {  	[tilespmem:s26+$0x2090] =	vst.add.f32.msk $0xffff, v10  }
0x1fc: {  	[tilespmem:s28+$0x2090] =	vst.add.f32.msk $0xffff, v11  }
0x1fd: {  	[tilespmem:s29+$0x2090] =	vst.add.f32.msk $0xffff, v12  }
0x1fe: {  	[tilespmem:s30+$0x2090] =	vst.add.f32.msk $0xffff, v13  }
0x1ff: {  	[tilespmem:s14+$0x2090] =	vst.add.f32.msk $0xffff, v14  }
0x200: {  	[tilespmem:s15+$0x2090] =	vst.add.f32.msk $0xffff, v15  }
0x201: {  	v1 =	vld [tilespmem:s13+$0xFFFFFC20]  }
0x202: {  	v2 =	vld [tilespmem:s13+$0xFFFFFCA0]  }
0x203: {  	v3 =	vld [tilespmem:s13+$0xFFFFFD20]  }
0x204: {  	v4 =	vld [tilespmem:s13+$0xFFFFFDA0]  }
0x205: {  	v5 =	vld [tilespmem:s13+$0xFFFFFE20]  }
0x206: {  	v6 =	vld [tilespmem:s13+$0xFFFFFEA0]  }
0x207: {  	v7 =	vld [tilespmem:s13+$0xFFFFFF20]  }
0x208: {  	v8 =	vld [tilespmem:s13+$0xFFFFFFA0]  }
0x209: {  	v9 =	vld [tilespmem:s13+$0x20]  }
0x20a: {  	v10 =	vld [tilespmem:s13+$0xA0]  }
0x20b: {  	v11 =	vld [tilespmem:s13+$0x120]  }
0x20c: {  	v12 =	vld [tilespmem:s13+$0x1A0]  }
0x20d: {  	v13 =	vld [tilespmem:s13+$0x220]  }
0x20e: {  	v14 =	vld [tilespmem:s13+$0x2A0]  }
0x20f: {  	v15 =	vld [tilespmem:s13+$0x320]  }
0x210: {  	[tilespmem:s31+$0x20A0] =	vst.add.f32.msk $0xffff, v1  }
0x211: {  	[tilespmem:s18+$0x20A0] =	vst.add.f32.msk $0xffff, v2  }
0x212: {  	[tilespmem:s19+$0x20A0] =	vst.add.f32.msk $0xffff, v3  }
0x213: {  	[tilespmem:s20+$0x20A0] =	vst.add.f32.msk $0xffff, v4  }
0x214: {  	[tilespmem:s21+$0x20A0] =	vst.add.f32.msk $0xffff, v5  }
0x215: {  	[tilespmem:s22+$0x20A0] =	vst.add.f32.msk $0xffff, v6  }
0x216: {  	[tilespmem:s23+$0x20A0] =	vst.add.f32.msk $0xffff, v7  }
0x217: {  	[tilespmem:s24+$0x20A0] =	vst.add.f32.msk $0xffff, v8  }
0x218: {  	[tilespmem:s25+$0x20A0] =	vst.add.f32.msk $0xffff, v9  }
0x219: {  	[tilespmem:s26+$0x20A0] =	vst.add.f32.msk $0xffff, v10  }
0x21a: {  	[tilespmem:s28+$0x20A0] =	vst.add.f32.msk $0xffff, v11  }
0x21b: {  	[tilespmem:s29+$0x20A0] =	vst.add.f32.msk $0xffff, v12  }
0x21c: {  	[tilespmem:s30+$0x20A0] =	vst.add.f32.msk $0xffff, v13  }
0x21d: {  	[tilespmem:s14+$0x20A0] =	vst.add.f32.msk $0xffff, v14  }
0x21e: {  	[tilespmem:s15+$0x20A0] =	vst.add.f32.msk $0xffff, v15  }
0x21f: {  	v1 =	vld [tilespmem:s13+$0xFFFFFC30]  }
0x220: {  	v2 =	vld [tilespmem:s13+$0xFFFFFCB0]  }
0x221: {  	v3 =	vld [tilespmem:s13+$0xFFFFFD30]  }
0x222: {  	v4 =	vld [tilespmem:s13+$0xFFFFFDB0]  }
0x223: {  	v5 =	vld [tilespmem:s13+$0xFFFFFE30]  }
0x224: {  	v6 =	vld [tilespmem:s13+$0xFFFFFEB0]  }
0x225: {  	v7 =	vld [tilespmem:s13+$0xFFFFFF30]  }
0x226: {  	v8 =	vld [tilespmem:s13+$0xFFFFFFB0]  }
0x227: {  	v9 =	vld [tilespmem:s13+$0x30]  }
0x228: {  	v10 =	vld [tilespmem:s13+$0xB0]  }
0x229: {  	v11 =	vld [tilespmem:s13+$0x130]  }
0x22a: {  	v12 =	vld [tilespmem:s13+$0x1B0]  }
0x22b: {  	v13 =	vld [tilespmem:s13+$0x230]  }
0x22c: {  	v14 =	vld [tilespmem:s13+$0x2B0]  }
0x22d: {  	v15 =	vld [tilespmem:s13+$0x330]  }
0x22e: {  	[tilespmem:s31+$0x20B0] =	vst.add.f32.msk $0xffff, v1  }
0x22f: {  	[tilespmem:s18+$0x20B0] =	vst.add.f32.msk $0xffff, v2  }
0x230: {  	[tilespmem:s19+$0x20B0] =	vst.add.f32.msk $0xffff, v3  }
0x231: {  	[tilespmem:s20+$0x20B0] =	vst.add.f32.msk $0xffff, v4  }
0x232: {  	[tilespmem:s21+$0x20B0] =	vst.add.f32.msk $0xffff, v5  }
0x233: {  	[tilespmem:s22+$0x20B0] =	vst.add.f32.msk $0xffff, v6  }
0x234: {  	[tilespmem:s23+$0x20B0] =	vst.add.f32.msk $0xffff, v7  }
0x235: {  	[tilespmem:s24+$0x20B0] =	vst.add.f32.msk $0xffff, v8  }
0x236: {  	[tilespmem:s25+$0x20B0] =	vst.add.f32.msk $0xffff, v9  }
0x237: {  	[tilespmem:s26+$0x20B0] =	vst.add.f32.msk $0xffff, v10  }
0x238: {  	[tilespmem:s28+$0x20B0] =	vst.add.f32.msk $0xffff, v11  }
0x239: {  	[tilespmem:s29+$0x20B0] =	vst.add.f32.msk $0xffff, v12  }
0x23a: {  	[tilespmem:s30+$0x20B0] =	vst.add.f32.msk $0xffff, v13  }
0x23b: {  	[tilespmem:s14+$0x20B0] =	vst.add.f32.msk $0xffff, v14  }
0x23c: {  	[tilespmem:s15+$0x20B0] =	vst.add.f32.msk $0xffff, v15  }
0x23d: {  	v1 =	vld [tilespmem:s13+$0xFFFFFC40]  }
0x23e: {  	v2 =	vld [tilespmem:s13+$0xFFFFFCC0]  }
0x23f: {  	v3 =	vld [tilespmem:s13+$0xFFFFFD40]  }
0x240: {  	v4 =	vld [tilespmem:s13+$0xFFFFFDC0]  }
0x241: {  	v5 =	vld [tilespmem:s13+$0xFFFFFE40]  }
0x242: {  	v6 =	vld [tilespmem:s13+$0xFFFFFEC0]  }
0x243: {  	v7 =	vld [tilespmem:s13+$0xFFFFFF40]  }
0x244: {  	v8 =	vld [tilespmem:s13+$0xFFFFFFC0]  }
0x245: {  	v9 =	vld [tilespmem:s13+$0x40]  }
0x246: {  	v10 =	vld [tilespmem:s13+$0xC0]  }
0x247: {  	v11 =	vld [tilespmem:s13+$0x140]  }
0x248: {  	v12 =	vld [tilespmem:s13+$0x1C0]  }
0x249: {  	v13 =	vld [tilespmem:s13+$0x240]  }
0x24a: {  	v14 =	vld [tilespmem:s13+$0x2C0]  }
0x24b: {  	v15 =	vld [tilespmem:s13+$0x340]  }
0x24c: {  	[tilespmem:s31+$0x20C0] =	vst.add.f32.msk $0xffff, v1  }
0x24d: {  	[tilespmem:s18+$0x20C0] =	vst.add.f32.msk $0xffff, v2  }
0x24e: {  	[tilespmem:s19+$0x20C0] =	vst.add.f32.msk $0xffff, v3  }
0x24f: {  	[tilespmem:s20+$0x20C0] =	vst.add.f32.msk $0xffff, v4  }
0x250: {  	[tilespmem:s21+$0x20C0] =	vst.add.f32.msk $0xffff, v5  }
0x251: {  	[tilespmem:s22+$0x20C0] =	vst.add.f32.msk $0xffff, v6  }
0x252: {  	[tilespmem:s23+$0x20C0] =	vst.add.f32.msk $0xffff, v7  }
0x253: {  	[tilespmem:s24+$0x20C0] =	vst.add.f32.msk $0xffff, v8  }
0x254: {  	[tilespmem:s25+$0x20C0] =	vst.add.f32.msk $0xffff, v9  }
0x255: {  	[tilespmem:s26+$0x20C0] =	vst.add.f32.msk $0xffff, v10  }
0x256: {  	[tilespmem:s28+$0x20C0] =	vst.add.f32.msk $0xffff, v11  }
0x257: {  	[tilespmem:s29+$0x20C0] =	vst.add.f32.msk $0xffff, v12  }
0x258: {  	[tilespmem:s30+$0x20C0] =	vst.add.f32.msk $0xffff, v13  }
0x259: {  	[tilespmem:s14+$0x20C0] =	vst.add.f32.msk $0xffff, v14  }
0x25a: {  	[tilespmem:s15+$0x20C0] =	vst.add.f32.msk $0xffff, v15  }
0x25b: {  	v1 =	vld [tilespmem:s13+$0xFFFFFC50]  }
0x25c: {  	v2 =	vld [tilespmem:s13+$0xFFFFFCD0]  }
0x25d: {  	v3 =	vld [tilespmem:s13+$0xFFFFFD50]  }
0x25e: {  	v4 =	vld [tilespmem:s13+$0xFFFFFDD0]  }
0x25f: {  	v5 =	vld [tilespmem:s13+$0xFFFFFE50]  }
0x260: {  	v6 =	vld [tilespmem:s13+$0xFFFFFED0]  }
0x261: {  	v7 =	vld [tilespmem:s13+$0xFFFFFF50]  }
0x262: {  	v8 =	vld [tilespmem:s13+$0xFFFFFFD0]  }
0x263: {  	v9 =	vld [tilespmem:s13+$0x50]  }
0x264: {  	v10 =	vld [tilespmem:s13+$0xD0]  }
0x265: {  	v11 =	vld [tilespmem:s13+$0x150]  }
0x266: {  	v12 =	vld [tilespmem:s13+$0x1D0]  }
0x267: {  	v13 =	vld [tilespmem:s13+$0x250]  }
0x268: {  	v14 =	vld [tilespmem:s13+$0x2D0]  }
0x269: {  	v15 =	vld [tilespmem:s13+$0x350]  }
0x26a: {  	[tilespmem:s31+$0x20D0] =	vst.add.f32.msk $0xffff, v1  }
0x26b: {  	[tilespmem:s18+$0x20D0] =	vst.add.f32.msk $0xffff, v2  }
0x26c: {  	[tilespmem:s19+$0x20D0] =	vst.add.f32.msk $0xffff, v3  }
0x26d: {  	[tilespmem:s20+$0x20D0] =	vst.add.f32.msk $0xffff, v4  }
0x26e: {  	[tilespmem:s21+$0x20D0] =	vst.add.f32.msk $0xffff, v5  }
0x26f: {  	[tilespmem:s22+$0x20D0] =	vst.add.f32.msk $0xffff, v6  }
0x270: {  	[tilespmem:s23+$0x20D0] =	vst.add.f32.msk $0xffff, v7  }
0x271: {  	[tilespmem:s24+$0x20D0] =	vst.add.f32.msk $0xffff, v8  }
0x272: {  	[tilespmem:s25+$0x20D0] =	vst.add.f32.msk $0xffff, v9  }
0x273: {  	[tilespmem:s26+$0x20D0] =	vst.add.f32.msk $0xffff, v10  }
0x274: {  	[tilespmem:s28+$0x20D0] =	vst.add.f32.msk $0xffff, v11  }
0x275: {  	[tilespmem:s29+$0x20D0] =	vst.add.f32.msk $0xffff, v12  }
0x276: {  	[tilespmem:s30+$0x20D0] =	vst.add.f32.msk $0xffff, v13  }
0x277: {  	[tilespmem:s14+$0x20D0] =	vst.add.f32.msk $0xffff, v14  }
0x278: {  	[tilespmem:s15+$0x20D0] =	vst.add.f32.msk $0xffff, v15  }
0x279: {  	v1 =	vld [tilespmem:s13+$0xFFFFFC60]  }
0x27a: {  	v2 =	vld [tilespmem:s13+$0xFFFFFCE0]  }
0x27b: {  	v3 =	vld [tilespmem:s13+$0xFFFFFD60]  }
0x27c: {  	v4 =	vld [tilespmem:s13+$0xFFFFFDE0]  }
0x27d: {  	v5 =	vld [tilespmem:s13+$0xFFFFFE60]  }
0x27e: {  	v6 =	vld [tilespmem:s13+$0xFFFFFEE0]  }
0x27f: {  	v7 =	vld [tilespmem:s13+$0xFFFFFF60]  }
0x280: {  	v8 =	vld [tilespmem:s13+$0xFFFFFFE0]  }
0x281: {  	v9 =	vld [tilespmem:s13+$0x60]  }
0x282: {  	v10 =	vld [tilespmem:s13+$0xE0]  }
0x283: {  	v11 =	vld [tilespmem:s13+$0x160]  }
0x284: {  	v12 =	vld [tilespmem:s13+$0x1E0]  }
0x285: {  	v13 =	vld [tilespmem:s13+$0x260]  }
0x286: {  	v14 =	vld [tilespmem:s13+$0x2E0]  }
0x287: {  	v15 =	vld [tilespmem:s13+$0x360]  }
0x288: {  	[tilespmem:s31+$0x20E0] =	vst.add.f32.msk $0xffff, v1  }
0x289: {  	[tilespmem:s18+$0x20E0] =	vst.add.f32.msk $0xffff, v2  }
0x28a: {  	[tilespmem:s19+$0x20E0] =	vst.add.f32.msk $0xffff, v3  }
0x28b: {  	[tilespmem:s20+$0x20E0] =	vst.add.f32.msk $0xffff, v4  }
0x28c: {  	[tilespmem:s21+$0x20E0] =	vst.add.f32.msk $0xffff, v5  }
0x28d: {  	[tilespmem:s22+$0x20E0] =	vst.add.f32.msk $0xffff, v6  }
0x28e: {  	[tilespmem:s23+$0x20E0] =	vst.add.f32.msk $0xffff, v7  }
0x28f: {  	[tilespmem:s24+$0x20E0] =	vst.add.f32.msk $0xffff, v8  }
0x290: {  	[tilespmem:s25+$0x20E0] =	vst.add.f32.msk $0xffff, v9  }
0x291: {  	[tilespmem:s26+$0x20E0] =	vst.add.f32.msk $0xffff, v10  }
0x292: {  	[tilespmem:s28+$0x20E0] =	vst.add.f32.msk $0xffff, v11  }
0x293: {  	[tilespmem:s29+$0x20E0] =	vst.add.f32.msk $0xffff, v12  }
0x294: {  	[tilespmem:s30+$0x20E0] =	vst.add.f32.msk $0xffff, v13  }
0x295: {  	[tilespmem:s14+$0x20E0] =	vst.add.f32.msk $0xffff, v14  }
0x296: {  	[tilespmem:s15+$0x20E0] =	vst.add.f32.msk $0xffff, v15  }
0x297: {  	v3 =	vld [tilespmem:s13+$0xFFFFFC70]  }
0x298: {  	v4 =	vld [tilespmem:s13+$0xFFFFFCF0]  }
0x299: {  	v5 =	vld [tilespmem:s13+$0xFFFFFD70]  }
0x29a: {  	v6 =	vld [tilespmem:s13+$0xFFFFFDF0]  }
0x29b: {  	v7 =	vld [tilespmem:s13+$0xFFFFFE70]  }
0x29c: {  	v8 =	vld [tilespmem:s13+$0xFFFFFEF0]  }
0x29d: {  	v9 =	vld [tilespmem:s13+$0xFFFFFF70]  }
0x29e: {  	v10 =	vld [tilespmem:s13+$0xFFFFFFF0]  }
0x29f: {  	v11 =	vld [tilespmem:s13+$0x70]  }
0x2a0: {  	v12 =	vld [tilespmem:s13+$0xF0]  }
0x2a1: {  	v13 =	vld [tilespmem:s13+$0x170]  }
0x2a2: {  	v14 =	vld [tilespmem:s13+$0x1F0]  }
0x2a3: {  	v15 =	vld [tilespmem:s13+$0x270]  }
0x2a4: {  	v2 =	vld [tilespmem:s13+$0x2F0]  }
0x2a5: {  	v1 =	vld [tilespmem:s13+$0x370]  }
0x2a6: {  	[tilespmem:s31+$0x20F0] =	vst.add.f32.msk $0xffff, v3  }
0x2a7: {  	[tilespmem:s18+$0x20F0] =	vst.add.f32.msk $0xffff, v4  }
0x2a8: {  	[tilespmem:s19+$0x20F0] =	vst.add.f32.msk $0xffff, v5  }
0x2a9: {  	[tilespmem:s20+$0x20F0] =	vst.add.f32.msk $0xffff, v6  }
0x2aa: {  	[tilespmem:s21+$0x20F0] =	vst.add.f32.msk $0xffff, v7  }
0x2ab: {  	[tilespmem:s22+$0x20F0] =	vst.add.f32.msk $0xffff, v8  }
0x2ac: {  	[tilespmem:s23+$0x20F0] =	vst.add.f32.msk $0xffff, v9  }
0x2ad: {  	[tilespmem:s24+$0x20F0] =	vst.add.f32.msk $0xffff, v10  }
.Ltmp0:
0x2ae: {  	[tilespmem:s25+$0x20F0] =	vst.add.f32.msk $0xffff, v11;
	(pc) =	sbr.rel @p0 .LBB2_2-.Ltmp0, $4  }
0x2af: {  	[tilespmem:s26+$0x20F0] =	vst.add.f32.msk $0xffff, v12  }
0x2b0: {  	[tilespmem:s28+$0x20F0] =	vst.add.f32.msk $0xffff, v13  }
0x2b1: {  	[tilespmem:s29+$0x20F0] =	vst.add.f32.msk $0xffff, v14  }
0x2b2: {  	s17 =	sadd.s32 $0x10, s17;
	[tilespmem:s30+$0x20F0] =	vst.add.f32.msk $0xffff, v15  }
0x2b3: {  	s12 =	sadd.s32 $0x1, s12  }
0x2b4: {  	[tilespmem:s14+$0x20F0] =	vst.add.f32.msk $0xffff, v2;
	p0 =	sne.s32 s12, s6  }
.Ltmp1:
0x2b5: {  	[tilespmem:s15+$0x20F0] =	vst.add.f32.msk $0xffff, v1;
	(pc) =	sbr.rel @p0 .LBB2_1-.Ltmp1, $4  }
0x2b6: {  	[hbm4b:s5+s2] =	stream.linear.scatter [tilespmem:s10], [sflag:$0x3], $0x800, $0x38;
	[tilespmem:$0x2880] =	vst v63  }
0x2b7: {  	_ =	swait.ge [sflag:s11], $0x800  }
0x2b8: {  	[sflag:s11] =	ssyncset.done $0x0  }
0x2b9: {  	[sflag:s11] =	ssyncadd.s32 $0xFFFFF800  }
0x2ba: {  	_ =	sfence.sel $0x180000  }
0x2bb: {  	[bflag:$0x0] =	sbarrier.arrive $0xFFFF  }
0x2bc: {  	_ =	strace $0x90000047  }
0x2bd: {  	[bflag:$0x2] =	sbarrier.arrive $0xFFFF  }
0x2be: {  	p0 =	sne.s32 s1, $0x0;
	s0 =	rddreg [dreg:$0x3]  }
0x2bf: {  	s0 =	sadd.s32 @!p0 $0x100000, s0  }
0x2c0: {  	[sflag:s0] =	ssyncadd.tile.s32 @!p0 $0x1;
	_ =	shalt  }
.Lfunc_end2:
_tile_overlayer_lowered:
.L_overlay_start_2:
0x2c1: {  	(tag) =	ssettag $0x2  }
0x2c2: {  	s0 =	rddreg [dreg:$0x0];
	s2 =	stileid.u32  }
0x2c3: {  	s1 =	rddreg [dreg:$0x1];
	p0 =	sne.s32 s2, $0x0  }
0x2c4: {  	s3 =	rddreg [dreg:$0x2];
	[bflag:$0x3] =	sbarrier.arrive $0xFFFF;
	s2 =	simm.s32 @!p0 $0x1C03  }
0x2c5: {  	[timem:s3], [sflag:s2] =	dma.local @!p0 [hbm:s0], s1  }
0x2c6: {  	s0 =	simm.s32 @!p0 $0x3  }
0x2c7: {  	_ =	swait.ge @!p0 [sflag:s0], s1  }
0x2c8: {  	s1 =	ssub.s32 @!p0 $0x0, s1;
	[sflag:s0] =	ssyncset.done @!p0 $0x0  }
0x2c9: {  	[sflag:s0] =	ssyncadd.s32 @!p0 s1  }
0x2ca: {  	[bflag:$0x3] =	sbarrier.arrive $0xFFFF  }
0x2cb: {  	_ =	shalt  }

</sc_bundles>
